<compile_context>
chip_gen: v7x
topology: tpu7x:2x2x1
jax: 0.10.2.dev20260603
libtpu: 0.0.44.dev20260713+nightly
codegen_flags: <defaults>
</compile_context>

<pallas_src>
import functools

import jax
import jax.numpy as jnp
from jax import lax
from jax.experimental import pallas as pl
from jax.experimental.pallas import tpu as pltpu
from jax.experimental.pallas import tpu_sc as plsc

_B = 16384
_F = 32

_NC = 2
_NS = 16
_NW = _NC * _NS
_BPW = _B // _NW
_CH = 256
_NCHK = _BPW // _CH


def _sc_gather_body(u_e, i_e, u_idx, i_idx, j_idx,
                    out_u, out_i, out_j,
                    idxu, idxi, idxj, su, si, sj, sem):
    wid = lax.axis_index("s") * _NC + lax.axis_index("c")
    base = wid * _BPW
    pltpu.sync_copy(u_idx.at[pl.ds(base, _BPW)], idxu)
    pltpu.sync_copy(i_idx.at[pl.ds(base, _BPW)], idxi)
    pltpu.sync_copy(j_idx.at[pl.ds(base, _BPW)], idxj)

    for c in range(_NCHK):
        def issue(g, carry):
            off = c * _CH + g * 16
            vu = idxu[pl.ds(off, 16)]
            vi = idxi[pl.ds(off, 16)]
            vj = idxj[pl.ds(off, 16)]
            for k in range(16):
                r = g * 16 + k
                pltpu.async_copy(u_e.at[pl.ds(vu[k], 1), :],
                                 su.at[pl.ds(r, 1), :], sem)
                pltpu.async_copy(i_e.at[pl.ds(vi[k], 1), :],
                                 si.at[pl.ds(r, 1), :], sem)
                pltpu.async_copy(i_e.at[pl.ds(vj[k], 1), :],
                                 sj.at[pl.ds(r, 1), :], sem)
            return carry

        lax.fori_loop(0, _CH // 16, issue, 0)

        def drain(r, carry):
            for _ in range(3):
                pltpu.make_async_copy(
                    u_e.at[pl.ds(0, 1), :],
                    su.at[pl.ds(0, 1), :], sem).wait()
            return carry

        lax.fori_loop(0, _CH, drain, 0)
        pltpu.sync_copy(su, out_u.at[pl.ds(base + c * _CH, _CH)])
        pltpu.sync_copy(si, out_i.at[pl.ds(base + c * _CH, _CH)])
        pltpu.sync_copy(sj, out_j.at[pl.ds(base + c * _CH, _CH)])


@functools.cache
def _sc_gather():
    return pl.kernel(
        _sc_gather_body,
        mesh=plsc.VectorSubcoreMesh(
            core_axis_name="c", subcore_axis_name="s", num_cores=_NC),
        out_type=[jax.ShapeDtypeStruct((_B, _F), jnp.float32)] * 3,
        scratch_types=[
            pltpu.VMEM((_BPW,), jnp.int32),
            pltpu.VMEM((_BPW,), jnp.int32),
            pltpu.VMEM((_BPW,), jnp.int32),
            pltpu.VMEM((_CH, _F), jnp.float32),
            pltpu.VMEM((_CH, _F), jnp.float32),
            pltpu.VMEM((_CH, _F), jnp.float32),
            pltpu.SemaphoreType.DMA,
        ],
    )


_BLK = 2048


def _mlp_body(eu, ei, ej, w1u, w1i, b1, w2, b2, w3, b3, wf, bfr, oi, oj):
    hu = jnp.dot(eu[...], w1u[...], preferred_element_type=jnp.float32)

    def head(e_ref, o_ref):
        h = jax.nn.relu(hu + jnp.dot(e_ref[...], w1i[...],
                                     preferred_element_type=jnp.float32)
                        + b1[...])
        h = jax.nn.relu(jnp.dot(h, w2[...],
                                preferred_element_type=jnp.float32) + b2[...])
        h = jax.nn.relu(jnp.dot(h, w3[...],
                                preferred_element_type=jnp.float32) + b3[...])
        o_ref[...] = jnp.sum(h * wf[...], axis=1) + bfr[0, 0]

    head(ei, oi)
    head(ej, oj)


def kernel(user, item_i, item_j, context, uEmbd, iEmbd,
           W1, b1, W2, b2, W3, b3, Wf, bf):
    del context
    eu, ei, ej = _sc_gather()(uEmbd, iEmbd,
                              user.astype(jnp.int32),
                              item_i.astype(jnp.int32),
                              item_j.astype(jnp.int32))

    grid = (_B // _BLK,)
    row_spec = pl.BlockSpec((_BLK, _F), lambda i: (i, 0))
    full2 = lambda shp: pl.BlockSpec(shp, lambda i: (0, 0))
    out_spec = pl.BlockSpec((_BLK,), lambda i: (i,))
    pred_i, pred_j = pl.pallas_call(
        _mlp_body,
        grid=grid,
        in_specs=[row_spec, row_spec, row_spec,
                  full2((_F, 32)), full2((_F, 32)),
                  full2((1, 32)),
                  full2((32, 16)), full2((1, 16)),
                  full2((16, 8)), full2((1, 8)),
                  full2((1, 8)), full2((1, 1))],
        out_specs=[out_spec, out_spec],
        out_shape=[jax.ShapeDtypeStruct((_B,), jnp.float32)] * 2,
    )(eu, ei, ej, W1[:_F, :], W1[_F:, :], b1.reshape(1, 32),
      W2, b2.reshape(1, 16), W3, b3.reshape(1, 8),
      Wf.reshape(1, 8), bf.reshape(1, 1))
    return (pred_i, pred_j)

# --- scband reference (transcript-rebuilt; emitter-appended) ---
"""Pipeline reference for scband-pair-ncf-5411658793096 (READ-ONLY COPY).

The authoritative reference and input builder live on the scoring server;
editing this copy changes nothing except your own understanding.
"""

import jax, jax.numpy as jnp
import numpy as np

B = 16384
V = 1000000
F = 32

def setup_inputs(seed: int = 0) -> dict:
    key = jax.random.key(seed)
    ks = jax.random.split(key, 14)
    user = jax.random.randint(ks[0], (B,), 0, V)
    item_i = jax.random.randint(ks[1], (B,), 0, V)
    item_j = jax.random.randint(ks[2], (B,), 0, V)
    context = jax.random.randint(ks[3], (B,), 0, V)  # ignored when reindex=False
    uEmbd = jax.random.normal(ks[4], (V, F), dtype=jnp.float32) * 0.01
    iEmbd = jax.random.normal(ks[5], (V, F), dtype=jnp.float32) * 0.01
    W1 = jax.random.normal(ks[6], (64, 32), dtype=jnp.float32) * 0.05
    b1 = jnp.zeros((32,), dtype=jnp.float32)
    W2 = jax.random.normal(ks[7], (32, 16), dtype=jnp.float32) * 0.05
    b2 = jnp.zeros((16,), dtype=jnp.float32)
    W3 = jax.random.normal(ks[8], (16, 8), dtype=jnp.float32) * 0.05
    b3 = jnp.zeros((8,), dtype=jnp.float32)
    Wf = jax.random.normal(ks[9], (8, 1), dtype=jnp.float32) * 0.05
    bf = jnp.zeros((1,), dtype=jnp.float32)
    return {"user": user, "item_i": item_i, "item_j": item_j, "context": context,
            "uEmbd": uEmbd, "iEmbd": iEmbd,
            "W1": W1, "b1": b1, "W2": W2, "b2": b2, "W3": W3, "b3": b3,
            "Wf": Wf, "bf": bf}

def reference(user, item_i, item_j, context, uEmbd, iEmbd, W1, b1, W2, b2, W3, b3, Wf, bf):
    def _out(u, i):
        uembd = jnp.take(uEmbd, u, axis=0)
        iembd = jnp.take(iEmbd, i, axis=0)
        x = jnp.concatenate([uembd, iembd], axis=1)
        x = jax.nn.relu(x @ W1 + b1)
        x = jax.nn.relu(x @ W2 + b2)
        x = jax.nn.relu(x @ W3 + b3)
        pred = x @ Wf + bf
        return pred.reshape(-1)
    pred_i = _out(user, item_i)
    pred_j = _out(user, item_j)
    return (pred_i, pred_j)

if __name__ == "__main__":
    import jax
    _d = setup_inputs()
    print(jax.jit(kernel)(*tuple(_d.values())))

</pallas_src>

<mosaic_0001>
#map = affine_map<(d0, d1) -> (0, 0)>
#map1 = affine_map<(d0, d1) -> (0)>
module attributes {stable_mosaic.version = 14 : i64} {
  func.func @_sc_gather_body(%arg0: i32, %arg1: i32, %arg2: memref<1000000x32xf32, #tpu.memory_space<hbm>>, %arg3: memref<1000000x32xf32, #tpu.memory_space<hbm>>, %arg4: memref<16384xi32, #tpu.memory_space<hbm>>, %arg5: memref<16384xi32, #tpu.memory_space<hbm>>, %arg6: memref<16384xi32, #tpu.memory_space<hbm>>, %arg7: memref<16384x32xf32, #tpu.memory_space<hbm>>, %arg8: memref<16384x32xf32, #tpu.memory_space<hbm>>, %arg9: memref<16384x32xf32, #tpu.memory_space<hbm>>, %arg10: memref<512xi32, #tpu.memory_space<vmem>>, %arg11: memref<512xi32, #tpu.memory_space<vmem>>, %arg12: memref<512xi32, #tpu.memory_space<vmem>>, %arg13: memref<256x32xf32, #tpu.memory_space<vmem>>, %arg14: memref<256x32xf32, #tpu.memory_space<vmem>>, %arg15: memref<256x32xf32, #tpu.memory_space<vmem>>, %arg16: memref<!tpu.dma_semaphore, #tpu.memory_space<semaphore_mem>>) attributes {dimension_semantics = [#tpu.dimension_semantics<core_parallel>, #tpu.dimension_semantics<subcore_parallel>], iteration_bounds = array<i64: 2, 16>, scalar_prefetch = 0 : i64, scratch_operands = 7 : i64, tpu.core_type = #tpu.core_type<sc_vector_subcore>, window_params = [{transform_indices = #map}, {transform_indices = #map}, {transform_indices = #map1}, {transform_indices = #map1}, {transform_indices = #map1}, {transform_indices = #map}, {transform_indices = #map}, {transform_indices = #map}]} {
    %mul3A = arith.constant 2 : i32
    %mul3A_0 = arith.muli %arg1, %mul3A : i32
    %add3A = arith.addi %mul3A_0, %arg0 : i32
    %mul3A_1 = arith.constant 512 : i32
    %mul3A_2 = arith.muli %add3A, %mul3A_1 : i32
    "tpu.region"() ({
      %run_scoped3A = tpu.sem_alloc : memref<!tpu.dma_semaphore, #tpu.memory_space<semaphore_mem>>
      %dma_start3A = tpu.memref_slice %arg4[%mul3A_2] : memref<16384xi32, #tpu.memory_space<hbm>> -> memref<512xi32, #tpu.memory_space<hbm>>
      %dma_start3A_38 = tpu.memref_slice %arg4[%mul3A_2] : memref<16384xi32, #tpu.memory_space<hbm>> -> memref<512xi32, #tpu.memory_space<hbm>>
      tpu.enqueue_dma source(%dma_start3A_38 : memref<512xi32, #tpu.memory_space<hbm>>) target(%arg10 : memref<512xi32, #tpu.memory_space<vmem>>) target_semaphore(%run_scoped3A : memref<!tpu.dma_semaphore, #tpu.memory_space<semaphore_mem>>)
      %dma_wait3A = tpu.memref_slice %arg4[%mul3A_2] : memref<16384xi32, #tpu.memory_space<hbm>> -> memref<512xi32, #tpu.memory_space<hbm>>
      %dma_wait3A_39 = tpu.memref_slice %arg4[%mul3A_2] : memref<16384xi32, #tpu.memory_space<hbm>> -> memref<512xi32, #tpu.memory_space<hbm>>
      tpu.wait_dma2 semaphore(%run_scoped3A : memref<!tpu.dma_semaphore, #tpu.memory_space<semaphore_mem>>) src(%dma_wait3A_39 : memref<512xi32, #tpu.memory_space<hbm>>) dst(%arg10 : memref<512xi32, #tpu.memory_space<vmem>>)
      tpu.yield
    }) : () -> ()
    "tpu.region"() ({
      %run_scoped3A = tpu.sem_alloc : memref<!tpu.dma_semaphore, #tpu.memory_space<semaphore_mem>>
      %dma_start3A = tpu.memref_slice %arg5[%mul3A_2] : memref<16384xi32, #tpu.memory_space<hbm>> -> memref<512xi32, #tpu.memory_space<hbm>>
      %dma_start3A_38 = tpu.memref_slice %arg5[%mul3A_2] : memref<16384xi32, #tpu.memory_space<hbm>> -> memref<512xi32, #tpu.memory_space<hbm>>
      tpu.enqueue_dma source(%dma_start3A_38 : memref<512xi32, #tpu.memory_space<hbm>>) target(%arg11 : memref<512xi32, #tpu.memory_space<vmem>>) target_semaphore(%run_scoped3A : memref<!tpu.dma_semaphore, #tpu.memory_space<semaphore_mem>>)
      %dma_wait3A = tpu.memref_slice %arg5[%mul3A_2] : memref<16384xi32, #tpu.memory_space<hbm>> -> memref<512xi32, #tpu.memory_space<hbm>>
      %dma_wait3A_39 = tpu.memref_slice %arg5[%mul3A_2] : memref<16384xi32, #tpu.memory_space<hbm>> -> memref<512xi32, #tpu.memory_space<hbm>>
      tpu.wait_dma2 semaphore(%run_scoped3A : memref<!tpu.dma_semaphore, #tpu.memory_space<semaphore_mem>>) src(%dma_wait3A_39 : memref<512xi32, #tpu.memory_space<hbm>>) dst(%arg11 : memref<512xi32, #tpu.memory_space<vmem>>)
      tpu.yield
    }) : () -> ()
    "tpu.region"() ({
      %run_scoped3A = tpu.sem_alloc : memref<!tpu.dma_semaphore, #tpu.memory_space<semaphore_mem>>
      %dma_start3A = tpu.memref_slice %arg6[%mul3A_2] : memref<16384xi32, #tpu.memory_space<hbm>> -> memref<512xi32, #tpu.memory_space<hbm>>
      %dma_start3A_38 = tpu.memref_slice %arg6[%mul3A_2] : memref<16384xi32, #tpu.memory_space<hbm>> -> memref<512xi32, #tpu.memory_space<hbm>>
      tpu.enqueue_dma source(%dma_start3A_38 : memref<512xi32, #tpu.memory_space<hbm>>) target(%arg12 : memref<512xi32, #tpu.memory_space<vmem>>) target_semaphore(%run_scoped3A : memref<!tpu.dma_semaphore, #tpu.memory_space<semaphore_mem>>)
      %dma_wait3A = tpu.memref_slice %arg6[%mul3A_2] : memref<16384xi32, #tpu.memory_space<hbm>> -> memref<512xi32, #tpu.memory_space<hbm>>
      %dma_wait3A_39 = tpu.memref_slice %arg6[%mul3A_2] : memref<16384xi32, #tpu.memory_space<hbm>> -> memref<512xi32, #tpu.memory_space<hbm>>
      tpu.wait_dma2 semaphore(%run_scoped3A : memref<!tpu.dma_semaphore, #tpu.memory_space<semaphore_mem>>) src(%dma_wait3A_39 : memref<512xi32, #tpu.memory_space<hbm>>) dst(%arg12 : memref<512xi32, #tpu.memory_space<vmem>>)
      tpu.yield
    }) : () -> ()
    %scan3A = arith.constant 0 : i32
    %scan3A_3 = arith.constant 0 : i32
    %scan3A_4 = arith.constant 16 : i32
    %scan3A_5 = arith.addi %scan3A_3, %scan3A_4 : i32
    %scan3A_6 = arith.constant 1 : i32
    scf.for %scan3A_38 = %scan3A_3 to %scan3A_5 step %scan3A_6  : i32 {
      %mul3A_39 = arith.constant 16 : i32
      %mul3A_40 = arith.muli %scan3A_38, %mul3A_39 : i32
      %add3A_41 = arith.constant 0 : i32
      %add3A_42 = arith.addi %add3A_41, %mul3A_40 : i32
      %get3A = arith.index_cast %add3A_42 : i32 to index
      %get3A_43 = tpu.vector_load %arg10[%get3A] {strides = array<i32>} : memref<512xi32, #tpu.memory_space<vmem>>, vector<16xi32>,
      %get3A_44 = vector.shape_cast %get3A_43 : vector<16xi32> to vector<16xi32>
      %get3A_45 = arith.index_cast %add3A_42 : i32 to index
      %get3A_46 = tpu.vector_load %arg11[%get3A_45] {strides = array<i32>} : memref<512xi32, #tpu.memory_space<vmem>>, vector<16xi32>,
      %get3A_47 = vector.shape_cast %get3A_46 : vector<16xi32> to vector<16xi32>
      %get3A_48 = arith.index_cast %add3A_42 : i32 to index
      %get3A_49 = tpu.vector_load %arg12[%get3A_48] {strides = array<i32>} : memref<512xi32, #tpu.memory_space<vmem>>, vector<16xi32>,
      %get3A_50 = vector.shape_cast %get3A_49 : vector<16xi32> to vector<16xi32>
      %mul3A_51 = arith.constant 16 : i32
      %mul3A_52 = arith.muli %scan3A_38, %mul3A_51 : i32
      %add3A_53 = arith.constant 0 : i32
      %add3A_54 = arith.addi %mul3A_52, %add3A_53 : i32
      %slice3A = vector.extract_strided_slice %get3A_44 {offsets = [0], sizes = [1], strides = [1]} : vector<16xi32> to vector<1xi32>
      %squeeze3A = vector.extract %slice3A[0] : i32 from vector<1xi32>
      %dma_start3A = arith.constant 0 : i32
      %dma_start3A_55 = tpu.memref_slice %arg13[%add3A_54, %dma_start3A] : memref<256x32xf32, #tpu.memory_space<vmem>> -> memref<1x32xf32, #tpu.memory_space<vmem>>
      %dma_start3A_56 = arith.constant 0 : i32
      %dma_start3A_57 = tpu.memref_slice %arg2[%squeeze3A, %dma_start3A_56] : memref<1000000x32xf32, #tpu.memory_space<hbm>> -> memref<1x32xf32, #tpu.memory_space<hbm>>
      %dma_start3A_58 = arith.constant 0 : i32
      %dma_start3A_59 = tpu.memref_slice %arg13[%add3A_54, %dma_start3A_58] : memref<256x32xf32, #tpu.memory_space<vmem>> -> memref<1x32xf32, #tpu.memory_space<vmem>>
      %dma_start3A_60 = arith.constant 0 : i32
      %dma_start3A_61 = tpu.memref_slice %arg2[%squeeze3A, %dma_start3A_60] : memref<1000000x32xf32, #tpu.memory_space<hbm>> -> memref<1x32xf32, #tpu.memory_space<hbm>>
      tpu.enqueue_dma source(%dma_start3A_61 : memref<1x32xf32, #tpu.memory_space<hbm>>) target(%dma_start3A_59 : memref<1x32xf32, #tpu.memory_space<vmem>>) target_semaphore(%arg16 : memref<!tpu.dma_semaphore, #tpu.memory_space<semaphore_mem>>)
      %slice3A_62 = vector.extract_strided_slice %get3A_47 {offsets = [0], sizes = [1], strides = [1]} : vector<16xi32> to vector<1xi32>
      %squeeze3A_63 = vector.extract %slice3A_62[0] : i32 from vector<1xi32>
      %dma_start3A_64 = arith.constant 0 : i32
      %dma_start3A_65 = tpu.memref_slice %arg14[%add3A_54, %dma_start3A_64] : memref<256x32xf32, #tpu.memory_space<vmem>> -> memref<1x32xf32, #tpu.memory_space<vmem>>
      %dma_start3A_66 = arith.constant 0 : i32
      %dma_start3A_67 = tpu.memref_slice %arg3[%squeeze3A_63, %dma_start3A_66] : memref<1000000x32xf32, #tpu.memory_space<hbm>> -> memref<1x32xf32, #tpu.memory_space<hbm>>
      %dma_start3A_68 = arith.constant 0 : i32
      %dma_start3A_69 = tpu.memref_slice %arg14[%add3A_54, %dma_start3A_68] : memref<256x32xf32, #tpu.memory_space<vmem>> -> memref<1x32xf32, #tpu.memory_space<vmem>>
      %dma_start3A_70 = arith.constant 0 : i32
      %dma_start3A_71 = tpu.memref_slice %arg3[%squeeze3A_63, %dma_start3A_70] : memref<1000000x32xf32, #tpu.memory_space<hbm>> -> memref<1x32xf32, #tpu.memory_space<hbm>>
      tpu.enqueue_dma source(%dma_start3A_71 : memref<1x32xf32, #tpu.memory_space<hbm>>) target(%dma_start3A_69 : memref<1x32xf32, #tpu.memory_space<vmem>>) target_semaphore(%arg16 : memref<!tpu.dma_semaphore, #tpu.memory_space<semaphore_mem>>)
      %slice3A_72 = vector.extract_strided_slice %get3A_50 {offsets = [0], sizes = [1], strides = [1]} : vector<16xi32> to vector<1xi32>
      %squeeze3A_73 = vector.extract %slice3A_72[0] : i32 from vector<1xi32>
      %dma_start3A_74 = arith.constant 0 : i32
      %dma_start3A_75 = tpu.memref_slice %arg15[%add3A_54, %dma_start3A_74] : memref<256x32xf32, #tpu.memory_space<vmem>> -> memref<1x32xf32, #tpu.memory_space<vmem>>
      %dma_start3A_76 = arith.constant 0 : i32
      %dma_start3A_77 = tpu.memref_slice %arg3[%squeeze3A_73, %dma_start3A_76] : memref<1000000x32xf32, #tpu.memory_space<hbm>> -> memref<1x32xf32, #tpu.memory_space<hbm>>
      %dma_start3A_78 = arith.constant 0 : i32
      %dma_start3A_79 = tpu.memref_slice %arg15[%add3A_54, %dma_start3A_78] : memref<256x32xf32, #tpu.memory_space<vmem>> -> memref<1x32xf32, #tpu.memory_space<vmem>>
      %dma_start3A_80 = arith.constant 0 : i32
      %dma_start3A_81 = tpu.memref_slice %arg3[%squeeze3A_73, %dma_start3A_80] : memref<1000000x32xf32, #tpu.memory_space<hbm>> -> memref<1x32xf32, #tpu.memory_space<hbm>>
      tpu.enqueue_dma source(%dma_start3A_81 : memref<1x32xf32, #tpu.memory_space<hbm>>) target(%dma_start3A_79 : memref<1x32xf32, #tpu.memory_space<vmem>>) target_semaphore(%arg16 : memref<!tpu.dma_semaphore, #tpu.memory_space<semaphore_mem>>)
      %mul3A_82 = arith.constant 16 : i32
      %mul3A_83 = arith.muli %scan3A_38, %mul3A_82 : i32
      %add3A_84 = arith.constant 1 : i32
      %add3A_85 = arith.addi %mul3A_83, %add3A_84 : i32
      %slice3A_86 = vector.extract_strided_slice %get3A_44 {offsets = [1], sizes = [1], strides = [1]} : vector<16xi32> to vector<1xi32>
      %squeeze3A_87 = vector.extract %slice3A_86[0] : i32 from vector<1xi32>
      %dma_start3A_88 = arith.constant 0 : i32
      %dma_start3A_89 = tpu.memref_slice %arg13[%add3A_85, %dma_start3A_88] : memref<256x32xf32, #tpu.memory_space<vmem>> -> memref<1x32xf32, #tpu.memory_space<vmem>>
      %dma_start3A_90 = arith.constant 0 : i32
      %dma_start3A_91 = tpu.memref_slice %arg2[%squeeze3A_87, %dma_start3A_90] : memref<1000000x32xf32, #tpu.memory_space<hbm>> -> memref<1x32xf32, #tpu.memory_space<hbm>>
      %dma_start3A_92 = arith.constant 0 : i32
      %dma_start3A_93 = tpu.memref_slice %arg13[%add3A_85, %dma_start3A_92] : memref<256x32xf32, #tpu.memory_space<vmem>> -> memref<1x32xf32, #tpu.memory_space<vmem>>
      %dma_start3A_94 = arith.constant 0 : i32
      %dma_start3A_95 = tpu.memref_slice %arg2[%squeeze3A_87, %dma_start3A_94] : memref<1000000x32xf32, #tpu.memory_space<hbm>> -> memref<1x32xf32, #tpu.memory_space<hbm>>
      tpu.enqueue_dma source(%dma_start3A_95 : memref<1x32xf32, #tpu.memory_space<hbm>>) target(%dma_start3A_93 : memref<1x32xf32, #tpu.memory_space<vmem>>) target_semaphore(%arg16 : memref<!tpu.dma_semaphore, #tpu.memory_space<semaphore_mem>>)
      %slice3A_96 = vector.extract_strided_slice %get3A_47 {offsets = [1], sizes = [1], strides = [1]} : vector<16xi32> to vector<1xi32>
      %squeeze3A_97 = vector.extract %slice3A_96[0] : i32 from vector<1xi32>
      %dma_start3A_98 = arith.constant 0 : i32
      %dma_start3A_99 = tpu.memref_slice %arg14[%add3A_85, %dma_start3A_98] : memref<256x32xf32, #tpu.memory_space<vmem>> -> memref<1x32xf32, #tpu.memory_space<vmem>>
      %dma_start3A_100 = arith.constant 0 : i32
      %dma_start3A_101 = tpu.memref_slice %arg3[%squeeze3A_97, %dma_start3A_100] : memref<1000000x32xf32, #tpu.memory_space<hbm>> -> memref<1x32xf32, #tpu.memory_space<hbm>>
      %dma_start3A_102 = arith.constant 0 : i32
      %dma_start3A_103 = tpu.memref_slice %arg14[%add3A_85, %dma_start3A_102] : memref<256x32xf32, #tpu.memory_space<vmem>> -> memref<1x32xf32, #tpu.memory_space<vmem>>
      %dma_start3A_104 = arith.constant 0 : i32
      %dma_start3A_105 = tpu.memref_slice %arg3[%squeeze3A_97, %dma_start3A_104] : memref<1000000x32xf32, #tpu.memory_space<hbm>> -> memref<1x32xf32, #tpu.memory_space<hbm>>
      tpu.enqueue_dma source(%dma_start3A_105 : memref<1x32xf32, #tpu.memory_space<hbm>>) target(%dma_start3A_103 : memref<1x32xf32, #tpu.memory_space<vmem>>) target_semaphore(%arg16 : memref<!tpu.dma_semaphore, #tpu.memory_space<semaphore_mem>>)
      %slice3A_106 = vector.extract_strided_slice %get3A_50 {offsets = [1], sizes = [1], strides = [1]} : vector<16xi32> to vector<1xi32>
      %squeeze3A_107 = vector.extract %slice3A_106[0] : i32 from vector<1xi32>
      %dma_start3A_108 = arith.constant 0 : i32
      %dma_start3A_109 = tpu.memref_slice %arg15[%add3A_85, %dma_start3A_108] : memref<256x32xf32, #tpu.memory_space<vmem>> -> memref<1x32xf32, #tpu.memory_space<vmem>>
      %dma_start3A_110 = arith.constant 0 : i32
      %dma_start3A_111 = tpu.memref_slice %arg3[%squeeze3A_107, %dma_start3A_110] : memref<1000000x32xf32, #tpu.memory_space<hbm>> -> memref<1x32xf32, #tpu.memory_space<hbm>>
      %dma_start3A_112 = arith.constant 0 : i32
      %dma_start3A_113 = tpu.memref_slice %arg15[%add3A_85, %dma_start3A_112] : memref<256x32xf32, #tpu.memory_space<vmem>> -> memref<1x32xf32, #tpu.memory_space<vmem>>
      %dma_start3A_114 = arith.constant 0 : i32
      %dma_start3A_115 = tpu.memref_slice %arg3[%squeeze3A_107, %dma_start3A_114] : memref<1000000x32xf32, #tpu.memory_space<hbm>> -> memref<1x32xf32, #tpu.memory_space<hbm>>
      tpu.enqueue_dma source(%dma_start3A_115 : memref<1x32xf32, #tpu.memory_space<hbm>>) target(%dma_start3A_113 : memref<1x32xf32, #tpu.memory_space<vmem>>) target_semaphore(%arg16 : memref<!tpu.dma_semaphore, #tpu.memory_space<semaphore_mem>>)
      %mul3A_116 = arith.constant 16 : i32
      %mul3A_117 = arith.muli %scan3A_38, %mul3A_116 : i32
      %add3A_118 = arith.constant 2 : i32
      %add3A_119 = arith.addi %mul3A_117, %add3A_118 : i32
      %slice3A_120 = vector.extract_strided_slice %get3A_44 {offsets = [2], sizes = [1], strides = [1]} : vector<16xi32> to vector<1xi32>
      %squeeze3A_121 = vector.extract %slice3A_120[0] : i32 from vector<1xi32>
      %dma_start3A_122 = arith.constant 0 : i32
      %dma_start3A_123 = tpu.memref_slice %arg13[%add3A_119, %dma_start3A_122] : memref<256x32xf32, #tpu.memory_space<vmem>> -> memref<1x32xf32, #tpu.memory_space<vmem>>
      %dma_start3A_124 = arith.constant 0 : i32
      %dma_start3A_125 = tpu.memref_slice %arg2[%squeeze3A_121, %dma_start3A_124] : memref<1000000x32xf32, #tpu.memory_space<hbm>> -> memref<1x32xf32, #tpu.memory_space<hbm>>
      %dma_start3A_126 = arith.constant 0 : i32
      %dma_start3A_127 = tpu.memref_slice %arg13[%add3A_119, %dma_start3A_126] : memref<256x32xf32, #tpu.memory_space<vmem>> -> memref<1x32xf32, #tpu.memory_space<vmem>>
      %dma_start3A_128 = arith.constant 0 : i32
      %dma_start3A_129 = tpu.memref_slice %arg2[%squeeze3A_121, %dma_start3A_128] : memref<1000000x32xf32, #tpu.memory_space<hbm>> -> memref<1x32xf32, #tpu.memory_space<hbm>>
      tpu.enqueue_dma source(%dma_start3A_129 : memref<1x32xf32, #tpu.memory_space<hbm>>) target(%dma_start3A_127 : memref<1x32xf32, #tpu.memory_space<vmem>>) target_semaphore(%arg16 : memref<!tpu.dma_semaphore, #tpu.memory_space<semaphore_mem>>)
      %slice3A_130 = vector.extract_strided_slice %get3A_47 {offsets = [2], sizes = [1], strides = [1]} : vector<16xi32> to vector<1xi32>
      %squeeze3A_131 = vector.extract %slice3A_130[0] : i32 from vector<1xi32>
      %dma_start3A_132 = arith.constant 0 : i32
      %dma_start3A_133 = tpu.memref_slice %arg14[%add3A_119, %dma_start3A_132] : memref<256x32xf32, #tpu.memory_space<vmem>> -> memref<1x32xf32, #tpu.memory_space<vmem>>
      %dma_start3A_134 = arith.constant 0 : i32
      %dma_start3A_135 = tpu.memref_slice %arg3[%squeeze3A_131, %dma_start3A_134] : memref<1000000x32xf32, #tpu.memory_space<hbm>> -> memref<1x32xf32, #tpu.memory_space<hbm>>
      %dma_start3A_136 = arith.constant 0 : i32
      %dma_start3A_137 = tpu.memref_slice %arg14[%add3A_119, %dma_start3A_136] : memref<256x32xf32, #tpu.memory_space<vmem>> -> memref<1x32xf32, #tpu.memory_space<vmem>>
      %dma_start3A_138 = arith.constant 0 : i32
      %dma_start3A_139 = tpu.memref_slice %arg3[%squeeze3A_131, %dma_start3A_138] : memref<1000000x32xf32, #tpu.memory_space<hbm>> -> memref<1x32xf32, #tpu.memory_space<hbm>>
      tpu.enqueue_dma source(%dma_start3A_139 : memref<1x32xf32, #tpu.memory_space<hbm>>) target(%dma_start3A_137 : memref<1x32xf32, #tpu.memory_space<vmem>>) target_semaphore(%arg16 : memref<!tpu.dma_semaphore, #tpu.memory_space<semaphore_mem>>)
      %slice3A_140 = vector.extract_strided_slice %get3A_50 {offsets = [2], sizes = [1], strides = [1]} : vector<16xi32> to vector<1xi32>
      %squeeze3A_141 = vector.extract %slice3A_140[0] : i32 from vector<1xi32>
      %dma_start3A_142 = arith.constant 0 : i32
      %dma_start3A_143 = tpu.memref_slice %arg15[%add3A_119, %dma_start3A_142] : memref<256x32xf32, #tpu.memory_space<vmem>> -> memref<1x32xf32, #tpu.memory_space<vmem>>
      %dma_start3A_144 = arith.constant 0 : i32
      %dma_start3A_145 = tpu.memref_slice %arg3[%squeeze3A_141, %dma_start3A_144] : memref<1000000x32xf32, #tpu.memory_space<hbm>> -> memref<1x32xf32, #tpu.memory_space<hbm>>
      %dma_start3A_146 = arith.constant 0 : i32
      %dma_start3A_147 = tpu.memref_slice %arg15[%add3A_119, %dma_start3A_146] : memref<256x32xf32, #tpu.memory_space<vmem>> -> memref<1x32xf32, #tpu.memory_space<vmem>>
      %dma_start3A_148 = arith.constant 0 : i32
      %dma_start3A_149 = tpu.memref_slice %arg3[%squeeze3A_141, %dma_start3A_148] : memref<1000000x32xf32, #tpu.memory_space<hbm>> -> memref<1x32xf32, #tpu.memory_space<hbm>>
      tpu.enqueue_dma source(%dma_start3A_149 : memref<1x32xf32, #tpu.memory_space<hbm>>) target(%dma_start3A_147 : memref<1x32xf32, #tpu.memory_space<vmem>>) target_semaphore(%arg16 : memref<!tpu.dma_semaphore, #tpu.memory_space<semaphore_mem>>)
      %mul3A_150 = arith.constant 16 : i32
      %mul3A_151 = arith.muli %scan3A_38, %mul3A_150 : i32
      %add3A_152 = arith.constant 3 : i32
      %add3A_153 = arith.addi %mul3A_151, %add3A_152 : i32
      %slice3A_154 = vector.extract_strided_slice %get3A_44 {offsets = [3], sizes = [1], strides = [1]} : vector<16xi32> to vector<1xi32>
      %squeeze3A_155 = vector.extract %slice3A_154[0] : i32 from vector<1xi32>
      %dma_start3A_156 = arith.constant 0 : i32
      %dma_start3A_157 = tpu.memref_slice %arg13[%add3A_153, %dma_start3A_156] : memref<256x32xf32, #tpu.memory_space<vmem>> -> memref<1x32xf32, #tpu.memory_space<vmem>>
      %dma_start3A_158 = arith.constant 0 : i32
      %dma_start3A_159 = tpu.memref_slice %arg2[%squeeze3A_155, %dma_start3A_158] : memref<1000000x32xf32, #tpu.memory_space<hbm>> -> memref<1x32xf32, #tpu.memory_space<hbm>>
      %dma_start3A_160 = arith.constant 0 : i32
      %dma_start3A_161 = tpu.memref_slice %arg13[%add3A_153, %dma_start3A_160] : memref<256x32xf32, #tpu.memory_space<vmem>> -> memref<1x32xf32, #tpu.memory_space<vmem>>
      %dma_start3A_162 = arith.constant 0 : i32
      %dma_start3A_163 = tpu.memref_slice %arg2[%squeeze3A_155, %dma_start3A_162] : memref<1000000x32xf32, #tpu.memory_space<hbm>> -> memref<1x32xf32, #tpu.memory_space<hbm>>
      tpu.enqueue_dma source(%dma_start3A_163 : memref<1x32xf32, #tpu.memory_space<hbm>>) target(%dma_start3A_161 : memref<1x32xf32, #tpu.memory_space<vmem>>) target_semaphore(%arg16 : memref<!tpu.dma_semaphore, #tpu.memory_space<semaphore_mem>>)
      %slice3A_164 = vector.extract_strided_slice %get3A_47 {offsets = [3], sizes = [1], strides = [1]} : vector<16xi32> to vector<1xi32>
      %squeeze3A_165 = vector.extract %slice3A_164[0] : i32 from vector<1xi32>
      %dma_start3A_166 = arith.constant 0 : i32
      %dma_start3A_167 = tpu.memref_slice %arg14[%add3A_153, %dma_start3A_166] : memref<256x32xf32, #tpu.memory_space<vmem>> -> memref<1x32xf32, #tpu.memory_space<vmem>>
      %dma_start3A_168 = arith.constant 0 : i32
      %dma_start3A_169 = tpu.memref_slice %arg3[%squeeze3A_165, %dma_start3A_168] : memref<1000000x32xf32, #tpu.memory_space<hbm>> -> memref<1x32xf32, #tpu.memory_space<hbm>>
      %dma_start3A_170 = arith.constant 0 : i32
      %dma_start3A_171 = tpu.memref_slice %arg14[%add3A_153, %dma_start3A_170] : memref<256x32xf32, #tpu.memory_space<vmem>> -> memref<1x32xf32, #tpu.memory_space<vmem>>
      %dma_start3A_172 = arith.constant 0 : i32
      %dma_start3A_173 = tpu.memref_slice %arg3[%squeeze3A_165, %dma_start3A_172] : memref<1000000x32xf32, #tpu.memory_space<hbm>> -> memref<1x32xf32, #tpu.memory_space<hbm>>
      tpu.enqueue_dma source(%dma_start3A_173 : memref<1x32xf32, #tpu.memory_space<hbm>>) target(%dma_start3A_171 : memref<1x32xf32, #tpu.memory_space<vmem>>) target_semaphore(%arg16 : memref<!tpu.dma_semaphore, #tpu.memory_space<semaphore_mem>>)
      %slice3A_174 = vector.extract_strided_slice %get3A_50 {offsets = [3], sizes = [1], strides = [1]} : vector<16xi32> to vector<1xi32>
      %squeeze3A_175 = vector.extract %slice3A_174[0] : i32 from vector<1xi32>
      %dma_start3A_176 = arith.constant 0 : i32
      %dma_start3A_177 = tpu.memref_slice %arg15[%add3A_153, %dma_start3A_176] : memref<256x32xf32, #tpu.memory_space<vmem>> -> memref<1x32xf32, #tpu.memory_space<vmem>>
      %dma_start3A_178 = arith.constant 0 : i32
      %dma_start3A_179 = tpu.memref_slice %arg3[%squeeze3A_175, %dma_start3A_178] : memref<1000000x32xf32, #tpu.memory_space<hbm>> -> memref<1x32xf32, #tpu.memory_space<hbm>>
      %dma_start3A_180 = arith.constant 0 : i32
      %dma_start3A_181 = tpu.memref_slice %arg15[%add3A_153, %dma_start3A_180] : memref<256x32xf32, #tpu.memory_space<vmem>> -> memref<1x32xf32, #tpu.memory_space<vmem>>
      %dma_start3A_182 = arith.constant 0 : i32
      %dma_start3A_183 = tpu.memref_slice %arg3[%squeeze3A_175, %dma_start3A_182] : memref<1000000x32xf32, #tpu.memory_space<hbm>> -> memref<1x32xf32, #tpu.memory_space<hbm>>
      tpu.enqueue_dma source(%dma_start3A_183 : memref<1x32xf32, #tpu.memory_space<hbm>>) target(%dma_start3A_181 : memref<1x32xf32, #tpu.memory_space<vmem>>) target_semaphore(%arg16 : memref<!tpu.dma_semaphore, #tpu.memory_space<semaphore_mem>>)
      %mul3A_184 = arith.constant 16 : i32
      %mul3A_185 = arith.muli %scan3A_38, %mul3A_184 : i32
      %add3A_186 = arith.constant 4 : i32
      %add3A_187 = arith.addi %mul3A_185, %add3A_186 : i32
      %slice3A_188 = vector.extract_strided_slice %get3A_44 {offsets = [4], sizes = [1], strides = [1]} : vector<16xi32> to vector<1xi32>
      %squeeze3A_189 = vector.extract %slice3A_188[0] : i32 from vector<1xi32>
      %dma_start3A_190 = arith.constant 0 : i32
      %dma_start3A_191 = tpu.memref_slice %arg13[%add3A_187, %dma_start3A_190] : memref<256x32xf32, #tpu.memory_space<vmem>> -> memref<1x32xf32, #tpu.memory_space<vmem>>
      %dma_start3A_192 = arith.constant 0 : i32
      %dma_start3A_193 = tpu.memref_slice %arg2[%squeeze3A_189, %dma_start3A_192] : memref<1000000x32xf32, #tpu.memory_space<hbm>> -> memref<1x32xf32, #tpu.memory_space<hbm>>
      %dma_start3A_194 = arith.constant 0 : i32
      %dma_start3A_195 = tpu.memref_slice %arg13[%add3A_187, %dma_start3A_194] : memref<256x32xf32, #tpu.memory_space<vmem>> -> memref<1x32xf32, #tpu.memory_space<vmem>>
      %dma_start3A_196 = arith.constant 0 : i32
      %dma_start3A_197 = tpu.memref_slice %arg2[%squeeze3A_189, %dma_start3A_196] : memref<1000000x32xf32, #tpu.memory_space<hbm>> -> memref<1x32xf32, #tpu.memory_space<hbm>>
      tpu.enqueue_dma source(%dma_start3A_197 : memref<1x32xf32, #tpu.memory_space<hbm>>) target(%dma_start3A_195 : memref<1x32xf32, #tpu.memory_space<vmem>>) target_semaphore(%arg16 : memref<!tpu.dma_semaphore, #tpu.memory_space<semaphore_mem>>)
      %slice3A_198 = vector.extract_strided_slice %get3A_47 {offsets = [4], sizes = [1], strides = [1]} : vector<16xi32> to vector<1xi32>
      %squeeze3A_199 = vector.extract %slice3A_198[0] : i32 from vector<1xi32>
      %dma_start3A_200 = arith.constant 0 : i32
      %dma_start3A_201 = tpu.memref_slice %arg14[%add3A_187, %dma_start3A_200] : memref<256x32xf32, #tpu.memory_space<vmem>> -> memref<1x32xf32, #tpu.memory_space<vmem>>
      %dma_start3A_202 = arith.constant 0 : i32
      %dma_start3A_203 = tpu.memref_slice %arg3[%squeeze3A_199, %dma_start3A_202] : memref<1000000x32xf32, #tpu.memory_space<hbm>> -> memref<1x32xf32, #tpu.memory_space<hbm>>
      %dma_start3A_204 = arith.constant 0 : i32
      %dma_start3A_205 = tpu.memref_slice %arg14[%add3A_187, %dma_start3A_204] : memref<256x32xf32, #tpu.memory_space<vmem>> -> memref<1x32xf32, #tpu.memory_space<vmem>>
      %dma_start3A_206 = arith.constant 0 : i32
      %dma_start3A_207 = tpu.memref_slice %arg3[%squeeze3A_199, %dma_start3A_206] : memref<1000000x32xf32, #tpu.memory_space<hbm>> -> memref<1x32xf32, #tpu.memory_space<hbm>>
      tpu.enqueue_dma source(%dma_start3A_207 : memref<1x32xf32, #tpu.memory_space<hbm>>) target(%dma_start3A_205 : memref<1x32xf32, #tpu.memory_space<vmem>>) target_semaphore(%arg16 : memref<!tpu.dma_semaphore, #tpu.memory_space<semaphore_mem>>)
      %slice3A_208 = vector.extract_strided_slice %get3A_50 {offsets = [4], sizes = [1], strides = [1]} : vector<16xi32> to vector<1xi32>
      %squeeze3A_209 = vector.extract %slice3A_208[0] : i32 from vector<1xi32>
      %dma_start3A_210 = arith.constant 0 : i32
      %dma_start3A_211 = tpu.memref_slice %arg15[%add3A_187, %dma_start3A_210] : memref<256x32xf32, #tpu.memory_space<vmem>> -> memref<1x32xf32, #tpu.memory_space<vmem>>
      %dma_start3A_212 = arith.constant 0 : i32
      %dma_start3A_213 = tpu.memref_slice %arg3[%squeeze3A_209, %dma_start3A_212] : memref<1000000x32xf32, #tpu.memory_space<hbm>> -> memref<1x32xf32, #tpu.memory_space<hbm>>
      %dma_start3A_214 = arith.constant 0 : i32
      %dma_start3A_215 = tpu.memref_slice %arg15[%add3A_187, %dma_start3A_214] : memref<256x32xf32, #tpu.memory_space<vmem>> -> memref<1x32xf32, #tpu.memory_space<vmem>>
      %dma_start3A_216 = arith.constant 0 : i32
      %dma_start3A_217 = tpu.memref_slice %arg3[%squeeze3A_209, %dma_start3A_216] : memref<1000000x32xf32, #tpu.memory_space<hbm>> -> memref<1x32xf32, #tpu.memory_space<hbm>>
      tpu.enqueue_dma source(%dma_start3A_217 : memref<1x32xf32, #tpu.memory_space<hbm>>) target(%dma_start3A_215 : memref<1x32xf32, #tpu.memory_space<vmem>>) target_semaphore(%arg16 : memref<!tpu.dma_semaphore, #tpu.memory_space<semaphore_mem>>)
      %mul3A_218 = arith.constant 16 : i32
      %mul3A_219 = arith.muli %scan3A_38, %mul3A_218 : i32
      %add3A_220 = arith.constant 5 : i32
      %add3A_221 = arith.addi %mul3A_219, %add3A_220 : i32
      %slice3A_222 = vector.extract_strided_slice %get3A_44 {offsets = [5], sizes = [1], strides = [1]} : vector<16xi32> to vector<1xi32>
      %squeeze3A_223 = vector.extract %slice3A_222[0] : i32 from vector<1xi32>
      %dma_start3A_224 = arith.constant 0 : i32
      %dma_start3A_225 = tpu.memref_slice %arg13[%add3A_221, %dma_start3A_224] : memref<256x32xf32, #tpu.memory_space<vmem>> -> memref<1x32xf32, #tpu.memory_space<vmem>>
      %dma_start3A_226 = arith.constant 0 : i32
      %dma_start3A_227 = tpu.memref_slice %arg2[%squeeze3A_223, %dma_start3A_226] : memref<1000000x32xf32, #tpu.memory_space<hbm>> -> memref<1x32xf32, #tpu.memory_space<hbm>>
      %dma_start3A_228 = arith.constant 0 : i32
      %dma_start3A_229 = tpu.memref_slice %arg13[%add3A_221, %dma_start3A_228] : memref<256x32xf32, #tpu.memory_space<vmem>> -> memref<1x32xf32, #tpu.memory_space<vmem>>
      %dma_start3A_230 = arith.constant 0 : i32
      %dma_start3A_231 = tpu.memref_slice %arg2[%squeeze3A_223, %dma_start3A_230] : memref<1000000x32xf32, #tpu.memory_space<hbm>> -> memref<1x32xf32, #tpu.memory_space<hbm>>
      tpu.enqueue_dma source(%dma_start3A_231 : memref<1x32xf32, #tpu.memory_space<hbm>>) target(%dma_start3A_229 : memref<1x32xf32, #tpu.memory_space<vmem>>) target_semaphore(%arg16 : memref<!tpu.dma_semaphore, #tpu.memory_space<semaphore_mem>>)
      %slice3A_232 = vector.extract_strided_slice %get3A_47 {offsets = [5], sizes = [1], strides = [1]} : vector<16xi32> to vector<1xi32>
      %squeeze3A_233 = vector.extract %slice3A_232[0] : i32 from vector<1xi32>
      %dma_start3A_234 = arith.constant 0 : i32
      %dma_start3A_235 = tpu.memref_slice %arg14[%add3A_221, %dma_start3A_234] : memref<256x32xf32, #tpu.memory_space<vmem>> -> memref<1x32xf32, #tpu.memory_space<vmem>>
      %dma_start3A_236 = arith.constant 0 : i32
      %dma_start3A_237 = tpu.memref_slice %arg3[%squeeze3A_233, %dma_start3A_236] : memref<1000000x32xf32, #tpu.memory_space<hbm>> -> memref<1x32xf32, #tpu.memory_space<hbm>>
      %dma_start3A_238 = arith.constant 0 : i32
      %dma_start3A_239 = tpu.memref_slice %arg14[%add3A_221, %dma_start3A_238] : memref<256x32xf32, #tpu.memory_space<vmem>> -> memref<1x32xf32, #tpu.memory_space<vmem>>
      %dma_start3A_240 = arith.constant 0 : i32
      %dma_start3A_241 = tpu.memref_slice %arg3[%squeeze3A_233, %dma_start3A_240] : memref<1000000x32xf32, #tpu.memory_space<hbm>> -> memref<1x32xf32, #tpu.memory_space<hbm>>
      tpu.enqueue_dma source(%dma_start3A_241 : memref<1x32xf32, #tpu.memory_space<hbm>>) target(%dma_start3A_239 : memref<1x32xf32, #tpu.memory_space<vmem>>) target_semaphore(%arg16 : memref<!tpu.dma_semaphore, #tpu.memory_space<semaphore_mem>>)
      %slice3A_242 = vector.extract_strided_slice %get3A_50 {offsets = [5], sizes = [1], strides = [1]} : vector<16xi32> to vector<1xi32>
      %squeeze3A_243 = vector.extract %slice3A_242[0] : i32 from vector<1xi32>
      %dma_start3A_244 = arith.constant 0 : i32
      %dma_start3A_245 = tpu.memref_slice %arg15[%add3A_221, %dma_start3A_244] : memref<256x32xf32, #tpu.memory_space<vmem>> -> memref<1x32xf32, #tpu.memory_space<vmem>>
      %dma_start3A_246 = arith.constant 0 : i32
      %dma_start3A_247 = tpu.memref_slice %arg3[%squeeze3A_243, %dma_start3A_246] : memref<1000000x32xf32, #tpu.memory_space<hbm>> -> memref<1x32xf32, #tpu.memory_space<hbm>>
      %dma_start3A_248 = arith.constant 0 : i32
      %dma_start3A_249 = tpu.memref_slice %arg15[%add3A_221, %dma_start3A_248] : memref<256x32xf32, #tpu.memory_space<vmem>> -> memref<1x32xf32, #tpu.memory_space<vmem>>
      %dma_start3A_250 = arith.constant 0 : i32
      %dma_start3A_251 = tpu.memref_slice %arg3[%squeeze3A_243, %dma_start3A_250] : memref<1000000x32xf32, #tpu.memory_space<hbm>> -> memref<1x32xf32, #tpu.memory_space<hbm>>
      tpu.enqueue_dma source(%dma_start3A_251 : memref<1x32xf32, #tpu.memory_space<hbm>>) target(%dma_start3A_249 : memref<1x32xf32, #tpu.memory_space<vmem>>) target_semaphore(%arg16 : memref<!tpu.dma_semaphore, #tpu.memory_space<semaphore_mem>>)
      %mul3A_252 = arith.constant 16 : i32
      %mul3A_253 = arith.muli %scan3A_38, %mul3A_252 : i32
      %add3A_254 = arith.constant 6 : i32
      %add3A_255 = arith.addi %mul3A_253, %add3A_254 : i32
      %slice3A_256 = vector.extract_strided_slice %get3A_44 {offsets = [6], sizes = [1], strides = [1]} : vector<16xi32> to vector<1xi32>
      %squeeze3A_257 = vector.extract %slice3A_256[0] : i32 from vector<1xi32>
      %dma_start3A_258 = arith.constant 0 : i32
      %dma_start3A_259 = tpu.memref_slice %arg13[%add3A_255, %dma_start3A_258] : memref<256x32xf32, #tpu.memory_space<vmem>> -> memref<1x32xf32, #tpu.memory_space<vmem>>
      %dma_start3A_260 = arith.constant 0 : i32
      %dma_start3A_261 = tpu.memref_slice %arg2[%squeeze3A_257, %dma_start3A_260] : memref<1000000x32xf32, #tpu.memory_space<hbm>> -> memref<1x32xf32, #tpu.memory_space<hbm>>
      %dma_start3A_262 = arith.constant 0 : i32
      %dma_start3A_263 = tpu.memref_slice %arg13[%add3A_255, %dma_start3A_262] : memref<256x32xf32, #tpu.memory_space<vmem>> -> memref<1x32xf32, #tpu.memory_space<vmem>>
      %dma_start3A_264 = arith.constant 0 : i32
      %dma_start3A_265 = tpu.memref_slice %arg2[%squeeze3A_257, %dma_start3A_264] : memref<1000000x32xf32, #tpu.memory_space<hbm>> -> memref<1x32xf32, #tpu.memory_space<hbm>>
      tpu.enqueue_dma source(%dma_start3A_265 : memref<1x32xf32, #tpu.memory_space<hbm>>) target(%dma_start3A_263 : memref<1x32xf32, #tpu.memory_space<vmem>>) target_semaphore(%arg16 : memref<!tpu.dma_semaphore, #tpu.memory_space<semaphore_mem>>)
      %slice3A_266 = vector.extract_strided_slice %get3A_47 {offsets = [6], sizes = [1], strides = [1]} : vector<16xi32> to vector<1xi32>
      %squeeze3A_267 = vector.extract %slice3A_266[0] : i32 from vector<1xi32>
      %dma_start3A_268 = arith.constant 0 : i32
      %dma_start3A_269 = tpu.memref_slice %arg14[%add3A_255, %dma_start3A_268] : memref<256x32xf32, #tpu.memory_space<vmem>> -> memref<1x32xf32, #tpu.memory_space<vmem>>
      %dma_start3A_270 = arith.constant 0 : i32
      %dma_start3A_271 = tpu.memref_slice %arg3[%squeeze3A_267, %dma_start3A_270] : memref<1000000x32xf32, #tpu.memory_space<hbm>> -> memref<1x32xf32, #tpu.memory_space<hbm>>
      %dma_start3A_272 = arith.constant 0 : i32
      %dma_start3A_273 = tpu.memref_slice %arg14[%add3A_255, %dma_start3A_272] : memref<256x32xf32, #tpu.memory_space<vmem>> -> memref<1x32xf32, #tpu.memory_space<vmem>>
      %dma_start3A_274 = arith.constant 0 : i32
      %dma_start3A_275 = tpu.memref_slice %arg3[%squeeze3A_267, %dma_start3A_274] : memref<1000000x32xf32, #tpu.memory_space<hbm>> -> memref<1x32xf32, #tpu.memory_space<hbm>>
      tpu.enqueue_dma source(%dma_start3A_275 : memref<1x32xf32, #tpu.memory_space<hbm>>) target(%dma_start3A_273 : memref<1x32xf32, #tpu.memory_space<vmem>>) target_semaphore(%arg16 : memref<!tpu.dma_semaphore, #tpu.memory_space<semaphore_mem>>)
      %slice3A_276 = vector.extract_strided_slice %get3A_50 {offsets = [6], sizes = [1], strides = [1]} : vector<16xi32> to vector<1xi32>
      %squeeze3A_277 = vector.extract %slice3A_276[0] : i32 from vector<1xi32>
      %dma_start3A_278 = arith.constant 0 : i32
      %dma_start3A_279 = tpu.memref_slice %arg15[%add3A_255, %dma_start3A_278] : memref<256x32xf32, #tpu.memory_space<vmem>> -> memref<1x32xf32, #tpu.memory_space<vmem>>
      %dma_start3A_280 = arith.constant 0 : i32
      %dma_start3A_281 = tpu.memref_slice %arg3[%squeeze3A_277, %dma_start3A_280] : memref<1000000x32xf32, #tpu.memory_space<hbm>> -> memref<1x32xf32, #tpu.memory_space<hbm>>
      %dma_start3A_282 = arith.constant 0 : i32
      %dma_start3A_283 = tpu.memref_slice %arg15[%add3A_255, %dma_start3A_282] : memref<256x32xf32, #tpu.memory_space<vmem>> -> memref<1x32xf32, #tpu.memory_space<vmem>>
      %dma_start3A_284 = arith.constant 0 : i32
      %dma_start3A_285 = tpu.memref_slice %arg3[%squeeze3A_277, %dma_start3A_284] : memref<1000000x32xf32, #tpu.memory_space<hbm>> -> memref<1x32xf32, #tpu.memory_space<hbm>>
      tpu.enqueue_dma source(%dma_start3A_285 : memref<1x32xf32, #tpu.memory_space<hbm>>) target(%dma_start3A_283 : memref<1x32xf32, #tpu.memory_space<vmem>>) target_semaphore(%arg16 : memref<!tpu.dma_semaphore, #tpu.memory_space<semaphore_mem>>)
      %mul3A_286 = arith.constant 16 : i32
      %mul3A_287 = arith.muli %scan3A_38, %mul3A_286 : i32
      %add3A_288 = arith.constant 7 : i32
      %add3A_289 = arith.addi %mul3A_287, %add3A_288 : i32
      %slice3A_290 = vector.extract_strided_slice %get3A_44 {offsets = [7], sizes = [1], strides = [1]} : vector<16xi32> to vector<1xi32>
      %squeeze3A_291 = vector.extract %slice3A_290[0] : i32 from vector<1xi32>
      %dma_start3A_292 = arith.constant 0 : i32
      %dma_start3A_293 = tpu.memref_slice %arg13[%add3A_289, %dma_start3A_292] : memref<256x32xf32, #tpu.memory_space<vmem>> -> memref<1x32xf32, #tpu.memory_space<vmem>>
      %dma_start3A_294 = arith.constant 0 : i32
      %dma_start3A_295 = tpu.memref_slice %arg2[%squeeze3A_291, %dma_start3A_294] : memref<1000000x32xf32, #tpu.memory_space<hbm>> -> memref<1x32xf32, #tpu.memory_space<hbm>>
      %dma_start3A_296 = arith.constant 0 : i32
      %dma_start3A_297 = tpu.memref_slice %arg13[%add3A_289, %dma_start3A_296] : memref<256x32xf32, #tpu.memory_space<vmem>> -> memref<1x32xf32, #tpu.memory_space<vmem>>
      %dma_start3A_298 = arith.constant 0 : i32
      %dma_start3A_299 = tpu.memref_slice %arg2[%squeeze3A_291, %dma_start3A_298] : memref<1000000x32xf32, #tpu.memory_space<hbm>> -> memref<1x32xf32, #tpu.memory_space<hbm>>
      tpu.enqueue_dma source(%dma_start3A_299 : memref<1x32xf32, #tpu.memory_space<hbm>>) target(%dma_start3A_297 : memref<1x32xf32, #tpu.memory_space<vmem>>) target_semaphore(%arg16 : memref<!tpu.dma_semaphore, #tpu.memory_space<semaphore_mem>>)
      %slice3A_300 = vector.extract_strided_slice %get3A_47 {offsets = [7], sizes = [1], strides = [1]} : vector<16xi32> to vector<1xi32>
      %squeeze3A_301 = vector.extract %slice3A_300[0] : i32 from vector<1xi32>
      %dma_start3A_302 = arith.constant 0 : i32
      %dma_start3A_303 = tpu.memref_slice %arg14[%add3A_289, %dma_start3A_302] : memref<256x32xf32, #tpu.memory_space<vmem>> -> memref<1x32xf32, #tpu.memory_space<vmem>>
      %dma_start3A_304 = arith.constant 0 : i32
      %dma_start3A_305 = tpu.memref_slice %arg3[%squeeze3A_301, %dma_start3A_304] : memref<1000000x32xf32, #tpu.memory_space<hbm>> -> memref<1x32xf32, #tpu.memory_space<hbm>>
      %dma_start3A_306 = arith.constant 0 : i32
      %dma_start3A_307 = tpu.memref_slice %arg14[%add3A_289, %dma_start3A_306] : memref<256x32xf32, #tpu.memory_space<vmem>> -> memref<1x32xf32, #tpu.memory_space<vmem>>
      %dma_start3A_308 = arith.constant 0 : i32
      %dma_start3A_309 = tpu.memref_slice %arg3[%squeeze3A_301, %dma_start3A_308] : memref<1000000x32xf32, #tpu.memory_space<hbm>> -> memref<1x32xf32, #tpu.memory_space<hbm>>
      tpu.enqueue_dma source(%dma_start3A_309 : memref<1x32xf32, #tpu.memory_space<hbm>>) target(%dma_start3A_307 : memref<1x32xf32, #tpu.memory_space<vmem>>) target_semaphore(%arg16 : memref<!tpu.dma_semaphore, #tpu.memory_space<semaphore_mem>>)
      %slice3A_310 = vector.extract_strided_slice %get3A_50 {offsets = [7], sizes = [1], strides = [1]} : vector<16xi32> to vector<1xi32>
      %squeeze3A_311 = vector.extract %slice3A_310[0] : i32 from vector<1xi32>
      %dma_start3A_312 = arith.constant 0 : i32
      %dma_start3A_313 = tpu.memref_slice %arg15[%add3A_289, %dma_start3A_312] : memref<256x32xf32, #tpu.memory_space<vmem>> -> memref<1x32xf32, #tpu.memory_space<vmem>>
      %dma_start3A_314 = arith.constant 0 : i32
      %dma_start3A_315 = tpu.memref_slice %arg3[%squeeze3A_311, %dma_start3A_314] : memref<1000000x32xf32, #tpu.memory_space<hbm>> -> memref<1x32xf32, #tpu.memory_space<hbm>>
      %dma_start3A_316 = arith.constant 0 : i32
      %dma_start3A_317 = tpu.memref_slice %arg15[%add3A_289, %dma_start3A_316] : memref<256x32xf32, #tpu.memory_space<vmem>> -> memref<1x32xf32, #tpu.memory_space<vmem>>
      %dma_start3A_318 = arith.constant 0 : i32
      %dma_start3A_319 = tpu.memref_slice %arg3[%squeeze3A_311, %dma_start3A_318] : memref<1000000x32xf32, #tpu.memory_space<hbm>> -> memref<1x32xf32, #tpu.memory_space<hbm>>
      tpu.enqueue_dma source(%dma_start3A_319 : memref<1x32xf32, #tpu.memory_space<hbm>>) target(%dma_start3A_317 : memref<1x32xf32, #tpu.memory_space<vmem>>) target_semaphore(%arg16 : memref<!tpu.dma_semaphore, #tpu.memory_space<semaphore_mem>>)
      %mul3A_320 = arith.constant 16 : i32
      %mul3A_321 = arith.muli %scan3A_38, %mul3A_320 : i32
      %add3A_322 = arith.constant 8 : i32
      %add3A_323 = arith.addi %mul3A_321, %add3A_322 : i32
      %slice3A_324 = vector.extract_strided_slice %get3A_44 {offsets = [8], sizes = [1], strides = [1]} : vector<16xi32> to vector<1xi32>
      %squeeze3A_325 = vector.extract %slice3A_324[0] : i32 from vector<1xi32>
      %dma_start3A_326 = arith.constant 0 : i32
      %dma_start3A_327 = tpu.memref_slice %arg13[%add3A_323, %dma_start3A_326] : memref<256x32xf32, #tpu.memory_space<vmem>> -> memref<1x32xf32, #tpu.memory_space<vmem>>
      %dma_start3A_328 = arith.constant 0 : i32
      %dma_start3A_329 = tpu.memref_slice %arg2[%squeeze3A_325, %dma_start3A_328] : memref<1000000x32xf32, #tpu.memory_space<hbm>> -> memref<1x32xf32, #tpu.memory_space<hbm>>
      %dma_start3A_330 = arith.constant 0 : i32
      %dma_start3A_331 = tpu.memref_slice %arg13[%add3A_323, %dma_start3A_330] : memref<256x32xf32, #tpu.memory_space<vmem>> -> memref<1x32xf32, #tpu.memory_space<vmem>>
      %dma_start3A_332 = arith.constant 0 : i32
      %dma_start3A_333 = tpu.memref_slice %arg2[%squeeze3A_325, %dma_start3A_332] : memref<1000000x32xf32, #tpu.memory_space<hbm>> -> memref<1x32xf32, #tpu.memory_space<hbm>>
      tpu.enqueue_dma source(%dma_start3A_333 : memref<1x32xf32, #tpu.memory_space<hbm>>) target(%dma_start3A_331 : memref<1x32xf32, #tpu.memory_space<vmem>>) target_semaphore(%arg16 : memref<!tpu.dma_semaphore, #tpu.memory_space<semaphore_mem>>)
      %slice3A_334 = vector.extract_strided_slice %get3A_47 {offsets = [8], sizes = [1], strides = [1]} : vector<16xi32> to vector<1xi32>
      %squeeze3A_335 = vector.extract %slice3A_334[0] : i32 from vector<1xi32>
      %dma_start3A_336 = arith.constant 0 : i32
      %dma_start3A_337 = tpu.memref_slice %arg14[%add3A_323, %dma_start3A_336] : memref<256x32xf32, #tpu.memory_space<vmem>> -> memref<1x32xf32, #tpu.memory_space<vmem>>
      %dma_start3A_338 = arith.constant 0 : i32
      %dma_start3A_339 = tpu.memref_slice %arg3[%squeeze3A_335, %dma_start3A_338] : memref<1000000x32xf32, #tpu.memory_space<hbm>> -> memref<1x32xf32, #tpu.memory_space<hbm>>
      %dma_start3A_340 = arith.constant 0 : i32
      %dma_start3A_341 = tpu.memref_slice %arg14[%add3A_323, %dma_start3A_340] : memref<256x32xf32, #tpu.memory_space<vmem>> -> memref<1x32xf32, #tpu.memory_space<vmem>>
      %dma_start3A_342 = arith.constant 0 : i32
      %dma_start3A_343 = tpu.memref_slice %arg3[%squeeze3A_335, %dma_start3A_342] : memref<1000000x32xf32, #tpu.memory_space<hbm>> -> memref<1x32xf32, #tpu.memory_space<hbm>>
      tpu.enqueue_dma source(%dma_start3A_343 : memref<1x32xf32, #tpu.memory_space<hbm>>) target(%dma_start3A_341 : memref<1x32xf32, #tpu.memory_space<vmem>>) target_semaphore(%arg16 : memref<!tpu.dma_semaphore, #tpu.memory_space<semaphore_mem>>)
      %slice3A_344 = vector.extract_strided_slice %get3A_50 {offsets = [8], sizes = [1], strides = [1]} : vector<16xi32> to vector<1xi32>
      %squeeze3A_345 = vector.extract %slice3A_344[0] : i32 from vector<1xi32>
      %dma_start3A_346 = arith.constant 0 : i32
      %dma_start3A_347 = tpu.memref_slice %arg15[%add3A_323, %dma_start3A_346] : memref<256x32xf32, #tpu.memory_space<vmem>> -> memref<1x32xf32, #tpu.memory_space<vmem>>
      %dma_start3A_348 = arith.constant 0 : i32
      %dma_start3A_349 = tpu.memref_slice %arg3[%squeeze3A_345, %dma_start3A_348] : memref<1000000x32xf32, #tpu.memory_space<hbm>> -> memref<1x32xf32, #tpu.memory_space<hbm>>
      %dma_start3A_350 = arith.constant 0 : i32
      %dma_start3A_351 = tpu.memref_slice %arg15[%add3A_323, %dma_start3A_350] : memref<256x32xf32, #tpu.memory_space<vmem>> -> memref<1x32xf32, #tpu.memory_space<vmem>>
      %dma_start3A_352 = arith.constant 0 : i32
      %dma_start3A_353 = tpu.memref_slice %arg3[%squeeze3A_345, %dma_start3A_352] : memref<1000000x32xf32, #tpu.memory_space<hbm>> -> memref<1x32xf32, #tpu.memory_space<hbm>>
      tpu.enqueue_dma source(%dma_start3A_353 : memref<1x32xf32, #tpu.memory_space<hbm>>) target(%dma_start3A_351 : memref<1x32xf32, #tpu.memory_space<vmem>>) target_semaphore(%arg16 : memref<!tpu.dma_semaphore, #tpu.memory_space<semaphore_mem>>)
      %mul3A_354 = arith.constant 16 : i32
      %mul3A_355 = arith.muli %scan3A_38, %mul3A_354 : i32
      %add3A_356 = arith.constant 9 : i32
      %add3A_357 = arith.addi %mul3A_355, %add3A_356 : i32
      %slice3A_358 = vector.extract_strided_slice %get3A_44 {offsets = [9], sizes = [1], strides = [1]} : vector<16xi32> to vector<1xi32>
      %squeeze3A_359 = vector.extract %slice3A_358[0] : i32 from vector<1xi32>
      %dma_start3A_360 = arith.constant 0 : i32
      %dma_start3A_361 = tpu.memref_slice %arg13[%add3A_357, %dma_start3A_360] : memref<256x32xf32, #tpu.memory_space<vmem>> -> memref<1x32xf32, #tpu.memory_space<vmem>>
      %dma_start3A_362 = arith.constant 0 : i32
      %dma_start3A_363 = tpu.memref_slice %arg2[%squeeze3A_359, %dma_start3A_362] : memref<1000000x32xf32, #tpu.memory_space<hbm>> -> memref<1x32xf32, #tpu.memory_space<hbm>>
      %dma_start3A_364 = arith.constant 0 : i32
      %dma_start3A_365 = tpu.memref_slice %arg13[%add3A_357, %dma_start3A_364] : memref<256x32xf32, #tpu.memory_space<vmem>> -> memref<1x32xf32, #tpu.memory_space<vmem>>
      %dma_start3A_366 = arith.constant 0 : i32
      %dma_start3A_367 = tpu.memref_slice %arg2[%squeeze3A_359, %dma_start3A_366] : memref<1000000x32xf32, #tpu.memory_space<hbm>> -> memref<1x32xf32, #tpu.memory_space<hbm>>
      tpu.enqueue_dma source(%dma_start3A_367 : memref<1x32xf32, #tpu.memory_space<hbm>>) target(%dma_start3A_365 : memref<1x32xf32, #tpu.memory_space<vmem>>) target_semaphore(%arg16 : memref<!tpu.dma_semaphore, #tpu.memory_space<semaphore_mem>>)
      %slice3A_368 = vector.extract_strided_slice %get3A_47 {offsets = [9], sizes = [1], strides = [1]} : vector<16xi32> to vector<1xi32>
      %squeeze3A_369 = vector.extract %slice3A_368[0] : i32 from vector<1xi32>
      %dma_start3A_370 = arith.constant 0 : i32
      %dma_start3A_371 = tpu.memref_slice %arg14[%add3A_357, %dma_start3A_370] : memref<256x32xf32, #tpu.memory_space<vmem>> -> memref<1x32xf32, #tpu.memory_space<vmem>>
      %dma_start3A_372 = arith.constant 0 : i32
      %dma_start3A_373 = tpu.memref_slice %arg3[%squeeze3A_369, %dma_start3A_372] : memref<1000000x32xf32, #tpu.memory_space<hbm>> -> memref<1x32xf32, #tpu.memory_space<hbm>>
      %dma_start3A_374 = arith.constant 0 : i32
      %dma_start3A_375 = tpu.memref_slice %arg14[%add3A_357, %dma_start3A_374] : memref<256x32xf32, #tpu.memory_space<vmem>> -> memref<1x32xf32, #tpu.memory_space<vmem>>
      %dma_start3A_376 = arith.constant 0 : i32
      %dma_start3A_377 = tpu.memref_slice %arg3[%squeeze3A_369, %dma_start3A_376] : memref<1000000x32xf32, #tpu.memory_space<hbm>> -> memref<1x32xf32, #tpu.memory_space<hbm>>
      tpu.enqueue_dma source(%dma_start3A_377 : memref<1x32xf32, #tpu.memory_space<hbm>>) target(%dma_start3A_375 : memref<1x32xf32, #tpu.memory_space<vmem>>) target_semaphore(%arg16 : memref<!tpu.dma_semaphore, #tpu.memory_space<semaphore_mem>>)
      %slice3A_378 = vector.extract_strided_slice %get3A_50 {offsets = [9], sizes = [1], strides = [1]} : vector<16xi32> to vector<1xi32>
      %squeeze3A_379 = vector.extract %slice3A_378[0] : i32 from vector<1xi32>
      %dma_start3A_380 = arith.constant 0 : i32
      %dma_start3A_381 = tpu.memref_slice %arg15[%add3A_357, %dma_start3A_380] : memref<256x32xf32, #tpu.memory_space<vmem>> -> memref<1x32xf32, #tpu.memory_space<vmem>>
      %dma_start3A_382 = arith.constant 0 : i32
      %dma_start3A_383 = tpu.memref_slice %arg3[%squeeze3A_379, %dma_start3A_382] : memref<1000000x32xf32, #tpu.memory_space<hbm>> -> memref<1x32xf32, #tpu.memory_space<hbm>>
      %dma_start3A_384 = arith.constant 0 : i32
      %dma_start3A_385 = tpu.memref_slice %arg15[%add3A_357, %dma_start3A_384] : memref<256x32xf32, #tpu.memory_space<vmem>> -> memref<1x32xf32, #tpu.memory_space<vmem>>
      %dma_start3A_386 = arith.constant 0 : i32
      %dma_start3A_387 = tpu.memref_slice %arg3[%squeeze3A_379, %dma_start3A_386] : memref<1000000x32xf32, #tpu.memory_space<hbm>> -> memref<1x32xf32, #tpu.memory_space<hbm>>
      tpu.enqueue_dma source(%dma_start3A_387 : memref<1x32xf32, #tpu.memory_space<hbm>>) target(%dma_start3A_385 : memref<1x32xf32, #tpu.memory_space<vmem>>) target_semaphore(%arg16 : memref<!tpu.dma_semaphore, #tpu.memory_space<semaphore_mem>>)
      %mul3A_388 = arith.constant 16 : i32
      %mul3A_389 = arith.muli %scan3A_38, %mul3A_388 : i32
      %add3A_390 = arith.constant 10 : i32
      %add3A_391 = arith.addi %mul3A_389, %add3A_390 : i32
      %slice3A_392 = vector.extract_strided_slice %get3A_44 {offsets = [10], sizes = [1], strides = [1]} : vector<16xi32> to vector<1xi32>
      %squeeze3A_393 = vector.extract %slice3A_392[0] : i32 from vector<1xi32>
      %dma_start3A_394 = arith.constant 0 : i32
      %dma_start3A_395 = tpu.memref_slice %arg13[%add3A_391, %dma_start3A_394] : memref<256x32xf32, #tpu.memory_space<vmem>> -> memref<1x32xf32, #tpu.memory_space<vmem>>
      %dma_start3A_396 = arith.constant 0 : i32
      %dma_start3A_397 = tpu.memref_slice %arg2[%squeeze3A_393, %dma_start3A_396] : memref<1000000x32xf32, #tpu.memory_space<hbm>> -> memref<1x32xf32, #tpu.memory_space<hbm>>
      %dma_start3A_398 = arith.constant 0 : i32
      %dma_start3A_399 = tpu.memref_slice %arg13[%add3A_391, %dma_start3A_398] : memref<256x32xf32, #tpu.memory_space<vmem>> -> memref<1x32xf32, #tpu.memory_space<vmem>>
      %dma_start3A_400 = arith.constant 0 : i32
      %dma_start3A_401 = tpu.memref_slice %arg2[%squeeze3A_393, %dma_start3A_400] : memref<1000000x32xf32, #tpu.memory_space<hbm>> -> memref<1x32xf32, #tpu.memory_space<hbm>>
      tpu.enqueue_dma source(%dma_start3A_401 : memref<1x32xf32, #tpu.memory_space<hbm>>) target(%dma_start3A_399 : memref<1x32xf32, #tpu.memory_space<vmem>>) target_semaphore(%arg16 : memref<!tpu.dma_semaphore, #tpu.memory_space<semaphore_mem>>)
      %slice3A_402 = vector.extract_strided_slice %get3A_47 {offsets = [10], sizes = [1], strides = [1]} : vector<16xi32> to vector<1xi32>
      %squeeze3A_403 = vector.extract %slice3A_402[0] : i32 from vector<1xi32>
      %dma_start3A_404 = arith.constant 0 : i32
      %dma_start3A_405 = tpu.memref_slice %arg14[%add3A_391, %dma_start3A_404] : memref<256x32xf32, #tpu.memory_space<vmem>> -> memref<1x32xf32, #tpu.memory_space<vmem>>
      %dma_start3A_406 = arith.constant 0 : i32
      %dma_start3A_407 = tpu.memref_slice %arg3[%squeeze3A_403, %dma_start3A_406] : memref<1000000x32xf32, #tpu.memory_space<hbm>> -> memref<1x32xf32, #tpu.memory_space<hbm>>
      %dma_start3A_408 = arith.constant 0 : i32
      %dma_start3A_409 = tpu.memref_slice %arg14[%add3A_391, %dma_start3A_408] : memref<256x32xf32, #tpu.memory_space<vmem>> -> memref<1x32xf32, #tpu.memory_space<vmem>>
      %dma_start3A_410 = arith.constant 0 : i32
      %dma_start3A_411 = tpu.memref_slice %arg3[%squeeze3A_403, %dma_start3A_410] : memref<1000000x32xf32, #tpu.memory_space<hbm>> -> memref<1x32xf32, #tpu.memory_space<hbm>>
      tpu.enqueue_dma source(%dma_start3A_411 : memref<1x32xf32, #tpu.memory_space<hbm>>) target(%dma_start3A_409 : memref<1x32xf32, #tpu.memory_space<vmem>>) target_semaphore(%arg16 : memref<!tpu.dma_semaphore, #tpu.memory_space<semaphore_mem>>)
      %slice3A_412 = vector.extract_strided_slice %get3A_50 {offsets = [10], sizes = [1], strides = [1]} : vector<16xi32> to vector<1xi32>
      %squeeze3A_413 = vector.extract %slice3A_412[0] : i32 from vector<1xi32>
      %dma_start3A_414 = arith.constant 0 : i32
      %dma_start3A_415 = tpu.memref_slice %arg15[%add3A_391, %dma_start3A_414] : memref<256x32xf32, #tpu.memory_space<vmem>> -> memref<1x32xf32, #tpu.memory_space<vmem>>
      %dma_start3A_416 = arith.constant 0 : i32
      %dma_start3A_417 = tpu.memref_slice %arg3[%squeeze3A_413, %dma_start3A_416] : memref<1000000x32xf32, #tpu.memory_space<hbm>> -> memref<1x32xf32, #tpu.memory_space<hbm>>
      %dma_start3A_418 = arith.constant 0 : i32
      %dma_start3A_419 = tpu.memref_slice %arg15[%add3A_391, %dma_start3A_418] : memref<256x32xf32, #tpu.memory_space<vmem>> -> memref<1x32xf32, #tpu.memory_space<vmem>>
      %dma_start3A_420 = arith.constant 0 : i32
      %dma_start3A_421 = tpu.memref_slice %arg3[%squeeze3A_413, %dma_start3A_420] : memref<1000000x32xf32, #tpu.memory_space<hbm>> -> memref<1x32xf32, #tpu.memory_space<hbm>>
      tpu.enqueue_dma source(%dma_start3A_421 : memref<1x32xf32, #tpu.memory_space<hbm>>) target(%dma_start3A_419 : memref<1x32xf32, #tpu.memory_space<vmem>>) target_semaphore(%arg16 : memref<!tpu.dma_semaphore, #tpu.memory_space<semaphore_mem>>)
      %mul3A_422 = arith.constant 16 : i32
      %mul3A_423 = arith.muli %scan3A_38, %mul3A_422 : i32
      %add3A_424 = arith.constant 11 : i32
      %add3A_425 = arith.addi %mul3A_423, %add3A_424 : i32
      %slice3A_426 = vector.extract_strided_slice %get3A_44 {offsets = [11], sizes = [1], strides = [1]} : vector<16xi32> to vector<1xi32>
      %squeeze3A_427 = vector.extract %slice3A_426[0] : i32 from vector<1xi32>
      %dma_start3A_428 = arith.constant 0 : i32
      %dma_start3A_429 = tpu.memref_slice %arg13[%add3A_425, %dma_start3A_428] : memref<256x32xf32, #tpu.memory_space<vmem>> -> memref<1x32xf32, #tpu.memory_space<vmem>>
      %dma_start3A_430 = arith.constant 0 : i32
      %dma_start3A_431 = tpu.memref_slice %arg2[%squeeze3A_427, %dma_start3A_430] : memref<1000000x32xf32, #tpu.memory_space<hbm>> -> memref<1x32xf32, #tpu.memory_space<hbm>>
      %dma_start3A_432 = arith.constant 0 : i32
      %dma_start3A_433 = tpu.memref_slice %arg13[%add3A_425, %dma_start3A_432] : memref<256x32xf32, #tpu.memory_space<vmem>> -> memref<1x32xf32, #tpu.memory_space<vmem>>
      %dma_start3A_434 = arith.constant 0 : i32
      %dma_start3A_435 = tpu.memref_slice %arg2[%squeeze3A_427, %dma_start3A_434] : memref<1000000x32xf32, #tpu.memory_space<hbm>> -> memref<1x32xf32, #tpu.memory_space<hbm>>
      tpu.enqueue_dma source(%dma_start3A_435 : memref<1x32xf32, #tpu.memory_space<hbm>>) target(%dma_start3A_433 : memref<1x32xf32, #tpu.memory_space<vmem>>) target_semaphore(%arg16 : memref<!tpu.dma_semaphore, #tpu.memory_space<semaphore_mem>>)
      %slice3A_436 = vector.extract_strided_slice %get3A_47 {offsets = [11], sizes = [1], strides = [1]} : vector<16xi32> to vector<1xi32>
      %squeeze3A_437 = vector.extract %slice3A_436[0] : i32 from vector<1xi32>
      %dma_start3A_438 = arith.constant 0 : i32
      %dma_start3A_439 = tpu.memref_slice %arg14[%add3A_425, %dma_start3A_438] : memref<256x32xf32, #tpu.memory_space<vmem>> -> memref<1x32xf32, #tpu.memory_space<vmem>>
      %dma_start3A_440 = arith.constant 0 : i32
      %dma_start3A_441 = tpu.memref_slice %arg3[%squeeze3A_437, %dma_start3A_440] : memref<1000000x32xf32, #tpu.memory_space<hbm>> -> memref<1x32xf32, #tpu.memory_space<hbm>>
      %dma_start3A_442 = arith.constant 0 : i32
      %dma_start3A_443 = tpu.memref_slice %arg14[%add3A_425, %dma_start3A_442] : memref<256x32xf32, #tpu.memory_space<vmem>> -> memref<1x32xf32, #tpu.memory_space<vmem>>
      %dma_start3A_444 = arith.constant 0 : i32
      %dma_start3A_445 = tpu.memref_slice %arg3[%squeeze3A_437, %dma_start3A_444] : memref<1000000x32xf32, #tpu.memory_space<hbm>> -> memref<1x32xf32, #tpu.memory_space<hbm>>
      tpu.enqueue_dma source(%dma_start3A_445 : memref<1x32xf32, #tpu.memory_space<hbm>>) target(%dma_start3A_443 : memref<1x32xf32, #tpu.memory_space<vmem>>) target_semaphore(%arg16 : memref<!tpu.dma_semaphore, #tpu.memory_space<semaphore_mem>>)
      %slice3A_446 = vector.extract_strided_slice %get3A_50 {offsets = [11], sizes = [1], strides = [1]} : vector<16xi32> to vector<1xi32>
      %squeeze3A_447 = vector.extract %slice3A_446[0] : i32 from vector<1xi32>
      %dma_start3A_448 = arith.constant 0 : i32
      %dma_start3A_449 = tpu.memref_slice %arg15[%add3A_425, %dma_start3A_448] : memref<256x32xf32, #tpu.memory_space<vmem>> -> memref<1x32xf32, #tpu.memory_space<vmem>>
      %dma_start3A_450 = arith.constant 0 : i32
      %dma_start3A_451 = tpu.memref_slice %arg3[%squeeze3A_447, %dma_start3A_450] : memref<1000000x32xf32, #tpu.memory_space<hbm>> -> memref<1x32xf32, #tpu.memory_space<hbm>>
      %dma_start3A_452 = arith.constant 0 : i32
      %dma_start3A_453 = tpu.memref_slice %arg15[%add3A_425, %dma_start3A_452] : memref<256x32xf32, #tpu.memory_space<vmem>> -> memref<1x32xf32, #tpu.memory_space<vmem>>
      %dma_start3A_454 = arith.constant 0 : i32
      %dma_start3A_455 = tpu.memref_slice %arg3[%squeeze3A_447, %dma_start3A_454] : memref<1000000x32xf32, #tpu.memory_space<hbm>> -> memref<1x32xf32, #tpu.memory_space<hbm>>
      tpu.enqueue_dma source(%dma_start3A_455 : memref<1x32xf32, #tpu.memory_space<hbm>>) target(%dma_start3A_453 : memref<1x32xf32, #tpu.memory_space<vmem>>) target_semaphore(%arg16 : memref<!tpu.dma_semaphore, #tpu.memory_space<semaphore_mem>>)
      %mul3A_456 = arith.constant 16 : i32
      %mul3A_457 = arith.muli %scan3A_38, %mul3A_456 : i32
      %add3A_458 = arith.constant 12 : i32
      %add3A_459 = arith.addi %mul3A_457, %add3A_458 : i32
      %slice3A_460 = vector.extract_strided_slice %get3A_44 {offsets = [12], sizes = [1], strides = [1]} : vector<16xi32> to vector<1xi32>
      %squeeze3A_461 = vector.extract %slice3A_460[0] : i32 from vector<1xi32>
      %dma_start3A_462 = arith.constant 0 : i32
      %dma_start3A_463 = tpu.memref_slice %arg13[%add3A_459, %dma_start3A_462] : memref<256x32xf32, #tpu.memory_space<vmem>> -> memref<1x32xf32, #tpu.memory_space<vmem>>
      %dma_start3A_464 = arith.constant 0 : i32
      %dma_start3A_465 = tpu.memref_slice %arg2[%squeeze3A_461, %dma_start3A_464] : memref<1000000x32xf32, #tpu.memory_space<hbm>> -> memref<1x32xf32, #tpu.memory_space<hbm>>
      %dma_start3A_466 = arith.constant 0 : i32
      %dma_start3A_467 = tpu.memref_slice %arg13[%add3A_459, %dma_start3A_466] : memref<256x32xf32, #tpu.memory_space<vmem>> -> memref<1x32xf32, #tpu.memory_space<vmem>>
      %dma_start3A_468 = arith.constant 0 : i32
      %dma_start3A_469 = tpu.memref_slice %arg2[%squeeze3A_461, %dma_start3A_468] : memref<1000000x32xf32, #tpu.memory_space<hbm>> -> memref<1x32xf32, #tpu.memory_space<hbm>>
      tpu.enqueue_dma source(%dma_start3A_469 : memref<1x32xf32, #tpu.memory_space<hbm>>) target(%dma_start3A_467 : memref<1x32xf32, #tpu.memory_space<vmem>>) target_semaphore(%arg16 : memref<!tpu.dma_semaphore, #tpu.memory_space<semaphore_mem>>)
      %slice3A_470 = vector.extract_strided_slice %get3A_47 {offsets = [12], sizes = [1], strides = [1]} : vector<16xi32> to vector<1xi32>
      %squeeze3A_471 = vector.extract %slice3A_470[0] : i32 from vector<1xi32>
      %dma_start3A_472 = arith.constant 0 : i32
      %dma_start3A_473 = tpu.memref_slice %arg14[%add3A_459, %dma_start3A_472] : memref<256x32xf32, #tpu.memory_space<vmem>> -> memref<1x32xf32, #tpu.memory_space<vmem>>
      %dma_start3A_474 = arith.constant 0 : i32
      %dma_start3A_475 = tpu.memref_slice %arg3[%squeeze3A_471, %dma_start3A_474] : memref<1000000x32xf32, #tpu.memory_space<hbm>> -> memref<1x32xf32, #tpu.memory_space<hbm>>
      %dma_start3A_476 = arith.constant 0 : i32
      %dma_start3A_477 = tpu.memref_slice %arg14[%add3A_459, %dma_start3A_476] : memref<256x32xf32, #tpu.memory_space<vmem>> -> memref<1x32xf32, #tpu.memory_space<vmem>>
      %dma_start3A_478 = arith.constant 0 : i32
      %dma_start3A_479 = tpu.memref_slice %arg3[%squeeze3A_471, %dma_start3A_478] : memref<1000000x32xf32, #tpu.memory_space<hbm>> -> memref<1x32xf32, #tpu.memory_space<hbm>>
      tpu.enqueue_dma source(%dma_start3A_479 : memref<1x32xf32, #tpu.memory_space<hbm>>) target(%dma_start3A_477 : memref<1x32xf32, #tpu.memory_space<vmem>>) target_semaphore(%arg16 : memref<!tpu.dma_semaphore, #tpu.memory_space<semaphore_mem>>)
      %slice3A_480 = vector.extract_strided_slice %get3A_50 {offsets = [12], sizes = [1], strides = [1]} : vector<16xi32> to vector<1xi32>
      %squeeze3A_481 = vector.extract %slice3A_480[0] : i32 from vector<1xi32>
      %dma_start3A_482 = arith.constant 0 : i32
      %dma_start3A_483 = tpu.memref_slice %arg15[%add3A_459, %dma_start3A_482] : memref<256x32xf32, #tpu.memory_space<vmem>> -> memref<1x32xf32, #tpu.memory_space<vmem>>
      %dma_start3A_484 = arith.constant 0 : i32
      %dma_start3A_485 = tpu.memref_slice %arg3[%squeeze3A_481, %dma_start3A_484] : memref<1000000x32xf32, #tpu.memory_space<hbm>> -> memref<1x32xf32, #tpu.memory_space<hbm>>
      %dma_start3A_486 = arith.constant 0 : i32
      %dma_start3A_487 = tpu.memref_slice %arg15[%add3A_459, %dma_start3A_486] : memref<256x32xf32, #tpu.memory_space<vmem>> -> memref<1x32xf32, #tpu.memory_space<vmem>>
      %dma_start3A_488 = arith.constant 0 : i32
      %dma_start3A_489 = tpu.memref_slice %arg3[%squeeze3A_481, %dma_start3A_488] : memref<1000000x32xf32, #tpu.memory_space<hbm>> -> memref<1x32xf32, #tpu.memory_space<hbm>>
      tpu.enqueue_dma source(%dma_start3A_489 : memref<1x32xf32, #tpu.memory_space<hbm>>) target(%dma_start3A_487 : memref<1x32xf32, #tpu.memory_space<vmem>>) target_semaphore(%arg16 : memref<!tpu.dma_semaphore, #tpu.memory_space<semaphore_mem>>)
      %mul3A_490 = arith.constant 16 : i32
      %mul3A_491 = arith.muli %scan3A_38, %mul3A_490 : i32
      %add3A_492 = arith.constant 13 : i32
      %add3A_493 = arith.addi %mul3A_491, %add3A_492 : i32
      %slice3A_494 = vector.extract_strided_slice %get3A_44 {offsets = [13], sizes = [1], strides = [1]} : vector<16xi32> to vector<1xi32>
      %squeeze3A_495 = vector.extract %slice3A_494[0] : i32 from vector<1xi32>
      %dma_start3A_496 = arith.constant 0 : i32
      %dma_start3A_497 = tpu.memref_slice %arg13[%add3A_493, %dma_start3A_496] : memref<256x32xf32, #tpu.memory_space<vmem>> -> memref<1x32xf32, #tpu.memory_space<vmem>>
      %dma_start3A_498 = arith.constant 0 : i32
      %dma_start3A_499 = tpu.memref_slice %arg2[%squeeze3A_495, %dma_start3A_498] : memref<1000000x32xf32, #tpu.memory_space<hbm>> -> memref<1x32xf32, #tpu.memory_space<hbm>>
      %dma_start3A_500 = arith.constant 0 : i32
      %dma_start3A_501 = tpu.memref_slice %arg13[%add3A_493, %dma_start3A_500] : memref<256x32xf32, #tpu.memory_space<vmem>> -> memref<1x32xf32, #tpu.memory_space<vmem>>
      %dma_start3A_502 = arith.constant 0 : i32
      %dma_start3A_503 = tpu.memref_slice %arg2[%squeeze3A_495, %dma_start3A_502] : memref<1000000x32xf32, #tpu.memory_space<hbm>> -> memref<1x32xf32, #tpu.memory_space<hbm>>
      tpu.enqueue_dma source(%dma_start3A_503 : memref<1x32xf32, #tpu.memory_space<hbm>>) target(%dma_start3A_501 : memref<1x32xf32, #tpu.memory_space<vmem>>) target_semaphore(%arg16 : memref<!tpu.dma_semaphore, #tpu.memory_space<semaphore_mem>>)
      %slice3A_504 = vector.extract_strided_slice %get3A_47 {offsets = [13], sizes = [1], strides = [1]} : vector<16xi32> to vector<1xi32>
      %squeeze3A_505 = vector.extract %slice3A_504[0] : i32 from vector<1xi32>
      %dma_start3A_506 = arith.constant 0 : i32
      %dma_start3A_507 = tpu.memref_slice %arg14[%add3A_493, %dma_start3A_506] : memref<256x32xf32, #tpu.memory_space<vmem>> -> memref<1x32xf32, #tpu.memory_space<vmem>>
      %dma_start3A_508 = arith.constant 0 : i32
      %dma_start3A_509 = tpu.memref_slice %arg3[%squeeze3A_505, %dma_start3A_508] : memref<1000000x32xf32, #tpu.memory_space<hbm>> -> memref<1x32xf32, #tpu.memory_space<hbm>>
      %dma_start3A_510 = arith.constant 0 : i32
      %dma_start3A_511 = tpu.memref_slice %arg14[%add3A_493, %dma_start3A_510] : memref<256x32xf32, #tpu.memory_space<vmem>> -> memref<1x32xf32, #tpu.memory_space<vmem>>
      %dma_start3A_512 = arith.constant 0 : i32
      %dma_start3A_513 = tpu.memref_slice %arg3[%squeeze3A_505, %dma_start3A_512] : memref<1000000x32xf32, #tpu.memory_space<hbm>> -> memref<1x32xf32, #tpu.memory_space<hbm>>
      tpu.enqueue_dma source(%dma_start3A_513 : memref<1x32xf32, #tpu.memory_space<hbm>>) target(%dma_start3A_511 : memref<1x32xf32, #tpu.memory_space<vmem>>) target_semaphore(%arg16 : memref<!tpu.dma_semaphore, #tpu.memory_space<semaphore_mem>>)
      %slice3A_514 = vector.extract_strided_slice %get3A_50 {offsets = [13], sizes = [1], strides = [1]} : vector<16xi32> to vector<1xi32>
      %squeeze3A_515 = vector.extract %slice3A_514[0] : i32 from vector<1xi32>
      %dma_start3A_516 = arith.constant 0 : i32
      %dma_start3A_517 = tpu.memref_slice %arg15[%add3A_493, %dma_start3A_516] : memref<256x32xf32, #tpu.memory_space<vmem>> -> memref<1x32xf32, #tpu.memory_space<vmem>>
      %dma_start3A_518 = arith.constant 0 : i32
      %dma_start3A_519 = tpu.memref_slice %arg3[%squeeze3A_515, %dma_start3A_518] : memref<1000000x32xf32, #tpu.memory_space<hbm>> -> memref<1x32xf32, #tpu.memory_space<hbm>>
      %dma_start3A_520 = arith.constant 0 : i32
      %dma_start3A_521 = tpu.memref_slice %arg15[%add3A_493, %dma_start3A_520] : memref<256x32xf32, #tpu.memory_space<vmem>> -> memref<1x32xf32, #tpu.memory_space<vmem>>
      %dma_start3A_522 = arith.constant 0 : i32
      %dma_start3A_523 = tpu.memref_slice %arg3[%squeeze3A_515, %dma_start3A_522] : memref<1000000x32xf32, #tpu.memory_space<hbm>> -> memref<1x32xf32, #tpu.memory_space<hbm>>
      tpu.enqueue_dma source(%dma_start3A_523 : memref<1x32xf32, #tpu.memory_space<hbm>>) target(%dma_start3A_521 : memref<1x32xf32, #tpu.memory_space<vmem>>) target_semaphore(%arg16 : memref<!tpu.dma_semaphore, #tpu.memory_space<semaphore_mem>>)
      %mul3A_524 = arith.constant 16 : i32
      %mul3A_525 = arith.muli %scan3A_38, %mul3A_524 : i32
      %add3A_526 = arith.constant 14 : i32
      %add3A_527 = arith.addi %mul3A_525, %add3A_526 : i32
      %slice3A_528 = vector.extract_strided_slice %get3A_44 {offsets = [14], sizes = [1], strides = [1]} : vector<16xi32> to vector<1xi32>
      %squeeze3A_529 = vector.extract %slice3A_528[0] : i32 from vector<1xi32>
      %dma_start3A_530 = arith.constant 0 : i32
      %dma_start3A_531 = tpu.memref_slice %arg13[%add3A_527, %dma_start3A_530] : memref<256x32xf32, #tpu.memory_space<vmem>> -> memref<1x32xf32, #tpu.memory_space<vmem>>
      %dma_start3A_532 = arith.constant 0 : i32
      %dma_start3A_533 = tpu.memref_slice %arg2[%squeeze3A_529, %dma_start3A_532] : memref<1000000x32xf32, #tpu.memory_space<hbm>> -> memref<1x32xf32, #tpu.memory_space<hbm>>
      %dma_start3A_534 = arith.constant 0 : i32
      %dma_start3A_535 = tpu.memref_slice %arg13[%add3A_527, %dma_start3A_534] : memref<256x32xf32, #tpu.memory_space<vmem>> -> memref<1x32xf32, #tpu.memory_space<vmem>>
      %dma_start3A_536 = arith.constant 0 : i32
      %dma_start3A_537 = tpu.memref_slice %arg2[%squeeze3A_529, %dma_start3A_536] : memref<1000000x32xf32, #tpu.memory_space<hbm>> -> memref<1x32xf32, #tpu.memory_space<hbm>>
      tpu.enqueue_dma source(%dma_start3A_537 : memref<1x32xf32, #tpu.memory_space<hbm>>) target(%dma_start3A_535 : memref<1x32xf32, #tpu.memory_space<vmem>>) target_semaphore(%arg16 : memref<!tpu.dma_semaphore, #tpu.memory_space<semaphore_mem>>)
      %slice3A_538 = vector.extract_strided_slice %get3A_47 {offsets = [14], sizes = [1], strides = [1]} : vector<16xi32> to vector<1xi32>
      %squeeze3A_539 = vector.extract %slice3A_538[0] : i32 from vector<1xi32>
      %dma_start3A_540 = arith.constant 0 : i32
      %dma_start3A_541 = tpu.memref_slice %arg14[%add3A_527, %dma_start3A_540] : memref<256x32xf32, #tpu.memory_space<vmem>> -> memref<1x32xf32, #tpu.memory_space<vmem>>
      %dma_start3A_542 = arith.constant 0 : i32
      %dma_start3A_543 = tpu.memref_slice %arg3[%squeeze3A_539, %dma_start3A_542] : memref<1000000x32xf32, #tpu.memory_space<hbm>> -> memref<1x32xf32, #tpu.memory_space<hbm>>
      %dma_start3A_544 = arith.constant 0 : i32
      %dma_start3A_545 = tpu.memref_slice %arg14[%add3A_527, %dma_start3A_544] : memref<256x32xf32, #tpu.memory_space<vmem>> -> memref<1x32xf32, #tpu.memory_space<vmem>>
      %dma_start3A_546 = arith.constant 0 : i32
      %dma_start3A_547 = tpu.memref_slice %arg3[%squeeze3A_539, %dma_start3A_546] : memref<1000000x32xf32, #tpu.memory_space<hbm>> -> memref<1x32xf32, #tpu.memory_space<hbm>>
      tpu.enqueue_dma source(%dma_start3A_547 : memref<1x32xf32, #tpu.memory_space<hbm>>) target(%dma_start3A_545 : memref<1x32xf32, #tpu.memory_space<vmem>>) target_semaphore(%arg16 : memref<!tpu.dma_semaphore, #tpu.memory_space<semaphore_mem>>)
      %slice3A_548 = vector.extract_strided_slice %get3A_50 {offsets = [14], sizes = [1], strides = [1]} : vector<16xi32> to vector<1xi32>
      %squeeze3A_549 = vector.extract %slice3A_548[0] : i32 from vector<1xi32>
      %dma_start3A_550 = arith.constant 0 : i32
      %dma_start3A_551 = tpu.memref_slice %arg15[%add3A_527, %dma_start3A_550] : memref<256x32xf32, #tpu.memory_space<vmem>> -> memref<1x32xf32, #tpu.memory_space<vmem>>
      %dma_start3A_552 = arith.constant 0 : i32
      %dma_start3A_553 = tpu.memref_slice %arg3[%squeeze3A_549, %dma_start3A_552] : memref<1000000x32xf32, #tpu.memory_space<hbm>> -> memref<1x32xf32, #tpu.memory_space<hbm>>
      %dma_start3A_554 = arith.constant 0 : i32
      %dma_start3A_555 = tpu.memref_slice %arg15[%add3A_527, %dma_start3A_554] : memref<256x32xf32, #tpu.memory_space<vmem>> -> memref<1x32xf32, #tpu.memory_space<vmem>>
      %dma_start3A_556 = arith.constant 0 : i32
      %dma_start3A_557 = tpu.memref_slice %arg3[%squeeze3A_549, %dma_start3A_556] : memref<1000000x32xf32, #tpu.memory_space<hbm>> -> memref<1x32xf32, #tpu.memory_space<hbm>>
      tpu.enqueue_dma source(%dma_start3A_557 : memref<1x32xf32, #tpu.memory_space<hbm>>) target(%dma_start3A_555 : memref<1x32xf32, #tpu.memory_space<vmem>>) target_semaphore(%arg16 : memref<!tpu.dma_semaphore, #tpu.memory_space<semaphore_mem>>)
      %mul3A_558 = arith.constant 16 : i32
      %mul3A_559 = arith.muli %scan3A_38, %mul3A_558 : i32
      %add3A_560 = arith.constant 15 : i32
      %add3A_561 = arith.addi %mul3A_559, %add3A_560 : i32
      %slice3A_562 = vector.extract_strided_slice %get3A_44 {offsets = [15], sizes = [1], strides = [1]} : vector<16xi32> to vector<1xi32>
      %squeeze3A_563 = vector.extract %slice3A_562[0] : i32 from vector<1xi32>
      %dma_start3A_564 = arith.constant 0 : i32
      %dma_start3A_565 = tpu.memref_slice %arg13[%add3A_561, %dma_start3A_564] : memref<256x32xf32, #tpu.memory_space<vmem>> -> memref<1x32xf32, #tpu.memory_space<vmem>>
      %dma_start3A_566 = arith.constant 0 : i32
      %dma_start3A_567 = tpu.memref_slice %arg2[%squeeze3A_563, %dma_start3A_566] : memref<1000000x32xf32, #tpu.memory_space<hbm>> -> memref<1x32xf32, #tpu.memory_space<hbm>>
      %dma_start3A_568 = arith.constant 0 : i32
      %dma_start3A_569 = tpu.memref_slice %arg13[%add3A_561, %dma_start3A_568] : memref<256x32xf32, #tpu.memory_space<vmem>> -> memref<1x32xf32, #tpu.memory_space<vmem>>
      %dma_start3A_570 = arith.constant 0 : i32
      %dma_start3A_571 = tpu.memref_slice %arg2[%squeeze3A_563, %dma_start3A_570] : memref<1000000x32xf32, #tpu.memory_space<hbm>> -> memref<1x32xf32, #tpu.memory_space<hbm>>
      tpu.enqueue_dma source(%dma_start3A_571 : memref<1x32xf32, #tpu.memory_space<hbm>>) target(%dma_start3A_569 : memref<1x32xf32, #tpu.memory_space<vmem>>) target_semaphore(%arg16 : memref<!tpu.dma_semaphore, #tpu.memory_space<semaphore_mem>>)
      %slice3A_572 = vector.extract_strided_slice %get3A_47 {offsets = [15], sizes = [1], strides = [1]} : vector<16xi32> to vector<1xi32>
      %squeeze3A_573 = vector.extract %slice3A_572[0] : i32 from vector<1xi32>
      %dma_start3A_574 = arith.constant 0 : i32
      %dma_start3A_575 = tpu.memref_slice %arg14[%add3A_561, %dma_start3A_574] : memref<256x32xf32, #tpu.memory_space<vmem>> -> memref<1x32xf32, #tpu.memory_space<vmem>>
      %dma_start3A_576 = arith.constant 0 : i32
      %dma_start3A_577 = tpu.memref_slice %arg3[%squeeze3A_573, %dma_start3A_576] : memref<1000000x32xf32, #tpu.memory_space<hbm>> -> memref<1x32xf32, #tpu.memory_space<hbm>>
      %dma_start3A_578 = arith.constant 0 : i32
      %dma_start3A_579 = tpu.memref_slice %arg14[%add3A_561, %dma_start3A_578] : memref<256x32xf32, #tpu.memory_space<vmem>> -> memref<1x32xf32, #tpu.memory_space<vmem>>
      %dma_start3A_580 = arith.constant 0 : i32
      %dma_start3A_581 = tpu.memref_slice %arg3[%squeeze3A_573, %dma_start3A_580] : memref<1000000x32xf32, #tpu.memory_space<hbm>> -> memref<1x32xf32, #tpu.memory_space<hbm>>
      tpu.enqueue_dma source(%dma_start3A_581 : memref<1x32xf32, #tpu.memory_space<hbm>>) target(%dma_start3A_579 : memref<1x32xf32, #tpu.memory_space<vmem>>) target_semaphore(%arg16 : memref<!tpu.dma_semaphore, #tpu.memory_space<semaphore_mem>>)
      %slice3A_582 = vector.extract_strided_slice %get3A_50 {offsets = [15], sizes = [1], strides = [1]} : vector<16xi32> to vector<1xi32>
      %squeeze3A_583 = vector.extract %slice3A_582[0] : i32 from vector<1xi32>
      %dma_start3A_584 = arith.constant 0 : i32
      %dma_start3A_585 = tpu.memref_slice %arg15[%add3A_561, %dma_start3A_584] : memref<256x32xf32, #tpu.memory_space<vmem>> -> memref<1x32xf32, #tpu.memory_space<vmem>>
      %dma_start3A_586 = arith.constant 0 : i32
      %dma_start3A_587 = tpu.memref_slice %arg3[%squeeze3A_583, %dma_start3A_586] : memref<1000000x32xf32, #tpu.memory_space<hbm>> -> memref<1x32xf32, #tpu.memory_space<hbm>>
      %dma_start3A_588 = arith.constant 0 : i32
      %dma_start3A_589 = tpu.memref_slice %arg15[%add3A_561, %dma_start3A_588] : memref<256x32xf32, #tpu.memory_space<vmem>> -> memref<1x32xf32, #tpu.memory_space<vmem>>
      %dma_start3A_590 = arith.constant 0 : i32
      %dma_start3A_591 = tpu.memref_slice %arg3[%squeeze3A_583, %dma_start3A_590] : memref<1000000x32xf32, #tpu.memory_space<hbm>> -> memref<1x32xf32, #tpu.memory_space<hbm>>
      tpu.enqueue_dma source(%dma_start3A_591 : memref<1x32xf32, #tpu.memory_space<hbm>>) target(%dma_start3A_589 : memref<1x32xf32, #tpu.memory_space<vmem>>) target_semaphore(%arg16 : memref<!tpu.dma_semaphore, #tpu.memory_space<semaphore_mem>>)
    }
    %scan3A_7 = arith.constant 16 : i32
    %scan3A_8 = arith.constant 0 : i32
    %scan3A_9 = arith.constant 0 : i32
    %scan3A_10 = arith.constant 256 : i32
    %scan3A_11 = arith.addi %scan3A_9, %scan3A_10 : i32
    %scan3A_12 = arith.constant 1 : i32
    scf.for %scan3A_38 = %scan3A_9 to %scan3A_11 step %scan3A_12  : i32 {
      %dma_wait3A = arith.constant 0 : i32
      %dma_wait3A_39 = arith.constant 0 : i32
      %dma_wait3A_40 = tpu.memref_slice %arg13[%dma_wait3A, %dma_wait3A_39] : memref<256x32xf32, #tpu.memory_space<vmem>> -> memref<1x32xf32, #tpu.memory_space<vmem>>
      %dma_wait3A_41 = arith.constant 0 : i32
      %dma_wait3A_42 = arith.constant 0 : i32
      %dma_wait3A_43 = tpu.memref_slice %arg2[%dma_wait3A_41, %dma_wait3A_42] : memref<1000000x32xf32, #tpu.memory_space<hbm>> -> memref<1x32xf32, #tpu.memory_space<hbm>>
      %dma_wait3A_44 = arith.constant 0 : i32
      %dma_wait3A_45 = arith.constant 0 : i32
      %dma_wait3A_46 = tpu.memref_slice %arg13[%dma_wait3A_44, %dma_wait3A_45] : memref<256x32xf32, #tpu.memory_space<vmem>> -> memref<1x32xf32, #tpu.memory_space<vmem>>
      %dma_wait3A_47 = arith.constant 0 : i32
      %dma_wait3A_48 = arith.constant 0 : i32
      %dma_wait3A_49 = tpu.memref_slice %arg2[%dma_wait3A_47, %dma_wait3A_48] : memref<1000000x32xf32, #tpu.memory_space<hbm>> -> memref<1x32xf32, #tpu.memory_space<hbm>>
      tpu.wait_dma2 semaphore(%arg16 : memref<!tpu.dma_semaphore, #tpu.memory_space<semaphore_mem>>) src(%dma_wait3A_49 : memref<1x32xf32, #tpu.memory_space<hbm>>) dst(%dma_wait3A_46 : memref<1x32xf32, #tpu.memory_space<vmem>>)
      %dma_wait3A_50 = arith.constant 0 : i32
      %dma_wait3A_51 = arith.constant 0 : i32
      %dma_wait3A_52 = tpu.memref_slice %arg13[%dma_wait3A_50, %dma_wait3A_51] : memref<256x32xf32, #tpu.memory_space<vmem>> -> memref<1x32xf32, #tpu.memory_space<vmem>>
      %dma_wait3A_53 = arith.constant 0 : i32
      %dma_wait3A_54 = arith.constant 0 : i32
      %dma_wait3A_55 = tpu.memref_slice %arg2[%dma_wait3A_53, %dma_wait3A_54] : memref<1000000x32xf32, #tpu.memory_space<hbm>> -> memref<1x32xf32, #tpu.memory_space<hbm>>
      %dma_wait3A_56 = arith.constant 0 : i32
      %dma_wait3A_57 = arith.constant 0 : i32
      %dma_wait3A_58 = tpu.memref_slice %arg13[%dma_wait3A_56, %dma_wait3A_57] : memref<256x32xf32, #tpu.memory_space<vmem>> -> memref<1x32xf32, #tpu.memory_space<vmem>>
      %dma_wait3A_59 = arith.constant 0 : i32
      %dma_wait3A_60 = arith.constant 0 : i32
      %dma_wait3A_61 = tpu.memref_slice %arg2[%dma_wait3A_59, %dma_wait3A_60] : memref<1000000x32xf32, #tpu.memory_space<hbm>> -> memref<1x32xf32, #tpu.memory_space<hbm>>
      tpu.wait_dma2 semaphore(%arg16 : memref<!tpu.dma_semaphore, #tpu.memory_space<semaphore_mem>>) src(%dma_wait3A_61 : memref<1x32xf32, #tpu.memory_space<hbm>>) dst(%dma_wait3A_58 : memref<1x32xf32, #tpu.memory_space<vmem>>)
      %dma_wait3A_62 = arith.constant 0 : i32
      %dma_wait3A_63 = arith.constant 0 : i32
      %dma_wait3A_64 = tpu.memref_slice %arg13[%dma_wait3A_62, %dma_wait3A_63] : memref<256x32xf32, #tpu.memory_space<vmem>> -> memref<1x32xf32, #tpu.memory_space<vmem>>
      %dma_wait3A_65 = arith.constant 0 : i32
      %dma_wait3A_66 = arith.constant 0 : i32
      %dma_wait3A_67 = tpu.memref_slice %arg2[%dma_wait3A_65, %dma_wait3A_66] : memref<1000000x32xf32, #tpu.memory_space<hbm>> -> memref<1x32xf32, #tpu.memory_space<hbm>>
      %dma_wait3A_68 = arith.constant 0 : i32
      %dma_wait3A_69 = arith.constant 0 : i32
      %dma_wait3A_70 = tpu.memref_slice %arg13[%dma_wait3A_68, %dma_wait3A_69] : memref<256x32xf32, #tpu.memory_space<vmem>> -> memref<1x32xf32, #tpu.memory_space<vmem>>
      %dma_wait3A_71 = arith.constant 0 : i32
      %dma_wait3A_72 = arith.constant 0 : i32
      %dma_wait3A_73 = tpu.memref_slice %arg2[%dma_wait3A_71, %dma_wait3A_72] : memref<1000000x32xf32, #tpu.memory_space<hbm>> -> memref<1x32xf32, #tpu.memory_space<hbm>>
      tpu.wait_dma2 semaphore(%arg16 : memref<!tpu.dma_semaphore, #tpu.memory_space<semaphore_mem>>) src(%dma_wait3A_73 : memref<1x32xf32, #tpu.memory_space<hbm>>) dst(%dma_wait3A_70 : memref<1x32xf32, #tpu.memory_space<vmem>>)
    }
    %scan3A_13 = arith.constant 256 : i32
    %add3A_14 = arith.constant 0 : i32
    %add3A_15 = arith.addi %mul3A_2, %add3A_14 : i32
    "tpu.region"() ({
      %run_scoped3A = tpu.sem_alloc : memref<!tpu.dma_semaphore, #tpu.memory_space<semaphore_mem>>
      %dma_start3A = arith.constant 0 : i32
      %dma_start3A_38 = tpu.memref_slice %arg7[%add3A_15, %dma_start3A] : memref<16384x32xf32, #tpu.memory_space<hbm>> -> memref<256x32xf32, #tpu.memory_space<hbm>>
      %dma_start3A_39 = arith.constant 0 : i32
      %dma_start3A_40 = tpu.memref_slice %arg7[%add3A_15, %dma_start3A_39] : memref<16384x32xf32, #tpu.memory_space<hbm>> -> memref<256x32xf32, #tpu.memory_space<hbm>>
      tpu.enqueue_dma source(%arg13 : memref<256x32xf32, #tpu.memory_space<vmem>>) target(%dma_start3A_40 : memref<256x32xf32, #tpu.memory_space<hbm>>) target_semaphore(%run_scoped3A : memref<!tpu.dma_semaphore, #tpu.memory_space<semaphore_mem>>)
      %dma_wait3A = arith.constant 0 : i32
      %dma_wait3A_41 = tpu.memref_slice %arg7[%add3A_15, %dma_wait3A] : memref<16384x32xf32, #tpu.memory_space<hbm>> -> memref<256x32xf32, #tpu.memory_space<hbm>>
      %dma_wait3A_42 = arith.constant 0 : i32
      %dma_wait3A_43 = tpu.memref_slice %arg7[%add3A_15, %dma_wait3A_42] : memref<16384x32xf32, #tpu.memory_space<hbm>> -> memref<256x32xf32, #tpu.memory_space<hbm>>
      tpu.wait_dma2 semaphore(%run_scoped3A : memref<!tpu.dma_semaphore, #tpu.memory_space<semaphore_mem>>) src(%arg13 : memref<256x32xf32, #tpu.memory_space<vmem>>) dst(%dma_wait3A_43 : memref<256x32xf32, #tpu.memory_space<hbm>>)
      tpu.yield
    }) : () -> ()
    %add3A_16 = arith.constant 0 : i32
    %add3A_17 = arith.addi %mul3A_2, %add3A_16 : i32
    "tpu.region"() ({
      %run_scoped3A = tpu.sem_alloc : memref<!tpu.dma_semaphore, #tpu.memory_space<semaphore_mem>>
      %dma_start3A = arith.constant 0 : i32
      %dma_start3A_38 = tpu.memref_slice %arg8[%add3A_17, %dma_start3A] : memref<16384x32xf32, #tpu.memory_space<hbm>> -> memref<256x32xf32, #tpu.memory_space<hbm>>
      %dma_start3A_39 = arith.constant 0 : i32
      %dma_start3A_40 = tpu.memref_slice %arg8[%add3A_17, %dma_start3A_39] : memref<16384x32xf32, #tpu.memory_space<hbm>> -> memref<256x32xf32, #tpu.memory_space<hbm>>
      tpu.enqueue_dma source(%arg14 : memref<256x32xf32, #tpu.memory_space<vmem>>) target(%dma_start3A_40 : memref<256x32xf32, #tpu.memory_space<hbm>>) target_semaphore(%run_scoped3A : memref<!tpu.dma_semaphore, #tpu.memory_space<semaphore_mem>>)
      %dma_wait3A = arith.constant 0 : i32
      %dma_wait3A_41 = tpu.memref_slice %arg8[%add3A_17, %dma_wait3A] : memref<16384x32xf32, #tpu.memory_space<hbm>> -> memref<256x32xf32, #tpu.memory_space<hbm>>
      %dma_wait3A_42 = arith.constant 0 : i32
      %dma_wait3A_43 = tpu.memref_slice %arg8[%add3A_17, %dma_wait3A_42] : memref<16384x32xf32, #tpu.memory_space<hbm>> -> memref<256x32xf32, #tpu.memory_space<hbm>>
      tpu.wait_dma2 semaphore(%run_scoped3A : memref<!tpu.dma_semaphore, #tpu.memory_space<semaphore_mem>>) src(%arg14 : memref<256x32xf32, #tpu.memory_space<vmem>>) dst(%dma_wait3A_43 : memref<256x32xf32, #tpu.memory_space<hbm>>)
      tpu.yield
    }) : () -> ()
    %add3A_18 = arith.constant 0 : i32
    %add3A_19 = arith.addi %mul3A_2, %add3A_18 : i32
    "tpu.region"() ({
      %run_scoped3A = tpu.sem_alloc : memref<!tpu.dma_semaphore, #tpu.memory_space<semaphore_mem>>
      %dma_start3A = arith.constant 0 : i32
      %dma_start3A_38 = tpu.memref_slice %arg9[%add3A_19, %dma_start3A] : memref<16384x32xf32, #tpu.memory_space<hbm>> -> memref<256x32xf32, #tpu.memory_space<hbm>>
      %dma_start3A_39 = arith.constant 0 : i32
      %dma_start3A_40 = tpu.memref_slice %arg9[%add3A_19, %dma_start3A_39] : memref<16384x32xf32, #tpu.memory_space<hbm>> -> memref<256x32xf32, #tpu.memory_space<hbm>>
      tpu.enqueue_dma source(%arg15 : memref<256x32xf32, #tpu.memory_space<vmem>>) target(%dma_start3A_40 : memref<256x32xf32, #tpu.memory_space<hbm>>) target_semaphore(%run_scoped3A : memref<!tpu.dma_semaphore, #tpu.memory_space<semaphore_mem>>)
      %dma_wait3A = arith.constant 0 : i32
      %dma_wait3A_41 = tpu.memref_slice %arg9[%add3A_19, %dma_wait3A] : memref<16384x32xf32, #tpu.memory_space<hbm>> -> memref<256x32xf32, #tpu.memory_space<hbm>>
      %dma_wait3A_42 = arith.constant 0 : i32
      %dma_wait3A_43 = tpu.memref_slice %arg9[%add3A_19, %dma_wait3A_42] : memref<16384x32xf32, #tpu.memory_space<hbm>> -> memref<256x32xf32, #tpu.memory_space<hbm>>
      tpu.wait_dma2 semaphore(%run_scoped3A : memref<!tpu.dma_semaphore, #tpu.memory_space<semaphore_mem>>) src(%arg15 : memref<256x32xf32, #tpu.memory_space<vmem>>) dst(%dma_wait3A_43 : memref<256x32xf32, #tpu.memory_space<hbm>>)
      tpu.yield
    }) : () -> ()
    %scan3A_20 = arith.constant 0 : i32
    %scan3A_21 = arith.constant 0 : i32
    %scan3A_22 = arith.constant 16 : i32
    %scan3A_23 = arith.addi %scan3A_21, %scan3A_22 : i32
    %scan3A_24 = arith.constant 1 : i32
    scf.for %scan3A_38 = %scan3A_21 to %scan3A_23 step %scan3A_24  : i32 {
      %mul3A_39 = arith.constant 16 : i32
      %mul3A_40 = arith.muli %scan3A_38, %mul3A_39 : i32
      %add3A_41 = arith.constant 256 : i32
      %add3A_42 = arith.addi %add3A_41, %mul3A_40 : i32
      %get3A = arith.index_cast %add3A_42 : i32 to index
      %get3A_43 = tpu.vector_load %arg10[%get3A] {strides = array<i32>} : memref<512xi32, #tpu.memory_space<vmem>>, vector<16xi32>,
      %get3A_44 = vector.shape_cast %get3A_43 : vector<16xi32> to vector<16xi32>
      %get3A_45 = arith.index_cast %add3A_42 : i32 to index
      %get3A_46 = tpu.vector_load %arg11[%get3A_45] {strides = array<i32>} : memref<512xi32, #tpu.memory_space<vmem>>, vector<16xi32>,
      %get3A_47 = vector.shape_cast %get3A_46 : vector<16xi32> to vector<16xi32>
      %get3A_48 = arith.index_cast %add3A_42 : i32 to index
      %get3A_49 = tpu.vector_load %arg12[%get3A_48] {strides = array<i32>} : memref<512xi32, #tpu.memory_space<vmem>>, vector<16xi32>,
      %get3A_50 = vector.shape_cast %get3A_49 : vector<16xi32> to vector<16xi32>
      %mul3A_51 = arith.constant 16 : i32
      %mul3A_52 = arith.muli %scan3A_38, %mul3A_51 : i32
      %add3A_53 = arith.constant 0 : i32
      %add3A_54 = arith.addi %mul3A_52, %add3A_53 : i32
      %slice3A = vector.extract_strided_slice %get3A_44 {offsets = [0], sizes = [1], strides = [1]} : vector<16xi32> to vector<1xi32>
      %squeeze3A = vector.extract %slice3A[0] : i32 from vector<1xi32>
      %dma_start3A = arith.constant 0 : i32
      %dma_start3A_55 = tpu.memref_slice %arg13[%add3A_54, %dma_start3A] : memref<256x32xf32, #tpu.memory_space<vmem>> -> memref<1x32xf32, #tpu.memory_space<vmem>>
      %dma_start3A_56 = arith.constant 0 : i32
      %dma_start3A_57 = tpu.memref_slice %arg2[%squeeze3A, %dma_start3A_56] : memref<1000000x32xf32, #tpu.memory_space<hbm>> -> memref<1x32xf32, #tpu.memory_space<hbm>>
      %dma_start3A_58 = arith.constant 0 : i32
      %dma_start3A_59 = tpu.memref_slice %arg13[%add3A_54, %dma_start3A_58] : memref<256x32xf32, #tpu.memory_space<vmem>> -> memref<1x32xf32, #tpu.memory_space<vmem>>
      %dma_start3A_60 = arith.constant 0 : i32
      %dma_start3A_61 = tpu.memref_slice %arg2[%squeeze3A, %dma_start3A_60] : memref<1000000x32xf32, #tpu.memory_space<hbm>> -> memref<1x32xf32, #tpu.memory_space<hbm>>
      tpu.enqueue_dma source(%dma_start3A_61 : memref<1x32xf32, #tpu.memory_space<hbm>>) target(%dma_start3A_59 : memref<1x32xf32, #tpu.memory_space<vmem>>) target_semaphore(%arg16 : memref<!tpu.dma_semaphore, #tpu.memory_space<semaphore_mem>>)
      %slice3A_62 = vector.extract_strided_slice %get3A_47 {offsets = [0], sizes = [1], strides = [1]} : vector<16xi32> to vector<1xi32>
      %squeeze3A_63 = vector.extract %slice3A_62[0] : i32 from vector<1xi32>
      %dma_start3A_64 = arith.constant 0 : i32
      %dma_start3A_65 = tpu.memref_slice %arg14[%add3A_54, %dma_start3A_64] : memref<256x32xf32, #tpu.memory_space<vmem>> -> memref<1x32xf32, #tpu.memory_space<vmem>>
      %dma_start3A_66 = arith.constant 0 : i32
      %dma_start3A_67 = tpu.memref_slice %arg3[%squeeze3A_63, %dma_start3A_66] : memref<1000000x32xf32, #tpu.memory_space<hbm>> -> memref<1x32xf32, #tpu.memory_space<hbm>>
      %dma_start3A_68 = arith.constant 0 : i32
      %dma_start3A_69 = tpu.memref_slice %arg14[%add3A_54, %dma_start3A_68] : memref<256x32xf32, #tpu.memory_space<vmem>> -> memref<1x32xf32, #tpu.memory_space<vmem>>
      %dma_start3A_70 = arith.constant 0 : i32
      %dma_start3A_71 = tpu.memref_slice %arg3[%squeeze3A_63, %dma_start3A_70] : memref<1000000x32xf32, #tpu.memory_space<hbm>> -> memref<1x32xf32, #tpu.memory_space<hbm>>
      tpu.enqueue_dma source(%dma_start3A_71 : memref<1x32xf32, #tpu.memory_space<hbm>>) target(%dma_start3A_69 : memref<1x32xf32, #tpu.memory_space<vmem>>) target_semaphore(%arg16 : memref<!tpu.dma_semaphore, #tpu.memory_space<semaphore_mem>>)
      %slice3A_72 = vector.extract_strided_slice %get3A_50 {offsets = [0], sizes = [1], strides = [1]} : vector<16xi32> to vector<1xi32>
      %squeeze3A_73 = vector.extract %slice3A_72[0] : i32 from vector<1xi32>
      %dma_start3A_74 = arith.constant 0 : i32
      %dma_start3A_75 = tpu.memref_slice %arg15[%add3A_54, %dma_start3A_74] : memref<256x32xf32, #tpu.memory_space<vmem>> -> memref<1x32xf32, #tpu.memory_space<vmem>>
      %dma_start3A_76 = arith.constant 0 : i32
      %dma_start3A_77 = tpu.memref_slice %arg3[%squeeze3A_73, %dma_start3A_76] : memref<1000000x32xf32, #tpu.memory_space<hbm>> -> memref<1x32xf32, #tpu.memory_space<hbm>>
      %dma_start3A_78 = arith.constant 0 : i32
      %dma_start3A_79 = tpu.memref_slice %arg15[%add3A_54, %dma_start3A_78] : memref<256x32xf32, #tpu.memory_space<vmem>> -> memref<1x32xf32, #tpu.memory_space<vmem>>
      %dma_start3A_80 = arith.constant 0 : i32
      %dma_start3A_81 = tpu.memref_slice %arg3[%squeeze3A_73, %dma_start3A_80] : memref<1000000x32xf32, #tpu.memory_space<hbm>> -> memref<1x32xf32, #tpu.memory_space<hbm>>
      tpu.enqueue_dma source(%dma_start3A_81 : memref<1x32xf32, #tpu.memory_space<hbm>>) target(%dma_start3A_79 : memref<1x32xf32, #tpu.memory_space<vmem>>) target_semaphore(%arg16 : memref<!tpu.dma_semaphore, #tpu.memory_space<semaphore_mem>>)
      %mul3A_82 = arith.constant 16 : i32
      %mul3A_83 = arith.muli %scan3A_38, %mul3A_82 : i32
      %add3A_84 = arith.constant 1 : i32
      %add3A_85 = arith.addi %mul3A_83, %add3A_84 : i32
      %slice3A_86 = vector.extract_strided_slice %get3A_44 {offsets = [1], sizes = [1], strides = [1]} : vector<16xi32> to vector<1xi32>
      %squeeze3A_87 = vector.extract %slice3A_86[0] : i32 from vector<1xi32>
      %dma_start3A_88 = arith.constant 0 : i32
      %dma_start3A_89 = tpu.memref_slice %arg13[%add3A_85, %dma_start3A_88] : memref<256x32xf32, #tpu.memory_space<vmem>> -> memref<1x32xf32, #tpu.memory_space<vmem>>
      %dma_start3A_90 = arith.constant 0 : i32
      %dma_start3A_91 = tpu.memref_slice %arg2[%squeeze3A_87, %dma_start3A_90] : memref<1000000x32xf32, #tpu.memory_space<hbm>> -> memref<1x32xf32, #tpu.memory_space<hbm>>
      %dma_start3A_92 = arith.constant 0 : i32
      %dma_start3A_93 = tpu.memref_slice %arg13[%add3A_85, %dma_start3A_92] : memref<256x32xf32, #tpu.memory_space<vmem>> -> memref<1x32xf32, #tpu.memory_space<vmem>>
      %dma_start3A_94 = arith.constant 0 : i32
      %dma_start3A_95 = tpu.memref_slice %arg2[%squeeze3A_87, %dma_start3A_94] : memref<1000000x32xf32, #tpu.memory_space<hbm>> -> memref<1x32xf32, #tpu.memory_space<hbm>>
      tpu.enqueue_dma source(%dma_start3A_95 : memref<1x32xf32, #tpu.memory_space<hbm>>) target(%dma_start3A_93 : memref<1x32xf32, #tpu.memory_space<vmem>>) target_semaphore(%arg16 : memref<!tpu.dma_semaphore, #tpu.memory_space<semaphore_mem>>)
      %slice3A_96 = vector.extract_strided_slice %get3A_47 {offsets = [1], sizes = [1], strides = [1]} : vector<16xi32> to vector<1xi32>
      %squeeze3A_97 = vector.extract %slice3A_96[0] : i32 from vector<1xi32>
      %dma_start3A_98 = arith.constant 0 : i32
      %dma_start3A_99 = tpu.memref_slice %arg14[%add3A_85, %dma_start3A_98] : memref<256x32xf32, #tpu.memory_space<vmem>> -> memref<1x32xf32, #tpu.memory_space<vmem>>
      %dma_start3A_100 = arith.constant 0 : i32
      %dma_start3A_101 = tpu.memref_slice %arg3[%squeeze3A_97, %dma_start3A_100] : memref<1000000x32xf32, #tpu.memory_space<hbm>> -> memref<1x32xf32, #tpu.memory_space<hbm>>
      %dma_start3A_102 = arith.constant 0 : i32
      %dma_start3A_103 = tpu.memref_slice %arg14[%add3A_85, %dma_start3A_102] : memref<256x32xf32, #tpu.memory_space<vmem>> -> memref<1x32xf32, #tpu.memory_space<vmem>>
      %dma_start3A_104 = arith.constant 0 : i32
      %dma_start3A_105 = tpu.memref_slice %arg3[%squeeze3A_97, %dma_start3A_104] : memref<1000000x32xf32, #tpu.memory_space<hbm>> -> memref<1x32xf32, #tpu.memory_space<hbm>>
      tpu.enqueue_dma source(%dma_start3A_105 : memref<1x32xf32, #tpu.memory_space<hbm>>) target(%dma_start3A_103 : memref<1x32xf32, #tpu.memory_space<vmem>>) target_semaphore(%arg16 : memref<!tpu.dma_semaphore, #tpu.memory_space<semaphore_mem>>)
      %slice3A_106 = vector.extract_strided_slice %get3A_50 {offsets = [1], sizes = [1], strides = [1]} : vector<16xi32> to vector<1xi32>
      %squeeze3A_107 = vector.extract %slice3A_106[0] : i32 from vector<1xi32>
      %dma_start3A_108 = arith.constant 0 : i32
      %dma_start3A_109 = tpu.memref_slice %arg15[%add3A_85, %dma_start3A_108] : memref<256x32xf32, #tpu.memory_space<vmem>> -> memref<1x32xf32, #tpu.memory_space<vmem>>
      %dma_start3A_110 = arith.constant 0 : i32
      %dma_start3A_111 = tpu.memref_slice %arg3[%squeeze3A_107, %dma_start3A_110] : memref<1000000x32xf32, #tpu.memory_space<hbm>> -> memref<1x32xf32, #tpu.memory_space<hbm>>
      %dma_start3A_112 = arith.constant 0 : i32
      %dma_start3A_113 = tpu.memref_slice %arg15[%add3A_85, %dma_start3A_112] : memref<256x32xf32, #tpu.memory_space<vmem>> -> memref<1x32xf32, #tpu.memory_space<vmem>>
      %dma_start3A_114 = arith.constant 0 : i32
      %dma_start3A_115 = tpu.memref_slice %arg3[%squeeze3A_107, %dma_start3A_114] : memref<1000000x32xf32, #tpu.memory_space<hbm>> -> memref<1x32xf32, #tpu.memory_space<hbm>>
      tpu.enqueue_dma source(%dma_start3A_115 : memref<1x32xf32, #tpu.memory_space<hbm>>) target(%dma_start3A_113 : memref<1x32xf32, #tpu.memory_space<vmem>>) target_semaphore(%arg16 : memref<!tpu.dma_semaphore, #tpu.memory_space<semaphore_mem>>)
      %mul3A_116 = arith.constant 16 : i32
      %mul3A_117 = arith.muli %scan3A_38, %mul3A_116 : i32
      %add3A_118 = arith.constant 2 : i32
      %add3A_119 = arith.addi %mul3A_117, %add3A_118 : i32
      %slice3A_120 = vector.extract_strided_slice %get3A_44 {offsets = [2], sizes = [1], strides = [1]} : vector<16xi32> to vector<1xi32>
      %squeeze3A_121 = vector.extract %slice3A_120[0] : i32 from vector<1xi32>
      %dma_start3A_122 = arith.constant 0 : i32
      %dma_start3A_123 = tpu.memref_slice %arg13[%add3A_119, %dma_start3A_122] : memref<256x32xf32, #tpu.memory_space<vmem>> -> memref<1x32xf32, #tpu.memory_space<vmem>>
      %dma_start3A_124 = arith.constant 0 : i32
      %dma_start3A_125 = tpu.memref_slice %arg2[%squeeze3A_121, %dma_start3A_124] : memref<1000000x32xf32, #tpu.memory_space<hbm>> -> memref<1x32xf32, #tpu.memory_space<hbm>>
      %dma_start3A_126 = arith.constant 0 : i32
      %dma_start3A_127 = tpu.memref_slice %arg13[%add3A_119, %dma_start3A_126] : memref<256x32xf32, #tpu.memory_space<vmem>> -> memref<1x32xf32, #tpu.memory_space<vmem>>
      %dma_start3A_128 = arith.constant 0 : i32
      %dma_start3A_129 = tpu.memref_slice %arg2[%squeeze3A_121, %dma_start3A_128] : memref<1000000x32xf32, #tpu.memory_space<hbm>> -> memref<1x32xf32, #tpu.memory_space<hbm>>
      tpu.enqueue_dma source(%dma_start3A_129 : memref<1x32xf32, #tpu.memory_space<hbm>>) target(%dma_start3A_127 : memref<1x32xf32, #tpu.memory_space<vmem>>) target_semaphore(%arg16 : memref<!tpu.dma_semaphore, #tpu.memory_space<semaphore_mem>>)
      %slice3A_130 = vector.extract_strided_slice %get3A_47 {offsets = [2], sizes = [1], strides = [1]} : vector<16xi32> to vector<1xi32>
      %squeeze3A_131 = vector.extract %slice3A_130[0] : i32 from vector<1xi32>
      %dma_start3A_132 = arith.constant 0 : i32
      %dma_start3A_133 = tpu.memref_slice %arg14[%add3A_119, %dma_start3A_132] : memref<256x32xf32, #tpu.memory_space<vmem>> -> memref<1x32xf32, #tpu.memory_space<vmem>>
      %dma_start3A_134 = arith.constant 0 : i32
      %dma_start3A_135 = tpu.memref_slice %arg3[%squeeze3A_131, %dma_start3A_134] : memref<1000000x32xf32, #tpu.memory_space<hbm>> -> memref<1x32xf32, #tpu.memory_space<hbm>>
      %dma_start3A_136 = arith.constant 0 : i32
      %dma_start3A_137 = tpu.memref_slice %arg14[%add3A_119, %dma_start3A_136] : memref<256x32xf32, #tpu.memory_space<vmem>> -> memref<1x32xf32, #tpu.memory_space<vmem>>
      %dma_start3A_138 = arith.constant 0 : i32
      %dma_start3A_139 = tpu.memref_slice %arg3[%squeeze3A_131, %dma_start3A_138] : memref<1000000x32xf32, #tpu.memory_space<hbm>> -> memref<1x32xf32, #tpu.memory_space<hbm>>
      tpu.enqueue_dma source(%dma_start3A_139 : memref<1x32xf32, #tpu.memory_space<hbm>>) target(%dma_start3A_137 : memref<1x32xf32, #tpu.memory_space<vmem>>) target_semaphore(%arg16 : memref<!tpu.dma_semaphore, #tpu.memory_space<semaphore_mem>>)
      %slice3A_140 = vector.extract_strided_slice %get3A_50 {offsets = [2], sizes = [1], strides = [1]} : vector<16xi32> to vector<1xi32>
      %squeeze3A_141 = vector.extract %slice3A_140[0] : i32 from vector<1xi32>
      %dma_start3A_142 = arith.constant 0 : i32
      %dma_start3A_143 = tpu.memref_slice %arg15[%add3A_119, %dma_start3A_142] : memref<256x32xf32, #tpu.memory_space<vmem>> -> memref<1x32xf32, #tpu.memory_space<vmem>>
      %dma_start3A_144 = arith.constant 0 : i32
      %dma_start3A_145 = tpu.memref_slice %arg3[%squeeze3A_141, %dma_start3A_144] : memref<1000000x32xf32, #tpu.memory_space<hbm>> -> memref<1x32xf32, #tpu.memory_space<hbm>>
      %dma_start3A_146 = arith.constant 0 : i32
      %dma_start3A_147 = tpu.memref_slice %arg15[%add3A_119, %dma_start3A_146] : memref<256x32xf32, #tpu.memory_space<vmem>> -> memref<1x32xf32, #tpu.memory_space<vmem>>
      %dma_start3A_148 = arith.constant 0 : i32
      %dma_start3A_149 = tpu.memref_slice %arg3[%squeeze3A_141, %dma_start3A_148] : memref<1000000x32xf32, #tpu.memory_space<hbm>> -> memref<1x32xf32, #tpu.memory_space<hbm>>
      tpu.enqueue_dma source(%dma_start3A_149 : memref<1x32xf32, #tpu.memory_space<hbm>>) target(%dma_start3A_147 : memref<1x32xf32, #tpu.memory_space<vmem>>) target_semaphore(%arg16 : memref<!tpu.dma_semaphore, #tpu.memory_space<semaphore_mem>>)
      %mul3A_150 = arith.constant 16 : i32
      %mul3A_151 = arith.muli %scan3A_38, %mul3A_150 : i32
      %add3A_152 = arith.constant 3 : i32
      %add3A_153 = arith.addi %mul3A_151, %add3A_152 : i32
      %slice3A_154 = vector.extract_strided_slice %get3A_44 {offsets = [3], sizes = [1], strides = [1]} : vector<16xi32> to vector<1xi32>
      %squeeze3A_155 = vector.extract %slice3A_154[0] : i32 from vector<1xi32>
      %dma_start3A_156 = arith.constant 0 : i32
      %dma_start3A_157 = tpu.memref_slice %arg13[%add3A_153, %dma_start3A_156] : memref<256x32xf32, #tpu.memory_space<vmem>> -> memref<1x32xf32, #tpu.memory_space<vmem>>
      %dma_start3A_158 = arith.constant 0 : i32
      %dma_start3A_159 = tpu.memref_slice %arg2[%squeeze3A_155, %dma_start3A_158] : memref<1000000x32xf32, #tpu.memory_space<hbm>> -> memref<1x32xf32, #tpu.memory_space<hbm>>
      %dma_start3A_160 = arith.constant 0 : i32
      %dma_start3A_161 = tpu.memref_slice %arg13[%add3A_153, %dma_start3A_160] : memref<256x32xf32, #tpu.memory_space<vmem>> -> memref<1x32xf32, #tpu.memory_space<vmem>>
      %dma_start3A_162 = arith.constant 0 : i32
      %dma_start3A_163 = tpu.memref_slice %arg2[%squeeze3A_155, %dma_start3A_162] : memref<1000000x32xf32, #tpu.memory_space<hbm>> -> memref<1x32xf32, #tpu.memory_space<hbm>>
      tpu.enqueue_dma source(%dma_start3A_163 : memref<1x32xf32, #tpu.memory_space<hbm>>) target(%dma_start3A_161 : memref<1x32xf32, #tpu.memory_space<vmem>>) target_semaphore(%arg16 : memref<!tpu.dma_semaphore, #tpu.memory_space<semaphore_mem>>)
      %slice3A_164 = vector.extract_strided_slice %get3A_47 {offsets = [3], sizes = [1], strides = [1]} : vector<16xi32> to vector<1xi32>
      %squeeze3A_165 = vector.extract %slice3A_164[0] : i32 from vector<1xi32>
      %dma_start3A_166 = arith.constant 0 : i32
      %dma_start3A_167 = tpu.memref_slice %arg14[%add3A_153, %dma_start3A_166] : memref<256x32xf32, #tpu.memory_space<vmem>> -> memref<1x32xf32, #tpu.memory_space<vmem>>
      %dma_start3A_168 = arith.constant 0 : i32
      %dma_start3A_169 = tpu.memref_slice %arg3[%squeeze3A_165, %dma_start3A_168] : memref<1000000x32xf32, #tpu.memory_space<hbm>> -> memref<1x32xf32, #tpu.memory_space<hbm>>
      %dma_start3A_170 = arith.constant 0 : i32
      %dma_start3A_171 = tpu.memref_slice %arg14[%add3A_153, %dma_start3A_170] : memref<256x32xf32, #tpu.memory_space<vmem>> -> memref<1x32xf32, #tpu.memory_space<vmem>>
      %dma_start3A_172 = arith.constant 0 : i32
      %dma_start3A_173 = tpu.memref_slice %arg3[%squeeze3A_165, %dma_start3A_172] : memref<1000000x32xf32, #tpu.memory_space<hbm>> -> memref<1x32xf32, #tpu.memory_space<hbm>>
      tpu.enqueue_dma source(%dma_start3A_173 : memref<1x32xf32, #tpu.memory_space<hbm>>) target(%dma_start3A_171 : memref<1x32xf32, #tpu.memory_space<vmem>>) target_semaphore(%arg16 : memref<!tpu.dma_semaphore, #tpu.memory_space<semaphore_mem>>)
      %slice3A_174 = vector.extract_strided_slice %get3A_50 {offsets = [3], sizes = [1], strides = [1]} : vector<16xi32> to vector<1xi32>
      %squeeze3A_175 = vector.extract %slice3A_174[0] : i32 from vector<1xi32>
      %dma_start3A_176 = arith.constant 0 : i32
      %dma_start3A_177 = tpu.memref_slice %arg15[%add3A_153, %dma_start3A_176] : memref<256x32xf32, #tpu.memory_space<vmem>> -> memref<1x32xf32, #tpu.memory_space<vmem>>
      %dma_start3A_178 = arith.constant 0 : i32
      %dma_start3A_179 = tpu.memref_slice %arg3[%squeeze3A_175, %dma_start3A_178] : memref<1000000x32xf32, #tpu.memory_space<hbm>> -> memref<1x32xf32, #tpu.memory_space<hbm>>
      %dma_start3A_180 = arith.constant 0 : i32
      %dma_start3A_181 = tpu.memref_slice %arg15[%add3A_153, %dma_start3A_180] : memref<256x32xf32, #tpu.memory_space<vmem>> -> memref<1x32xf32, #tpu.memory_space<vmem>>
      %dma_start3A_182 = arith.constant 0 : i32
      %dma_start3A_183 = tpu.memref_slice %arg3[%squeeze3A_175, %dma_start3A_182] : memref<1000000x32xf32, #tpu.memory_space<hbm>> -> memref<1x32xf32, #tpu.memory_space<hbm>>
      tpu.enqueue_dma source(%dma_start3A_183 : memref<1x32xf32, #tpu.memory_space<hbm>>) target(%dma_start3A_181 : memref<1x32xf32, #tpu.memory_space<vmem>>) target_semaphore(%arg16 : memref<!tpu.dma_semaphore, #tpu.memory_space<semaphore_mem>>)
      %mul3A_184 = arith.constant 16 : i32
      %mul3A_185 = arith.muli %scan3A_38, %mul3A_184 : i32
      %add3A_186 = arith.constant 4 : i32
      %add3A_187 = arith.addi %mul3A_185, %add3A_186 : i32
      %slice3A_188 = vector.extract_strided_slice %get3A_44 {offsets = [4], sizes = [1], strides = [1]} : vector<16xi32> to vector<1xi32>
      %squeeze3A_189 = vector.extract %slice3A_188[0] : i32 from vector<1xi32>
      %dma_start3A_190 = arith.constant 0 : i32
      %dma_start3A_191 = tpu.memref_slice %arg13[%add3A_187, %dma_start3A_190] : memref<256x32xf32, #tpu.memory_space<vmem>> -> memref<1x32xf32, #tpu.memory_space<vmem>>
      %dma_start3A_192 = arith.constant 0 : i32
      %dma_start3A_193 = tpu.memref_slice %arg2[%squeeze3A_189, %dma_start3A_192] : memref<1000000x32xf32, #tpu.memory_space<hbm>> -> memref<1x32xf32, #tpu.memory_space<hbm>>
      %dma_start3A_194 = arith.constant 0 : i32
      %dma_start3A_195 = tpu.memref_slice %arg13[%add3A_187, %dma_start3A_194] : memref<256x32xf32, #tpu.memory_space<vmem>> -> memref<1x32xf32, #tpu.memory_space<vmem>>
      %dma_start3A_196 = arith.constant 0 : i32
      %dma_start3A_197 = tpu.memref_slice %arg2[%squeeze3A_189, %dma_start3A_196] : memref<1000000x32xf32, #tpu.memory_space<hbm>> -> memref<1x32xf32, #tpu.memory_space<hbm>>
      tpu.enqueue_dma source(%dma_start3A_197 : memref<1x32xf32, #tpu.memory_space<hbm>>) target(%dma_start3A_195 : memref<1x32xf32, #tpu.memory_space<vmem>>) target_semaphore(%arg16 : memref<!tpu.dma_semaphore, #tpu.memory_space<semaphore_mem>>)
      %slice3A_198 = vector.extract_strided_slice %get3A_47 {offsets = [4], sizes = [1], strides = [1]} : vector<16xi32> to vector<1xi32>
      %squeeze3A_199 = vector.extract %slice3A_198[0] : i32 from vector<1xi32>
      %dma_start3A_200 = arith.constant 0 : i32
      %dma_start3A_201 = tpu.memref_slice %arg14[%add3A_187, %dma_start3A_200] : memref<256x32xf32, #tpu.memory_space<vmem>> -> memref<1x32xf32, #tpu.memory_space<vmem>>
      %dma_start3A_202 = arith.constant 0 : i32
      %dma_start3A_203 = tpu.memref_slice %arg3[%squeeze3A_199, %dma_start3A_202] : memref<1000000x32xf32, #tpu.memory_space<hbm>> -> memref<1x32xf32, #tpu.memory_space<hbm>>
      %dma_start3A_204 = arith.constant 0 : i32
      %dma_start3A_205 = tpu.memref_slice %arg14[%add3A_187, %dma_start3A_204] : memref<256x32xf32, #tpu.memory_space<vmem>> -> memref<1x32xf32, #tpu.memory_space<vmem>>
      %dma_start3A_206 = arith.constant 0 : i32
      %dma_start3A_207 = tpu.memref_slice %arg3[%squeeze3A_199, %dma_start3A_206] : memref<1000000x32xf32, #tpu.memory_space<hbm>> -> memref<1x32xf32, #tpu.memory_space<hbm>>
      tpu.enqueue_dma source(%dma_start3A_207 : memref<1x32xf32, #tpu.memory_space<hbm>>) target(%dma_start3A_205 : memref<1x32xf32, #tpu.memory_space<vmem>>) target_semaphore(%arg16 : memref<!tpu.dma_semaphore, #tpu.memory_space<semaphore_mem>>)
      %slice3A_208 = vector.extract_strided_slice %get3A_50 {offsets = [4], sizes = [1], strides = [1]} : vector<16xi32> to vector<1xi32>
      %squeeze3A_209 = vector.extract %slice3A_208[0] : i32 from vector<1xi32>
      %dma_start3A_210 = arith.constant 0 : i32
      %dma_start3A_211 = tpu.memref_slice %arg15[%add3A_187, %dma_start3A_210] : memref<256x32xf32, #tpu.memory_space<vmem>> -> memref<1x32xf32, #tpu.memory_space<vmem>>
      %dma_start3A_212 = arith.constant 0 : i32
      %dma_start3A_213 = tpu.memref_slice %arg3[%squeeze3A_209, %dma_start3A_212] : memref<1000000x32xf32, #tpu.memory_space<hbm>> -> memref<1x32xf32, #tpu.memory_space<hbm>>
      %dma_start3A_214 = arith.constant 0 : i32
      %dma_start3A_215 = tpu.memref_slice %arg15[%add3A_187, %dma_start3A_214] : memref<256x32xf32, #tpu.memory_space<vmem>> -> memref<1x32xf32, #tpu.memory_space<vmem>>
      %dma_start3A_216 = arith.constant 0 : i32
      %dma_start3A_217 = tpu.memref_slice %arg3[%squeeze3A_209, %dma_start3A_216] : memref<1000000x32xf32, #tpu.memory_space<hbm>> -> memref<1x32xf32, #tpu.memory_space<hbm>>
      tpu.enqueue_dma source(%dma_start3A_217 : memref<1x32xf32, #tpu.memory_space<hbm>>) target(%dma_start3A_215 : memref<1x32xf32, #tpu.memory_space<vmem>>) target_semaphore(%arg16 : memref<!tpu.dma_semaphore, #tpu.memory_space<semaphore_mem>>)
      %mul3A_218 = arith.constant 16 : i32
      %mul3A_219 = arith.muli %scan3A_38, %mul3A_218 : i32
      %add3A_220 = arith.constant 5 : i32
      %add3A_221 = arith.addi %mul3A_219, %add3A_220 : i32
      %slice3A_222 = vector.extract_strided_slice %get3A_44 {offsets = [5], sizes = [1], strides = [1]} : vector<16xi32> to vector<1xi32>
      %squeeze3A_223 = vector.extract %slice3A_222[0] : i32 from vector<1xi32>
      %dma_start3A_224 = arith.constant 0 : i32
      %dma_start3A_225 = tpu.memref_slice %arg13[%add3A_221, %dma_start3A_224] : memref<256x32xf32, #tpu.memory_space<vmem>> -> memref<1x32xf32, #tpu.memory_space<vmem>>
      %dma_start3A_226 = arith.constant 0 : i32
      %dma_start3A_227 = tpu.memref_slice %arg2[%squeeze3A_223, %dma_start3A_226] : memref<1000000x32xf32, #tpu.memory_space<hbm>> -> memref<1x32xf32, #tpu.memory_space<hbm>>
      %dma_start3A_228 = arith.constant 0 : i32
      %dma_start3A_229 = tpu.memref_slice %arg13[%add3A_221, %dma_start3A_228] : memref<256x32xf32, #tpu.memory_space<vmem>> -> memref<1x32xf32, #tpu.memory_space<vmem>>
      %dma_start3A_230 = arith.constant 0 : i32
      %dma_start3A_231 = tpu.memref_slice %arg2[%squeeze3A_223, %dma_start3A_230] : memref<1000000x32xf32, #tpu.memory_space<hbm>> -> memref<1x32xf32, #tpu.memory_space<hbm>>
      tpu.enqueue_dma source(%dma_start3A_231 : memref<1x32xf32, #tpu.memory_space<hbm>>) target(%dma_start3A_229 : memref<1x32xf32, #tpu.memory_space<vmem>>) target_semaphore(%arg16 : memref<!tpu.dma_semaphore, #tpu.memory_space<semaphore_mem>>)
      %slice3A_232 = vector.extract_strided_slice %get3A_47 {offsets = [5], sizes = [1], strides = [1]} : vector<16xi32> to vector<1xi32>
      %squeeze3A_233 = vector.extract %slice3A_232[0] : i32 from vector<1xi32>
      %dma_start3A_234 = arith.constant 0 : i32
      %dma_start3A_235 = tpu.memref_slice %arg14[%add3A_221, %dma_start3A_234] : memref<256x32xf32, #tpu.memory_space<vmem>> -> memref<1x32xf32, #tpu.memory_space<vmem>>
      %dma_start3A_236 = arith.constant 0 : i32
      %dma_start3A_237 = tpu.memref_slice %arg3[%squeeze3A_233, %dma_start3A_236] : memref<1000000x32xf32, #tpu.memory_space<hbm>> -> memref<1x32xf32, #tpu.memory_space<hbm>>
      %dma_start3A_238 = arith.constant 0 : i32
      %dma_start3A_239 = tpu.memref_slice %arg14[%add3A_221, %dma_start3A_238] : memref<256x32xf32, #tpu.memory_space<vmem>> -> memref<1x32xf32, #tpu.memory_space<vmem>>
      %dma_start3A_240 = arith.constant 0 : i32
      %dma_start3A_241 = tpu.memref_slice %arg3[%squeeze3A_233, %dma_start3A_240] : memref<1000000x32xf32, #tpu.memory_space<hbm>> -> memref<1x32xf32, #tpu.memory_space<hbm>>
      tpu.enqueue_dma source(%dma_start3A_241 : memref<1x32xf32, #tpu.memory_space<hbm>>) target(%dma_start3A_239 : memref<1x32xf32, #tpu.memory_space<vmem>>) target_semaphore(%arg16 : memref<!tpu.dma_semaphore, #tpu.memory_space<semaphore_mem>>)
      %slice3A_242 = vector.extract_strided_slice %get3A_50 {offsets = [5], sizes = [1], strides = [1]} : vector<16xi32> to vector<1xi32>
      %squeeze3A_243 = vector.extract %slice3A_242[0] : i32 from vector<1xi32>
      %dma_start3A_244 = arith.constant 0 : i32
      %dma_start3A_245 = tpu.memref_slice %arg15[%add3A_221, %dma_start3A_244] : memref<256x32xf32, #tpu.memory_space<vmem>> -> memref<1x32xf32, #tpu.memory_space<vmem>>
      %dma_start3A_246 = arith.constant 0 : i32
      %dma_start3A_247 = tpu.memref_slice %arg3[%squeeze3A_243, %dma_start3A_246] : memref<1000000x32xf32, #tpu.memory_space<hbm>> -> memref<1x32xf32, #tpu.memory_space<hbm>>
      %dma_start3A_248 = arith.constant 0 : i32
      %dma_start3A_249 = tpu.memref_slice %arg15[%add3A_221, %dma_start3A_248] : memref<256x32xf32, #tpu.memory_space<vmem>> -> memref<1x32xf32, #tpu.memory_space<vmem>>
      %dma_start3A_250 = arith.constant 0 : i32
      %dma_start3A_251 = tpu.memref_slice %arg3[%squeeze3A_243, %dma_start3A_250] : memref<1000000x32xf32, #tpu.memory_space<hbm>> -> memref<1x32xf32, #tpu.memory_space<hbm>>
      tpu.enqueue_dma source(%dma_start3A_251 : memref<1x32xf32, #tpu.memory_space<hbm>>) target(%dma_start3A_249 : memref<1x32xf32, #tpu.memory_space<vmem>>) target_semaphore(%arg16 : memref<!tpu.dma_semaphore, #tpu.memory_space<semaphore_mem>>)
      %mul3A_252 = arith.constant 16 : i32
      %mul3A_253 = arith.muli %scan3A_38, %mul3A_252 : i32
      %add3A_254 = arith.constant 6 : i32
      %add3A_255 = arith.addi %mul3A_253, %add3A_254 : i32
      %slice3A_256 = vector.extract_strided_slice %get3A_44 {offsets = [6], sizes = [1], strides = [1]} : vector<16xi32> to vector<1xi32>
      %squeeze3A_257 = vector.extract %slice3A_256[0] : i32 from vector<1xi32>
      %dma_start3A_258 = arith.constant 0 : i32
      %dma_start3A_259 = tpu.memref_slice %arg13[%add3A_255, %dma_start3A_258] : memref<256x32xf32, #tpu.memory_space<vmem>> -> memref<1x32xf32, #tpu.memory_space<vmem>>
      %dma_start3A_260 = arith.constant 0 : i32
      %dma_start3A_261 = tpu.memref_slice %arg2[%squeeze3A_257, %dma_start3A_260] : memref<1000000x32xf32, #tpu.memory_space<hbm>> -> memref<1x32xf32, #tpu.memory_space<hbm>>
      %dma_start3A_262 = arith.constant 0 : i32
      %dma_start3A_263 = tpu.memref_slice %arg13[%add3A_255, %dma_start3A_262] : memref<256x32xf32, #tpu.memory_space<vmem>> -> memref<1x32xf32, #tpu.memory_space<vmem>>
      %dma_start3A_264 = arith.constant 0 : i32
      %dma_start3A_265 = tpu.memref_slice %arg2[%squeeze3A_257, %dma_start3A_264] : memref<1000000x32xf32, #tpu.memory_space<hbm>> -> memref<1x32xf32, #tpu.memory_space<hbm>>
      tpu.enqueue_dma source(%dma_start3A_265 : memref<1x32xf32, #tpu.memory_space<hbm>>) target(%dma_start3A_263 : memref<1x32xf32, #tpu.memory_space<vmem>>) target_semaphore(%arg16 : memref<!tpu.dma_semaphore, #tpu.memory_space<semaphore_mem>>)
      %slice3A_266 = vector.extract_strided_slice %get3A_47 {offsets = [6], sizes = [1], strides = [1]} : vector<16xi32> to vector<1xi32>
      %squeeze3A_267 = vector.extract %slice3A_266[0] : i32 from vector<1xi32>
      %dma_start3A_268 = arith.constant 0 : i32
      %dma_start3A_269 = tpu.memref_slice %arg14[%add3A_255, %dma_start3A_268] : memref<256x32xf32, #tpu.memory_space<vmem>> -> memref<1x32xf32, #tpu.memory_space<vmem>>
      %dma_start3A_270 = arith.constant 0 : i32
      %dma_start3A_271 = tpu.memref_slice %arg3[%squeeze3A_267, %dma_start3A_270] : memref<1000000x32xf32, #tpu.memory_space<hbm>> -> memref<1x32xf32, #tpu.memory_space<hbm>>
      %dma_start3A_272 = arith.constant 0 : i32
      %dma_start3A_273 = tpu.memref_slice %arg14[%add3A_255, %dma_start3A_272] : memref<256x32xf32, #tpu.memory_space<vmem>> -> memref<1x32xf32, #tpu.memory_space<vmem>>
      %dma_start3A_274 = arith.constant 0 : i32
      %dma_start3A_275 = tpu.memref_slice %arg3[%squeeze3A_267, %dma_start3A_274] : memref<1000000x32xf32, #tpu.memory_space<hbm>> -> memref<1x32xf32, #tpu.memory_space<hbm>>
      tpu.enqueue_dma source(%dma_start3A_275 : memref<1x32xf32, #tpu.memory_space<hbm>>) target(%dma_start3A_273 : memref<1x32xf32, #tpu.memory_space<vmem>>) target_semaphore(%arg16 : memref<!tpu.dma_semaphore, #tpu.memory_space<semaphore_mem>>)
      %slice3A_276 = vector.extract_strided_slice %get3A_50 {offsets = [6], sizes = [1], strides = [1]} : vector<16xi32> to vector<1xi32>
      %squeeze3A_277 = vector.extract %slice3A_276[0] : i32 from vector<1xi32>
      %dma_start3A_278 = arith.constant 0 : i32
      %dma_start3A_279 = tpu.memref_slice %arg15[%add3A_255, %dma_start3A_278] : memref<256x32xf32, #tpu.memory_space<vmem>> -> memref<1x32xf32, #tpu.memory_space<vmem>>
      %dma_start3A_280 = arith.constant 0 : i32
      %dma_start3A_281 = tpu.memref_slice %arg3[%squeeze3A_277, %dma_start3A_280] : memref<1000000x32xf32, #tpu.memory_space<hbm>> -> memref<1x32xf32, #tpu.memory_space<hbm>>
      %dma_start3A_282 = arith.constant 0 : i32
      %dma_start3A_283 = tpu.memref_slice %arg15[%add3A_255, %dma_start3A_282] : memref<256x32xf32, #tpu.memory_space<vmem>> -> memref<1x32xf32, #tpu.memory_space<vmem>>
      %dma_start3A_284 = arith.constant 0 : i32
      %dma_start3A_285 = tpu.memref_slice %arg3[%squeeze3A_277, %dma_start3A_284] : memref<1000000x32xf32, #tpu.memory_space<hbm>> -> memref<1x32xf32, #tpu.memory_space<hbm>>
      tpu.enqueue_dma source(%dma_start3A_285 : memref<1x32xf32, #tpu.memory_space<hbm>>) target(%dma_start3A_283 : memref<1x32xf32, #tpu.memory_space<vmem>>) target_semaphore(%arg16 : memref<!tpu.dma_semaphore, #tpu.memory_space<semaphore_mem>>)
      %mul3A_286 = arith.constant 16 : i32
      %mul3A_287 = arith.muli %scan3A_38, %mul3A_286 : i32
      %add3A_288 = arith.constant 7 : i32
      %add3A_289 = arith.addi %mul3A_287, %add3A_288 : i32
      %slice3A_290 = vector.extract_strided_slice %get3A_44 {offsets = [7], sizes = [1], strides = [1]} : vector<16xi32> to vector<1xi32>
      %squeeze3A_291 = vector.extract %slice3A_290[0] : i32 from vector<1xi32>
      %dma_start3A_292 = arith.constant 0 : i32
      %dma_start3A_293 = tpu.memref_slice %arg13[%add3A_289, %dma_start3A_292] : memref<256x32xf32, #tpu.memory_space<vmem>> -> memref<1x32xf32, #tpu.memory_space<vmem>>
      %dma_start3A_294 = arith.constant 0 : i32
      %dma_start3A_295 = tpu.memref_slice %arg2[%squeeze3A_291, %dma_start3A_294] : memref<1000000x32xf32, #tpu.memory_space<hbm>> -> memref<1x32xf32, #tpu.memory_space<hbm>>
      %dma_start3A_296 = arith.constant 0 : i32
      %dma_start3A_297 = tpu.memref_slice %arg13[%add3A_289, %dma_start3A_296] : memref<256x32xf32, #tpu.memory_space<vmem>> -> memref<1x32xf32, #tpu.memory_space<vmem>>
      %dma_start3A_298 = arith.constant 0 : i32
      %dma_start3A_299 = tpu.memref_slice %arg2[%squeeze3A_291, %dma_start3A_298] : memref<1000000x32xf32, #tpu.memory_space<hbm>> -> memref<1x32xf32, #tpu.memory_space<hbm>>
      tpu.enqueue_dma source(%dma_start3A_299 : memref<1x32xf32, #tpu.memory_space<hbm>>) target(%dma_start3A_297 : memref<1x32xf32, #tpu.memory_space<vmem>>) target_semaphore(%arg16 : memref<!tpu.dma_semaphore, #tpu.memory_space<semaphore_mem>>)
      %slice3A_300 = vector.extract_strided_slice %get3A_47 {offsets = [7], sizes = [1], strides = [1]} : vector<16xi32> to vector<1xi32>
      %squeeze3A_301 = vector.extract %slice3A_300[0] : i32 from vector<1xi32>
      %dma_start3A_302 = arith.constant 0 : i32
      %dma_start3A_303 = tpu.memref_slice %arg14[%add3A_289, %dma_start3A_302] : memref<256x32xf32, #tpu.memory_space<vmem>> -> memref<1x32xf32, #tpu.memory_space<vmem>>
      %dma_start3A_304 = arith.constant 0 : i32
      %dma_start3A_305 = tpu.memref_slice %arg3[%squeeze3A_301, %dma_start3A_304] : memref<1000000x32xf32, #tpu.memory_space<hbm>> -> memref<1x32xf32, #tpu.memory_space<hbm>>
      %dma_start3A_306 = arith.constant 0 : i32
      %dma_start3A_307 = tpu.memref_slice %arg14[%add3A_289, %dma_start3A_306] : memref<256x32xf32, #tpu.memory_space<vmem>> -> memref<1x32xf32, #tpu.memory_space<vmem>>
      %dma_start3A_308 = arith.constant 0 : i32
      %dma_start3A_309 = tpu.memref_slice %arg3[%squeeze3A_301, %dma_start3A_308] : memref<1000000x32xf32, #tpu.memory_space<hbm>> -> memref<1x32xf32, #tpu.memory_space<hbm>>
      tpu.enqueue_dma source(%dma_start3A_309 : memref<1x32xf32, #tpu.memory_space<hbm>>) target(%dma_start3A_307 : memref<1x32xf32, #tpu.memory_space<vmem>>) target_semaphore(%arg16 : memref<!tpu.dma_semaphore, #tpu.memory_space<semaphore_mem>>)
      %slice3A_310 = vector.extract_strided_slice %get3A_50 {offsets = [7], sizes = [1], strides = [1]} : vector<16xi32> to vector<1xi32>
      %squeeze3A_311 = vector.extract %slice3A_310[0] : i32 from vector<1xi32>
      %dma_start3A_312 = arith.constant 0 : i32
      %dma_start3A_313 = tpu.memref_slice %arg15[%add3A_289, %dma_start3A_312] : memref<256x32xf32, #tpu.memory_space<vmem>> -> memref<1x32xf32, #tpu.memory_space<vmem>>
      %dma_start3A_314 = arith.constant 0 : i32
      %dma_start3A_315 = tpu.memref_slice %arg3[%squeeze3A_311, %dma_start3A_314] : memref<1000000x32xf32, #tpu.memory_space<hbm>> -> memref<1x32xf32, #tpu.memory_space<hbm>>
      %dma_start3A_316 = arith.constant 0 : i32
      %dma_start3A_317 = tpu.memref_slice %arg15[%add3A_289, %dma_start3A_316] : memref<256x32xf32, #tpu.memory_space<vmem>> -> memref<1x32xf32, #tpu.memory_space<vmem>>
      %dma_start3A_318 = arith.constant 0 : i32
      %dma_start3A_319 = tpu.memref_slice %arg3[%squeeze3A_311, %dma_start3A_318] : memref<1000000x32xf32, #tpu.memory_space<hbm>> -> memref<1x32xf32, #tpu.memory_space<hbm>>
      tpu.enqueue_dma source(%dma_start3A_319 : memref<1x32xf32, #tpu.memory_space<hbm>>) target(%dma_start3A_317 : memref<1x32xf32, #tpu.memory_space<vmem>>) target_semaphore(%arg16 : memref<!tpu.dma_semaphore, #tpu.memory_space<semaphore_mem>>)
      %mul3A_320 = arith.constant 16 : i32
      %mul3A_321 = arith.muli %scan3A_38, %mul3A_320 : i32
      %add3A_322 = arith.constant 8 : i32
      %add3A_323 = arith.addi %mul3A_321, %add3A_322 : i32
      %slice3A_324 = vector.extract_strided_slice %get3A_44 {offsets = [8], sizes = [1], strides = [1]} : vector<16xi32> to vector<1xi32>
      %squeeze3A_325 = vector.extract %slice3A_324[0] : i32 from vector<1xi32>
      %dma_start3A_326 = arith.constant 0 : i32
      %dma_start3A_327 = tpu.memref_slice %arg13[%add3A_323, %dma_start3A_326] : memref<256x32xf32, #tpu.memory_space<vmem>> -> memref<1x32xf32, #tpu.memory_space<vmem>>
      %dma_start3A_328 = arith.constant 0 : i32
      %dma_start3A_329 = tpu.memref_slice %arg2[%squeeze3A_325, %dma_start3A_328] : memref<1000000x32xf32, #tpu.memory_space<hbm>> -> memref<1x32xf32, #tpu.memory_space<hbm>>
      %dma_start3A_330 = arith.constant 0 : i32
      %dma_start3A_331 = tpu.memref_slice %arg13[%add3A_323, %dma_start3A_330] : memref<256x32xf32, #tpu.memory_space<vmem>> -> memref<1x32xf32, #tpu.memory_space<vmem>>
      %dma_start3A_332 = arith.constant 0 : i32
      %dma_start3A_333 = tpu.memref_slice %arg2[%squeeze3A_325, %dma_start3A_332] : memref<1000000x32xf32, #tpu.memory_space<hbm>> -> memref<1x32xf32, #tpu.memory_space<hbm>>
      tpu.enqueue_dma source(%dma_start3A_333 : memref<1x32xf32, #tpu.memory_space<hbm>>) target(%dma_start3A_331 : memref<1x32xf32, #tpu.memory_space<vmem>>) target_semaphore(%arg16 : memref<!tpu.dma_semaphore, #tpu.memory_space<semaphore_mem>>)
      %slice3A_334 = vector.extract_strided_slice %get3A_47 {offsets = [8], sizes = [1], strides = [1]} : vector<16xi32> to vector<1xi32>
      %squeeze3A_335 = vector.extract %slice3A_334[0] : i32 from vector<1xi32>
      %dma_start3A_336 = arith.constant 0 : i32
      %dma_start3A_337 = tpu.memref_slice %arg14[%add3A_323, %dma_start3A_336] : memref<256x32xf32, #tpu.memory_space<vmem>> -> memref<1x32xf32, #tpu.memory_space<vmem>>
      %dma_start3A_338 = arith.constant 0 : i32
      %dma_start3A_339 = tpu.memref_slice %arg3[%squeeze3A_335, %dma_start3A_338] : memref<1000000x32xf32, #tpu.memory_space<hbm>> -> memref<1x32xf32, #tpu.memory_space<hbm>>
      %dma_start3A_340 = arith.constant 0 : i32
      %dma_start3A_341 = tpu.memref_slice %arg14[%add3A_323, %dma_start3A_340] : memref<256x32xf32, #tpu.memory_space<vmem>> -> memref<1x32xf32, #tpu.memory_space<vmem>>
      %dma_start3A_342 = arith.constant 0 : i32
      %dma_start3A_343 = tpu.memref_slice %arg3[%squeeze3A_335, %dma_start3A_342] : memref<1000000x32xf32, #tpu.memory_space<hbm>> -> memref<1x32xf32, #tpu.memory_space<hbm>>
      tpu.enqueue_dma source(%dma_start3A_343 : memref<1x32xf32, #tpu.memory_space<hbm>>) target(%dma_start3A_341 : memref<1x32xf32, #tpu.memory_space<vmem>>) target_semaphore(%arg16 : memref<!tpu.dma_semaphore, #tpu.memory_space<semaphore_mem>>)
      %slice3A_344 = vector.extract_strided_slice %get3A_50 {offsets = [8], sizes = [1], strides = [1]} : vector<16xi32> to vector<1xi32>
      %squeeze3A_345 = vector.extract %slice3A_344[0] : i32 from vector<1xi32>
      %dma_start3A_346 = arith.constant 0 : i32
      %dma_start3A_347 = tpu.memref_slice %arg15[%add3A_323, %dma_start3A_346] : memref<256x32xf32, #tpu.memory_space<vmem>> -> memref<1x32xf32, #tpu.memory_space<vmem>>
      %dma_start3A_348 = arith.constant 0 : i32
      %dma_start3A_349 = tpu.memref_slice %arg3[%squeeze3A_345, %dma_start3A_348] : memref<1000000x32xf32, #tpu.memory_space<hbm>> -> memref<1x32xf32, #tpu.memory_space<hbm>>
      %dma_start3A_350 = arith.constant 0 : i32
      %dma_start3A_351 = tpu.memref_slice %arg15[%add3A_323, %dma_start3A_350] : memref<256x32xf32, #tpu.memory_space<vmem>> -> memref<1x32xf32, #tpu.memory_space<vmem>>
      %dma_start3A_352 = arith.constant 0 : i32
      %dma_start3A_353 = tpu.memref_slice %arg3[%squeeze3A_345, %dma_start3A_352] : memref<1000000x32xf32, #tpu.memory_space<hbm>> -> memref<1x32xf32, #tpu.memory_space<hbm>>
      tpu.enqueue_dma source(%dma_start3A_353 : memref<1x32xf32, #tpu.memory_space<hbm>>) target(%dma_start3A_351 : memref<1x32xf32, #tpu.memory_space<vmem>>) target_semaphore(%arg16 : memref<!tpu.dma_semaphore, #tpu.memory_space<semaphore_mem>>)
      %mul3A_354 = arith.constant 16 : i32
      %mul3A_355 = arith.muli %scan3A_38, %mul3A_354 : i32
      %add3A_356 = arith.constant 9 : i32
      %add3A_357 = arith.addi %mul3A_355, %add3A_356 : i32
      %slice3A_358 = vector.extract_strided_slice %get3A_44 {offsets = [9], sizes = [1], strides = [1]} : vector<16xi32> to vector<1xi32>
      %squeeze3A_359 = vector.extract %slice3A_358[0] : i32 from vector<1xi32>
      %dma_start3A_360 = arith.constant 0 : i32
      %dma_start3A_361 = tpu.memref_slice %arg13[%add3A_357, %dma_start3A_360] : memref<256x32xf32, #tpu.memory_space<vmem>> -> memref<1x32xf32, #tpu.memory_space<vmem>>
      %dma_start3A_362 = arith.constant 0 : i32
      %dma_start3A_363 = tpu.memref_slice %arg2[%squeeze3A_359, %dma_start3A_362] : memref<1000000x32xf32, #tpu.memory_space<hbm>> -> memref<1x32xf32, #tpu.memory_space<hbm>>
      %dma_start3A_364 = arith.constant 0 : i32
      %dma_start3A_365 = tpu.memref_slice %arg13[%add3A_357, %dma_start3A_364] : memref<256x32xf32, #tpu.memory_space<vmem>> -> memref<1x32xf32, #tpu.memory_space<vmem>>
      %dma_start3A_366 = arith.constant 0 : i32
      %dma_start3A_367 = tpu.memref_slice %arg2[%squeeze3A_359, %dma_start3A_366] : memref<1000000x32xf32, #tpu.memory_space<hbm>> -> memref<1x32xf32, #tpu.memory_space<hbm>>
      tpu.enqueue_dma source(%dma_start3A_367 : memref<1x32xf32, #tpu.memory_space<hbm>>) target(%dma_start3A_365 : memref<1x32xf32, #tpu.memory_space<vmem>>) target_semaphore(%arg16 : memref<!tpu.dma_semaphore, #tpu.memory_space<semaphore_mem>>)
      %slice3A_368 = vector.extract_strided_slice %get3A_47 {offsets = [9], sizes = [1], strides = [1]} : vector<16xi32> to vector<1xi32>
      %squeeze3A_369 = vector.extract %slice3A_368[0] : i32 from vector<1xi32>
      %dma_start3A_370 = arith.constant 0 : i32
      %dma_start3A_371 = tpu.memref_slice %arg14[%add3A_357, %dma_start3A_370] : memref<256x32xf32, #tpu.memory_space<vmem>> -> memref<1x32xf32, #tpu.memory_space<vmem>>
      %dma_start3A_372 = arith.constant 0 : i32
      %dma_start3A_373 = tpu.memref_slice %arg3[%squeeze3A_369, %dma_start3A_372] : memref<1000000x32xf32, #tpu.memory_space<hbm>> -> memref<1x32xf32, #tpu.memory_space<hbm>>
      %dma_start3A_374 = arith.constant 0 : i32
      %dma_start3A_375 = tpu.memref_slice %arg14[%add3A_357, %dma_start3A_374] : memref<256x32xf32, #tpu.memory_space<vmem>> -> memref<1x32xf32, #tpu.memory_space<vmem>>
      %dma_start3A_376 = arith.constant 0 : i32
      %dma_start3A_377 = tpu.memref_slice %arg3[%squeeze3A_369, %dma_start3A_376] : memref<1000000x32xf32, #tpu.memory_space<hbm>> -> memref<1x32xf32, #tpu.memory_space<hbm>>
      tpu.enqueue_dma source(%dma_start3A_377 : memref<1x32xf32, #tpu.memory_space<hbm>>) target(%dma_start3A_375 : memref<1x32xf32, #tpu.memory_space<vmem>>) target_semaphore(%arg16 : memref<!tpu.dma_semaphore, #tpu.memory_space<semaphore_mem>>)
      %slice3A_378 = vector.extract_strided_slice %get3A_50 {offsets = [9], sizes = [1], strides = [1]} : vector<16xi32> to vector<1xi32>
      %squeeze3A_379 = vector.extract %slice3A_378[0] : i32 from vector<1xi32>
      %dma_start3A_380 = arith.constant 0 : i32
      %dma_start3A_381 = tpu.memref_slice %arg15[%add3A_357, %dma_start3A_380] : memref<256x32xf32, #tpu.memory_space<vmem>> -> memref<1x32xf32, #tpu.memory_space<vmem>>
      %dma_start3A_382 = arith.constant 0 : i32
      %dma_start3A_383 = tpu.memref_slice %arg3[%squeeze3A_379, %dma_start3A_382] : memref<1000000x32xf32, #tpu.memory_space<hbm>> -> memref<1x32xf32, #tpu.memory_space<hbm>>
      %dma_start3A_384 = arith.constant 0 : i32
      %dma_start3A_385 = tpu.memref_slice %arg15[%add3A_357, %dma_start3A_384] : memref<256x32xf32, #tpu.memory_space<vmem>> -> memref<1x32xf32, #tpu.memory_space<vmem>>
      %dma_start3A_386 = arith.constant 0 : i32
      %dma_start3A_387 = tpu.memref_slice %arg3[%squeeze3A_379, %dma_start3A_386] : memref<1000000x32xf32, #tpu.memory_space<hbm>> -> memref<1x32xf32, #tpu.memory_space<hbm>>
      tpu.enqueue_dma source(%dma_start3A_387 : memref<1x32xf32, #tpu.memory_space<hbm>>) target(%dma_start3A_385 : memref<1x32xf32, #tpu.memory_space<vmem>>) target_semaphore(%arg16 : memref<!tpu.dma_semaphore, #tpu.memory_space<semaphore_mem>>)
      %mul3A_388 = arith.constant 16 : i32
      %mul3A_389 = arith.muli %scan3A_38, %mul3A_388 : i32
      %add3A_390 = arith.constant 10 : i32
      %add3A_391 = arith.addi %mul3A_389, %add3A_390 : i32
      %slice3A_392 = vector.extract_strided_slice %get3A_44 {offsets = [10], sizes = [1], strides = [1]} : vector<16xi32> to vector<1xi32>
      %squeeze3A_393 = vector.extract %slice3A_392[0] : i32 from vector<1xi32>
      %dma_start3A_394 = arith.constant 0 : i32
      %dma_start3A_395 = tpu.memref_slice %arg13[%add3A_391, %dma_start3A_394] : memref<256x32xf32, #tpu.memory_space<vmem>> -> memref<1x32xf32, #tpu.memory_space<vmem>>
      %dma_start3A_396 = arith.constant 0 : i32
      %dma_start3A_397 = tpu.memref_slice %arg2[%squeeze3A_393, %dma_start3A_396] : memref<1000000x32xf32, #tpu.memory_space<hbm>> -> memref<1x32xf32, #tpu.memory_space<hbm>>
      %dma_start3A_398 = arith.constant 0 : i32
      %dma_start3A_399 = tpu.memref_slice %arg13[%add3A_391, %dma_start3A_398] : memref<256x32xf32, #tpu.memory_space<vmem>> -> memref<1x32xf32, #tpu.memory_space<vmem>>
      %dma_start3A_400 = arith.constant 0 : i32
      %dma_start3A_401 = tpu.memref_slice %arg2[%squeeze3A_393, %dma_start3A_400] : memref<1000000x32xf32, #tpu.memory_space<hbm>> -> memref<1x32xf32, #tpu.memory_space<hbm>>
      tpu.enqueue_dma source(%dma_start3A_401 : memref<1x32xf32, #tpu.memory_space<hbm>>) target(%dma_start3A_399 : memref<1x32xf32, #tpu.memory_space<vmem>>) target_semaphore(%arg16 : memref<!tpu.dma_semaphore, #tpu.memory_space<semaphore_mem>>)
      %slice3A_402 = vector.extract_strided_slice %get3A_47 {offsets = [10], sizes = [1], strides = [1]} : vector<16xi32> to vector<1xi32>
      %squeeze3A_403 = vector.extract %slice3A_402[0] : i32 from vector<1xi32>
      %dma_start3A_404 = arith.constant 0 : i32
      %dma_start3A_405 = tpu.memref_slice %arg14[%add3A_391, %dma_start3A_404] : memref<256x32xf32, #tpu.memory_space<vmem>> -> memref<1x32xf32, #tpu.memory_space<vmem>>
      %dma_start3A_406 = arith.constant 0 : i32
      %dma_start3A_407 = tpu.memref_slice %arg3[%squeeze3A_403, %dma_start3A_406] : memref<1000000x32xf32, #tpu.memory_space<hbm>> -> memref<1x32xf32, #tpu.memory_space<hbm>>
      %dma_start3A_408 = arith.constant 0 : i32
      %dma_start3A_409 = tpu.memref_slice %arg14[%add3A_391, %dma_start3A_408] : memref<256x32xf32, #tpu.memory_space<vmem>> -> memref<1x32xf32, #tpu.memory_space<vmem>>
      %dma_start3A_410 = arith.constant 0 : i32
      %dma_start3A_411 = tpu.memref_slice %arg3[%squeeze3A_403, %dma_start3A_410] : memref<1000000x32xf32, #tpu.memory_space<hbm>> -> memref<1x32xf32, #tpu.memory_space<hbm>>
      tpu.enqueue_dma source(%dma_start3A_411 : memref<1x32xf32, #tpu.memory_space<hbm>>) target(%dma_start3A_409 : memref<1x32xf32, #tpu.memory_space<vmem>>) target_semaphore(%arg16 : memref<!tpu.dma_semaphore, #tpu.memory_space<semaphore_mem>>)
      %slice3A_412 = vector.extract_strided_slice %get3A_50 {offsets = [10], sizes = [1], strides = [1]} : vector<16xi32> to vector<1xi32>
      %squeeze3A_413 = vector.extract %slice3A_412[0] : i32 from vector<1xi32>
      %dma_start3A_414 = arith.constant 0 : i32
      %dma_start3A_415 = tpu.memref_slice %arg15[%add3A_391, %dma_start3A_414] : memref<256x32xf32, #tpu.memory_space<vmem>> -> memref<1x32xf32, #tpu.memory_space<vmem>>
      %dma_start3A_416 = arith.constant 0 : i32
      %dma_start3A_417 = tpu.memref_slice %arg3[%squeeze3A_413, %dma_start3A_416] : memref<1000000x32xf32, #tpu.memory_space<hbm>> -> memref<1x32xf32, #tpu.memory_space<hbm>>
      %dma_start3A_418 = arith.constant 0 : i32
      %dma_start3A_419 = tpu.memref_slice %arg15[%add3A_391, %dma_start3A_418] : memref<256x32xf32, #tpu.memory_space<vmem>> -> memref<1x32xf32, #tpu.memory_space<vmem>>
      %dma_start3A_420 = arith.constant 0 : i32
      %dma_start3A_421 = tpu.memref_slice %arg3[%squeeze3A_413, %dma_start3A_420] : memref<1000000x32xf32, #tpu.memory_space<hbm>> -> memref<1x32xf32, #tpu.memory_space<hbm>>
      tpu.enqueue_dma source(%dma_start3A_421 : memref<1x32xf32, #tpu.memory_space<hbm>>) target(%dma_start3A_419 : memref<1x32xf32, #tpu.memory_space<vmem>>) target_semaphore(%arg16 : memref<!tpu.dma_semaphore, #tpu.memory_space<semaphore_mem>>)
      %mul3A_422 = arith.constant 16 : i32
      %mul3A_423 = arith.muli %scan3A_38, %mul3A_422 : i32
      %add3A_424 = arith.constant 11 : i32
      %add3A_425 = arith.addi %mul3A_423, %add3A_424 : i32
      %slice3A_426 = vector.extract_strided_slice %get3A_44 {offsets = [11], sizes = [1], strides = [1]} : vector<16xi32> to vector<1xi32>
      %squeeze3A_427 = vector.extract %slice3A_426[0] : i32 from vector<1xi32>
      %dma_start3A_428 = arith.constant 0 : i32
      %dma_start3A_429 = tpu.memref_slice %arg13[%add3A_425, %dma_start3A_428] : memref<256x32xf32, #tpu.memory_space<vmem>> -> memref<1x32xf32, #tpu.memory_space<vmem>>
      %dma_start3A_430 = arith.constant 0 : i32
      %dma_start3A_431 = tpu.memref_slice %arg2[%squeeze3A_427, %dma_start3A_430] : memref<1000000x32xf32, #tpu.memory_space<hbm>> -> memref<1x32xf32, #tpu.memory_space<hbm>>
      %dma_start3A_432 = arith.constant 0 : i32
      %dma_start3A_433 = tpu.memref_slice %arg13[%add3A_425, %dma_start3A_432] : memref<256x32xf32, #tpu.memory_space<vmem>> -> memref<1x32xf32, #tpu.memory_space<vmem>>
      %dma_start3A_434 = arith.constant 0 : i32
      %dma_start3A_435 = tpu.memref_slice %arg2[%squeeze3A_427, %dma_start3A_434] : memref<1000000x32xf32, #tpu.memory_space<hbm>> -> memref<1x32xf32, #tpu.memory_space<hbm>>
      tpu.enqueue_dma source(%dma_start3A_435 : memref<1x32xf32, #tpu.memory_space<hbm>>) target(%dma_start3A_433 : memref<1x32xf32, #tpu.memory_space<vmem>>) target_semaphore(%arg16 : memref<!tpu.dma_semaphore, #tpu.memory_space<semaphore_mem>>)
      %slice3A_436 = vector.extract_strided_slice %get3A_47 {offsets = [11], sizes = [1], strides = [1]} : vector<16xi32> to vector<1xi32>
      %squeeze3A_437 = vector.extract %slice3A_436[0] : i32 from vector<1xi32>
      %dma_start3A_438 = arith.constant 0 : i32
      %dma_start3A_439 = tpu.memref_slice %arg14[%add3A_425, %dma_start3A_438] : memref<256x32xf32, #tpu.memory_space<vmem>> -> memref<1x32xf32, #tpu.memory_space<vmem>>
      %dma_start3A_440 = arith.constant 0 : i32
      %dma_start3A_441 = tpu.memref_slice %arg3[%squeeze3A_437, %dma_start3A_440] : memref<1000000x32xf32, #tpu.memory_space<hbm>> -> memref<1x32xf32, #tpu.memory_space<hbm>>
      %dma_start3A_442 = arith.constant 0 : i32
      %dma_start3A_443 = tpu.memref_slice %arg14[%add3A_425, %dma_start3A_442] : memref<256x32xf32, #tpu.memory_space<vmem>> -> memref<1x32xf32, #tpu.memory_space<vmem>>
      %dma_start3A_444 = arith.constant 0 : i32
      %dma_start3A_445 = tpu.memref_slice %arg3[%squeeze3A_437, %dma_start3A_444] : memref<1000000x32xf32, #tpu.memory_space<hbm>> -> memref<1x32xf32, #tpu.memory_space<hbm>>
      tpu.enqueue_dma source(%dma_start3A_445 : memref<1x32xf32, #tpu.memory_space<hbm>>) target(%dma_start3A_443 : memref<1x32xf32, #tpu.memory_space<vmem>>) target_semaphore(%arg16 : memref<!tpu.dma_semaphore, #tpu.memory_space<semaphore_mem>>)
      %slice3A_446 = vector.extract_strided_slice %get3A_50 {offsets = [11], sizes = [1], strides = [1]} : vector<16xi32> to vector<1xi32>
      %squeeze3A_447 = vector.extract %slice3A_446[0] : i32 from vector<1xi32>
      %dma_start3A_448 = arith.constant 0 : i32
      %dma_start3A_449 = tpu.memref_slice %arg15[%add3A_425, %dma_start3A_448] : memref<256x32xf32, #tpu.memory_space<vmem>> -> memref<1x32xf32, #tpu.memory_space<vmem>>
      %dma_start3A_450 = arith.constant 0 : i32
      %dma_start3A_451 = tpu.memref_slice %arg3[%squeeze3A_447, %dma_start3A_450] : memref<1000000x32xf32, #tpu.memory_space<hbm>> -> memref<1x32xf32, #tpu.memory_space<hbm>>
      %dma_start3A_452 = arith.constant 0 : i32
      %dma_start3A_453 = tpu.memref_slice %arg15[%add3A_425, %dma_start3A_452] : memref<256x32xf32, #tpu.memory_space<vmem>> -> memref<1x32xf32, #tpu.memory_space<vmem>>
      %dma_start3A_454 = arith.constant 0 : i32
      %dma_start3A_455 = tpu.memref_slice %arg3[%squeeze3A_447, %dma_start3A_454] : memref<1000000x32xf32, #tpu.memory_space<hbm>> -> memref<1x32xf32, #tpu.memory_space<hbm>>
      tpu.enqueue_dma source(%dma_start3A_455 : memref<1x32xf32, #tpu.memory_space<hbm>>) target(%dma_start3A_453 : memref<1x32xf32, #tpu.memory_space<vmem>>) target_semaphore(%arg16 : memref<!tpu.dma_semaphore, #tpu.memory_space<semaphore_mem>>)
      %mul3A_456 = arith.constant 16 : i32
      %mul3A_457 = arith.muli %scan3A_38, %mul3A_456 : i32
      %add3A_458 = arith.constant 12 : i32
      %add3A_459 = arith.addi %mul3A_457, %add3A_458 : i32
      %slice3A_460 = vector.extract_strided_slice %get3A_44 {offsets = [12], sizes = [1], strides = [1]} : vector<16xi32> to vector<1xi32>
      %squeeze3A_461 = vector.extract %slice3A_460[0] : i32 from vector<1xi32>
      %dma_start3A_462 = arith.constant 0 : i32
      %dma_start3A_463 = tpu.memref_slice %arg13[%add3A_459, %dma_start3A_462] : memref<256x32xf32, #tpu.memory_space<vmem>> -> memref<1x32xf32, #tpu.memory_space<vmem>>
      %dma_start3A_464 = arith.constant 0 : i32
      %dma_start3A_465 = tpu.memref_slice %arg2[%squeeze3A_461, %dma_start3A_464] : memref<1000000x32xf32, #tpu.memory_space<hbm>> -> memref<1x32xf32, #tpu.memory_space<hbm>>
      %dma_start3A_466 = arith.constant 0 : i32
      %dma_start3A_467 = tpu.memref_slice %arg13[%add3A_459, %dma_start3A_466] : memref<256x32xf32, #tpu.memory_space<vmem>> -> memref<1x32xf32, #tpu.memory_space<vmem>>
      %dma_start3A_468 = arith.constant 0 : i32
      %dma_start3A_469 = tpu.memref_slice %arg2[%squeeze3A_461, %dma_start3A_468] : memref<1000000x32xf32, #tpu.memory_space<hbm>> -> memref<1x32xf32, #tpu.memory_space<hbm>>
      tpu.enqueue_dma source(%dma_start3A_469 : memref<1x32xf32, #tpu.memory_space<hbm>>) target(%dma_start3A_467 : memref<1x32xf32, #tpu.memory_space<vmem>>) target_semaphore(%arg16 : memref<!tpu.dma_semaphore, #tpu.memory_space<semaphore_mem>>)
      %slice3A_470 = vector.extract_strided_slice %get3A_47 {offsets = [12], sizes = [1], strides = [1]} : vector<16xi32> to vector<1xi32>
      %squeeze3A_471 = vector.extract %slice3A_470[0] : i32 from vector<1xi32>
      %dma_start3A_472 = arith.constant 0 : i32
      %dma_start3A_473 = tpu.memref_slice %arg14[%add3A_459, %dma_start3A_472] : memref<256x32xf32, #tpu.memory_space<vmem>> -> memref<1x32xf32, #tpu.memory_space<vmem>>
      %dma_start3A_474 = arith.constant 0 : i32
      %dma_start3A_475 = tpu.memref_slice %arg3[%squeeze3A_471, %dma_start3A_474] : memref<1000000x32xf32, #tpu.memory_space<hbm>> -> memref<1x32xf32, #tpu.memory_space<hbm>>
      %dma_start3A_476 = arith.constant 0 : i32
      %dma_start3A_477 = tpu.memref_slice %arg14[%add3A_459, %dma_start3A_476] : memref<256x32xf32, #tpu.memory_space<vmem>> -> memref<1x32xf32, #tpu.memory_space<vmem>>
      %dma_start3A_478 = arith.constant 0 : i32
      %dma_start3A_479 = tpu.memref_slice %arg3[%squeeze3A_471, %dma_start3A_478] : memref<1000000x32xf32, #tpu.memory_space<hbm>> -> memref<1x32xf32, #tpu.memory_space<hbm>>
      tpu.enqueue_dma source(%dma_start3A_479 : memref<1x32xf32, #tpu.memory_space<hbm>>) target(%dma_start3A_477 : memref<1x32xf32, #tpu.memory_space<vmem>>) target_semaphore(%arg16 : memref<!tpu.dma_semaphore, #tpu.memory_space<semaphore_mem>>)
      %slice3A_480 = vector.extract_strided_slice %get3A_50 {offsets = [12], sizes = [1], strides = [1]} : vector<16xi32> to vector<1xi32>
      %squeeze3A_481 = vector.extract %slice3A_480[0] : i32 from vector<1xi32>
      %dma_start3A_482 = arith.constant 0 : i32
      %dma_start3A_483 = tpu.memref_slice %arg15[%add3A_459, %dma_start3A_482] : memref<256x32xf32, #tpu.memory_space<vmem>> -> memref<1x32xf32, #tpu.memory_space<vmem>>
      %dma_start3A_484 = arith.constant 0 : i32
      %dma_start3A_485 = tpu.memref_slice %arg3[%squeeze3A_481, %dma_start3A_484] : memref<1000000x32xf32, #tpu.memory_space<hbm>> -> memref<1x32xf32, #tpu.memory_space<hbm>>
      %dma_start3A_486 = arith.constant 0 : i32
      %dma_start3A_487 = tpu.memref_slice %arg15[%add3A_459, %dma_start3A_486] : memref<256x32xf32, #tpu.memory_space<vmem>> -> memref<1x32xf32, #tpu.memory_space<vmem>>
      %dma_start3A_488 = arith.constant 0 : i32
      %dma_start3A_489 = tpu.memref_slice %arg3[%squeeze3A_481, %dma_start3A_488] : memref<1000000x32xf32, #tpu.memory_space<hbm>> -> memref<1x32xf32, #tpu.memory_space<hbm>>
      tpu.enqueue_dma source(%dma_start3A_489 : memref<1x32xf32, #tpu.memory_space<hbm>>) target(%dma_start3A_487 : memref<1x32xf32, #tpu.memory_space<vmem>>) target_semaphore(%arg16 : memref<!tpu.dma_semaphore, #tpu.memory_space<semaphore_mem>>)
      %mul3A_490 = arith.constant 16 : i32
      %mul3A_491 = arith.muli %scan3A_38, %mul3A_490 : i32
      %add3A_492 = arith.constant 13 : i32
      %add3A_493 = arith.addi %mul3A_491, %add3A_492 : i32
      %slice3A_494 = vector.extract_strided_slice %get3A_44 {offsets = [13], sizes = [1], strides = [1]} : vector<16xi32> to vector<1xi32>
      %squeeze3A_495 = vector.extract %slice3A_494[0] : i32 from vector<1xi32>
      %dma_start3A_496 = arith.constant 0 : i32
      %dma_start3A_497 = tpu.memref_slice %arg13[%add3A_493, %dma_start3A_496] : memref<256x32xf32, #tpu.memory_space<vmem>> -> memref<1x32xf32, #tpu.memory_space<vmem>>
      %dma_start3A_498 = arith.constant 0 : i32
      %dma_start3A_499 = tpu.memref_slice %arg2[%squeeze3A_495, %dma_start3A_498] : memref<1000000x32xf32, #tpu.memory_space<hbm>> -> memref<1x32xf32, #tpu.memory_space<hbm>>
      %dma_start3A_500 = arith.constant 0 : i32
      %dma_start3A_501 = tpu.memref_slice %arg13[%add3A_493, %dma_start3A_500] : memref<256x32xf32, #tpu.memory_space<vmem>> -> memref<1x32xf32, #tpu.memory_space<vmem>>
      %dma_start3A_502 = arith.constant 0 : i32
      %dma_start3A_503 = tpu.memref_slice %arg2[%squeeze3A_495, %dma_start3A_502] : memref<1000000x32xf32, #tpu.memory_space<hbm>> -> memref<1x32xf32, #tpu.memory_space<hbm>>
      tpu.enqueue_dma source(%dma_start3A_503 : memref<1x32xf32, #tpu.memory_space<hbm>>) target(%dma_start3A_501 : memref<1x32xf32, #tpu.memory_space<vmem>>) target_semaphore(%arg16 : memref<!tpu.dma_semaphore, #tpu.memory_space<semaphore_mem>>)
      %slice3A_504 = vector.extract_strided_slice %get3A_47 {offsets = [13], sizes = [1], strides = [1]} : vector<16xi32> to vector<1xi32>
      %squeeze3A_505 = vector.extract %slice3A_504[0] : i32 from vector<1xi32>
      %dma_start3A_506 = arith.constant 0 : i32
      %dma_start3A_507 = tpu.memref_slice %arg14[%add3A_493, %dma_start3A_506] : memref<256x32xf32, #tpu.memory_space<vmem>> -> memref<1x32xf32, #tpu.memory_space<vmem>>
      %dma_start3A_508 = arith.constant 0 : i32
      %dma_start3A_509 = tpu.memref_slice %arg3[%squeeze3A_505, %dma_start3A_508] : memref<1000000x32xf32, #tpu.memory_space<hbm>> -> memref<1x32xf32, #tpu.memory_space<hbm>>
      %dma_start3A_510 = arith.constant 0 : i32
      %dma_start3A_511 = tpu.memref_slice %arg14[%add3A_493, %dma_start3A_510] : memref<256x32xf32, #tpu.memory_space<vmem>> -> memref<1x32xf32, #tpu.memory_space<vmem>>
      %dma_start3A_512 = arith.constant 0 : i32
      %dma_start3A_513 = tpu.memref_slice %arg3[%squeeze3A_505, %dma_start3A_512] : memref<1000000x32xf32, #tpu.memory_space<hbm>> -> memref<1x32xf32, #tpu.memory_space<hbm>>
      tpu.enqueue_dma source(%dma_start3A_513 : memref<1x32xf32, #tpu.memory_space<hbm>>) target(%dma_start3A_511 : memref<1x32xf32, #tpu.memory_space<vmem>>) target_semaphore(%arg16 : memref<!tpu.dma_semaphore, #tpu.memory_space<semaphore_mem>>)
      %slice3A_514 = vector.extract_strided_slice %get3A_50 {offsets = [13], sizes = [1], strides = [1]} : vector<16xi32> to vector<1xi32>
      %squeeze3A_515 = vector.extract %slice3A_514[0] : i32 from vector<1xi32>
      %dma_start3A_516 = arith.constant 0 : i32
      %dma_start3A_517 = tpu.memref_slice %arg15[%add3A_493, %dma_start3A_516] : memref<256x32xf32, #tpu.memory_space<vmem>> -> memref<1x32xf32, #tpu.memory_space<vmem>>
      %dma_start3A_518 = arith.constant 0 : i32
      %dma_start3A_519 = tpu.memref_slice %arg3[%squeeze3A_515, %dma_start3A_518] : memref<1000000x32xf32, #tpu.memory_space<hbm>> -> memref<1x32xf32, #tpu.memory_space<hbm>>
      %dma_start3A_520 = arith.constant 0 : i32
      %dma_start3A_521 = tpu.memref_slice %arg15[%add3A_493, %dma_start3A_520] : memref<256x32xf32, #tpu.memory_space<vmem>> -> memref<1x32xf32, #tpu.memory_space<vmem>>
      %dma_start3A_522 = arith.constant 0 : i32
      %dma_start3A_523 = tpu.memref_slice %arg3[%squeeze3A_515, %dma_start3A_522] : memref<1000000x32xf32, #tpu.memory_space<hbm>> -> memref<1x32xf32, #tpu.memory_space<hbm>>
      tpu.enqueue_dma source(%dma_start3A_523 : memref<1x32xf32, #tpu.memory_space<hbm>>) target(%dma_start3A_521 : memref<1x32xf32, #tpu.memory_space<vmem>>) target_semaphore(%arg16 : memref<!tpu.dma_semaphore, #tpu.memory_space<semaphore_mem>>)
      %mul3A_524 = arith.constant 16 : i32
      %mul3A_525 = arith.muli %scan3A_38, %mul3A_524 : i32
      %add3A_526 = arith.constant 14 : i32
      %add3A_527 = arith.addi %mul3A_525, %add3A_526 : i32
      %slice3A_528 = vector.extract_strided_slice %get3A_44 {offsets = [14], sizes = [1], strides = [1]} : vector<16xi32> to vector<1xi32>
      %squeeze3A_529 = vector.extract %slice3A_528[0] : i32 from vector<1xi32>
      %dma_start3A_530 = arith.constant 0 : i32
      %dma_start3A_531 = tpu.memref_slice %arg13[%add3A_527, %dma_start3A_530] : memref<256x32xf32, #tpu.memory_space<vmem>> -> memref<1x32xf32, #tpu.memory_space<vmem>>
      %dma_start3A_532 = arith.constant 0 : i32
      %dma_start3A_533 = tpu.memref_slice %arg2[%squeeze3A_529, %dma_start3A_532] : memref<1000000x32xf32, #tpu.memory_space<hbm>> -> memref<1x32xf32, #tpu.memory_space<hbm>>
      %dma_start3A_534 = arith.constant 0 : i32
      %dma_start3A_535 = tpu.memref_slice %arg13[%add3A_527, %dma_start3A_534] : memref<256x32xf32, #tpu.memory_space<vmem>> -> memref<1x32xf32, #tpu.memory_space<vmem>>
      %dma_start3A_536 = arith.constant 0 : i32
      %dma_start3A_537 = tpu.memref_slice %arg2[%squeeze3A_529, %dma_start3A_536] : memref<1000000x32xf32, #tpu.memory_space<hbm>> -> memref<1x32xf32, #tpu.memory_space<hbm>>
      tpu.enqueue_dma source(%dma_start3A_537 : memref<1x32xf32, #tpu.memory_space<hbm>>) target(%dma_start3A_535 : memref<1x32xf32, #tpu.memory_space<vmem>>) target_semaphore(%arg16 : memref<!tpu.dma_semaphore, #tpu.memory_space<semaphore_mem>>)
      %slice3A_538 = vector.extract_strided_slice %get3A_47 {offsets = [14], sizes = [1], strides = [1]} : vector<16xi32> to vector<1xi32>
      %squeeze3A_539 = vector.extract %slice3A_538[0] : i32 from vector<1xi32>
      %dma_start3A_540 = arith.constant 0 : i32
      %dma_start3A_541 = tpu.memref_slice %arg14[%add3A_527, %dma_start3A_540] : memref<256x32xf32, #tpu.memory_space<vmem>> -> memref<1x32xf32, #tpu.memory_space<vmem>>
      %dma_start3A_542 = arith.constant 0 : i32
      %dma_start3A_543 = tpu.memref_slice %arg3[%squeeze3A_539, %dma_start3A_542] : memref<1000000x32xf32, #tpu.memory_space<hbm>> -> memref<1x32xf32, #tpu.memory_space<hbm>>
      %dma_start3A_544 = arith.constant 0 : i32
      %dma_start3A_545 = tpu.memref_slice %arg14[%add3A_527, %dma_start3A_544] : memref<256x32xf32, #tpu.memory_space<vmem>> -> memref<1x32xf32, #tpu.memory_space<vmem>>
      %dma_start3A_546 = arith.constant 0 : i32
      %dma_start3A_547 = tpu.memref_slice %arg3[%squeeze3A_539, %dma_start3A_546] : memref<1000000x32xf32, #tpu.memory_space<hbm>> -> memref<1x32xf32, #tpu.memory_space<hbm>>
      tpu.enqueue_dma source(%dma_start3A_547 : memref<1x32xf32, #tpu.memory_space<hbm>>) target(%dma_start3A_545 : memref<1x32xf32, #tpu.memory_space<vmem>>) target_semaphore(%arg16 : memref<!tpu.dma_semaphore, #tpu.memory_space<semaphore_mem>>)
      %slice3A_548 = vector.extract_strided_slice %get3A_50 {offsets = [14], sizes = [1], strides = [1]} : vector<16xi32> to vector<1xi32>
      %squeeze3A_549 = vector.extract %slice3A_548[0] : i32 from vector<1xi32>
      %dma_start3A_550 = arith.constant 0 : i32
      %dma_start3A_551 = tpu.memref_slice %arg15[%add3A_527, %dma_start3A_550] : memref<256x32xf32, #tpu.memory_space<vmem>> -> memref<1x32xf32, #tpu.memory_space<vmem>>
      %dma_start3A_552 = arith.constant 0 : i32
      %dma_start3A_553 = tpu.memref_slice %arg3[%squeeze3A_549, %dma_start3A_552] : memref<1000000x32xf32, #tpu.memory_space<hbm>> -> memref<1x32xf32, #tpu.memory_space<hbm>>
      %dma_start3A_554 = arith.constant 0 : i32
      %dma_start3A_555 = tpu.memref_slice %arg15[%add3A_527, %dma_start3A_554] : memref<256x32xf32, #tpu.memory_space<vmem>> -> memref<1x32xf32, #tpu.memory_space<vmem>>
      %dma_start3A_556 = arith.constant 0 : i32
      %dma_start3A_557 = tpu.memref_slice %arg3[%squeeze3A_549, %dma_start3A_556] : memref<1000000x32xf32, #tpu.memory_space<hbm>> -> memref<1x32xf32, #tpu.memory_space<hbm>>
      tpu.enqueue_dma source(%dma_start3A_557 : memref<1x32xf32, #tpu.memory_space<hbm>>) target(%dma_start3A_555 : memref<1x32xf32, #tpu.memory_space<vmem>>) target_semaphore(%arg16 : memref<!tpu.dma_semaphore, #tpu.memory_space<semaphore_mem>>)
      %mul3A_558 = arith.constant 16 : i32
      %mul3A_559 = arith.muli %scan3A_38, %mul3A_558 : i32
      %add3A_560 = arith.constant 15 : i32
      %add3A_561 = arith.addi %mul3A_559, %add3A_560 : i32
      %slice3A_562 = vector.extract_strided_slice %get3A_44 {offsets = [15], sizes = [1], strides = [1]} : vector<16xi32> to vector<1xi32>
      %squeeze3A_563 = vector.extract %slice3A_562[0] : i32 from vector<1xi32>
      %dma_start3A_564 = arith.constant 0 : i32
      %dma_start3A_565 = tpu.memref_slice %arg13[%add3A_561, %dma_start3A_564] : memref<256x32xf32, #tpu.memory_space<vmem>> -> memref<1x32xf32, #tpu.memory_space<vmem>>
      %dma_start3A_566 = arith.constant 0 : i32
      %dma_start3A_567 = tpu.memref_slice %arg2[%squeeze3A_563, %dma_start3A_566] : memref<1000000x32xf32, #tpu.memory_space<hbm>> -> memref<1x32xf32, #tpu.memory_space<hbm>>
      %dma_start3A_568 = arith.constant 0 : i32
      %dma_start3A_569 = tpu.memref_slice %arg13[%add3A_561, %dma_start3A_568] : memref<256x32xf32, #tpu.memory_space<vmem>> -> memref<1x32xf32, #tpu.memory_space<vmem>>
      %dma_start3A_570 = arith.constant 0 : i32
      %dma_start3A_571 = tpu.memref_slice %arg2[%squeeze3A_563, %dma_start3A_570] : memref<1000000x32xf32, #tpu.memory_space<hbm>> -> memref<1x32xf32, #tpu.memory_space<hbm>>
      tpu.enqueue_dma source(%dma_start3A_571 : memref<1x32xf32, #tpu.memory_space<hbm>>) target(%dma_start3A_569 : memref<1x32xf32, #tpu.memory_space<vmem>>) target_semaphore(%arg16 : memref<!tpu.dma_semaphore, #tpu.memory_space<semaphore_mem>>)
      %slice3A_572 = vector.extract_strided_slice %get3A_47 {offsets = [15], sizes = [1], strides = [1]} : vector<16xi32> to vector<1xi32>
      %squeeze3A_573 = vector.extract %slice3A_572[0] : i32 from vector<1xi32>
      %dma_start3A_574 = arith.constant 0 : i32
      %dma_start3A_575 = tpu.memref_slice %arg14[%add3A_561, %dma_start3A_574] : memref<256x32xf32, #tpu.memory_space<vmem>> -> memref<1x32xf32, #tpu.memory_space<vmem>>
      %dma_start3A_576 = arith.constant 0 : i32
      %dma_start3A_577 = tpu.memref_slice %arg3[%squeeze3A_573, %dma_start3A_576] : memref<1000000x32xf32, #tpu.memory_space<hbm>> -> memref<1x32xf32, #tpu.memory_space<hbm>>
      %dma_start3A_578 = arith.constant 0 : i32
      %dma_start3A_579 = tpu.memref_slice %arg14[%add3A_561, %dma_start3A_578] : memref<256x32xf32, #tpu.memory_space<vmem>> -> memref<1x32xf32, #tpu.memory_space<vmem>>
      %dma_start3A_580 = arith.constant 0 : i32
      %dma_start3A_581 = tpu.memref_slice %arg3[%squeeze3A_573, %dma_start3A_580] : memref<1000000x32xf32, #tpu.memory_space<hbm>> -> memref<1x32xf32, #tpu.memory_space<hbm>>
      tpu.enqueue_dma source(%dma_start3A_581 : memref<1x32xf32, #tpu.memory_space<hbm>>) target(%dma_start3A_579 : memref<1x32xf32, #tpu.memory_space<vmem>>) target_semaphore(%arg16 : memref<!tpu.dma_semaphore, #tpu.memory_space<semaphore_mem>>)
      %slice3A_582 = vector.extract_strided_slice %get3A_50 {offsets = [15], sizes = [1], strides = [1]} : vector<16xi32> to vector<1xi32>
      %squeeze3A_583 = vector.extract %slice3A_582[0] : i32 from vector<1xi32>
      %dma_start3A_584 = arith.constant 0 : i32
      %dma_start3A_585 = tpu.memref_slice %arg15[%add3A_561, %dma_start3A_584] : memref<256x32xf32, #tpu.memory_space<vmem>> -> memref<1x32xf32, #tpu.memory_space<vmem>>
      %dma_start3A_586 = arith.constant 0 : i32
      %dma_start3A_587 = tpu.memref_slice %arg3[%squeeze3A_583, %dma_start3A_586] : memref<1000000x32xf32, #tpu.memory_space<hbm>> -> memref<1x32xf32, #tpu.memory_space<hbm>>
      %dma_start3A_588 = arith.constant 0 : i32
      %dma_start3A_589 = tpu.memref_slice %arg15[%add3A_561, %dma_start3A_588] : memref<256x32xf32, #tpu.memory_space<vmem>> -> memref<1x32xf32, #tpu.memory_space<vmem>>
      %dma_start3A_590 = arith.constant 0 : i32
      %dma_start3A_591 = tpu.memref_slice %arg3[%squeeze3A_583, %dma_start3A_590] : memref<1000000x32xf32, #tpu.memory_space<hbm>> -> memref<1x32xf32, #tpu.memory_space<hbm>>
      tpu.enqueue_dma source(%dma_start3A_591 : memref<1x32xf32, #tpu.memory_space<hbm>>) target(%dma_start3A_589 : memref<1x32xf32, #tpu.memory_space<vmem>>) target_semaphore(%arg16 : memref<!tpu.dma_semaphore, #tpu.memory_space<semaphore_mem>>)
    }
    %scan3A_25 = arith.constant 16 : i32
    %scan3A_26 = arith.constant 0 : i32
    %scan3A_27 = arith.constant 0 : i32
    %scan3A_28 = arith.constant 256 : i32
    %scan3A_29 = arith.addi %scan3A_27, %scan3A_28 : i32
    %scan3A_30 = arith.constant 1 : i32
    scf.for %scan3A_38 = %scan3A_27 to %scan3A_29 step %scan3A_30  : i32 {
      %dma_wait3A = arith.constant 0 : i32
      %dma_wait3A_39 = arith.constant 0 : i32
      %dma_wait3A_40 = tpu.memref_slice %arg13[%dma_wait3A, %dma_wait3A_39] : memref<256x32xf32, #tpu.memory_space<vmem>> -> memref<1x32xf32, #tpu.memory_space<vmem>>
      %dma_wait3A_41 = arith.constant 0 : i32
      %dma_wait3A_42 = arith.constant 0 : i32
      %dma_wait3A_43 = tpu.memref_slice %arg2[%dma_wait3A_41, %dma_wait3A_42] : memref<1000000x32xf32, #tpu.memory_space<hbm>> -> memref<1x32xf32, #tpu.memory_space<hbm>>
      %dma_wait3A_44 = arith.constant 0 : i32
      %dma_wait3A_45 = arith.constant 0 : i32
      %dma_wait3A_46 = tpu.memref_slice %arg13[%dma_wait3A_44, %dma_wait3A_45] : memref<256x32xf32, #tpu.memory_space<vmem>> -> memref<1x32xf32, #tpu.memory_space<vmem>>
      %dma_wait3A_47 = arith.constant 0 : i32
      %dma_wait3A_48 = arith.constant 0 : i32
      %dma_wait3A_49 = tpu.memref_slice %arg2[%dma_wait3A_47, %dma_wait3A_48] : memref<1000000x32xf32, #tpu.memory_space<hbm>> -> memref<1x32xf32, #tpu.memory_space<hbm>>
      tpu.wait_dma2 semaphore(%arg16 : memref<!tpu.dma_semaphore, #tpu.memory_space<semaphore_mem>>) src(%dma_wait3A_49 : memref<1x32xf32, #tpu.memory_space<hbm>>) dst(%dma_wait3A_46 : memref<1x32xf32, #tpu.memory_space<vmem>>)
      %dma_wait3A_50 = arith.constant 0 : i32
      %dma_wait3A_51 = arith.constant 0 : i32
      %dma_wait3A_52 = tpu.memref_slice %arg13[%dma_wait3A_50, %dma_wait3A_51] : memref<256x32xf32, #tpu.memory_space<vmem>> -> memref<1x32xf32, #tpu.memory_space<vmem>>
      %dma_wait3A_53 = arith.constant 0 : i32
      %dma_wait3A_54 = arith.constant 0 : i32
      %dma_wait3A_55 = tpu.memref_slice %arg2[%dma_wait3A_53, %dma_wait3A_54] : memref<1000000x32xf32, #tpu.memory_space<hbm>> -> memref<1x32xf32, #tpu.memory_space<hbm>>
      %dma_wait3A_56 = arith.constant 0 : i32
      %dma_wait3A_57 = arith.constant 0 : i32
      %dma_wait3A_58 = tpu.memref_slice %arg13[%dma_wait3A_56, %dma_wait3A_57] : memref<256x32xf32, #tpu.memory_space<vmem>> -> memref<1x32xf32, #tpu.memory_space<vmem>>
      %dma_wait3A_59 = arith.constant 0 : i32
      %dma_wait3A_60 = arith.constant 0 : i32
      %dma_wait3A_61 = tpu.memref_slice %arg2[%dma_wait3A_59, %dma_wait3A_60] : memref<1000000x32xf32, #tpu.memory_space<hbm>> -> memref<1x32xf32, #tpu.memory_space<hbm>>
      tpu.wait_dma2 semaphore(%arg16 : memref<!tpu.dma_semaphore, #tpu.memory_space<semaphore_mem>>) src(%dma_wait3A_61 : memref<1x32xf32, #tpu.memory_space<hbm>>) dst(%dma_wait3A_58 : memref<1x32xf32, #tpu.memory_space<vmem>>)
      %dma_wait3A_62 = arith.constant 0 : i32
      %dma_wait3A_63 = arith.constant 0 : i32
      %dma_wait3A_64 = tpu.memref_slice %arg13[%dma_wait3A_62, %dma_wait3A_63] : memref<256x32xf32, #tpu.memory_space<vmem>> -> memref<1x32xf32, #tpu.memory_space<vmem>>
      %dma_wait3A_65 = arith.constant 0 : i32
      %dma_wait3A_66 = arith.constant 0 : i32
      %dma_wait3A_67 = tpu.memref_slice %arg2[%dma_wait3A_65, %dma_wait3A_66] : memref<1000000x32xf32, #tpu.memory_space<hbm>> -> memref<1x32xf32, #tpu.memory_space<hbm>>
      %dma_wait3A_68 = arith.constant 0 : i32
      %dma_wait3A_69 = arith.constant 0 : i32
      %dma_wait3A_70 = tpu.memref_slice %arg13[%dma_wait3A_68, %dma_wait3A_69] : memref<256x32xf32, #tpu.memory_space<vmem>> -> memref<1x32xf32, #tpu.memory_space<vmem>>
      %dma_wait3A_71 = arith.constant 0 : i32
      %dma_wait3A_72 = arith.constant 0 : i32
      %dma_wait3A_73 = tpu.memref_slice %arg2[%dma_wait3A_71, %dma_wait3A_72] : memref<1000000x32xf32, #tpu.memory_space<hbm>> -> memref<1x32xf32, #tpu.memory_space<hbm>>
      tpu.wait_dma2 semaphore(%arg16 : memref<!tpu.dma_semaphore, #tpu.memory_space<semaphore_mem>>) src(%dma_wait3A_73 : memref<1x32xf32, #tpu.memory_space<hbm>>) dst(%dma_wait3A_70 : memref<1x32xf32, #tpu.memory_space<vmem>>)
    }
    %scan3A_31 = arith.constant 256 : i32
    %add3A_32 = arith.constant 256 : i32
    %add3A_33 = arith.addi %mul3A_2, %add3A_32 : i32
    "tpu.region"() ({
      %run_scoped3A = tpu.sem_alloc : memref<!tpu.dma_semaphore, #tpu.memory_space<semaphore_mem>>
      %dma_start3A = arith.constant 0 : i32
      %dma_start3A_38 = tpu.memref_slice %arg7[%add3A_33, %dma_start3A] : memref<16384x32xf32, #tpu.memory_space<hbm>> -> memref<256x32xf32, #tpu.memory_space<hbm>>
      %dma_start3A_39 = arith.constant 0 : i32
      %dma_start3A_40 = tpu.memref_slice %arg7[%add3A_33, %dma_start3A_39] : memref<16384x32xf32, #tpu.memory_space<hbm>> -> memref<256x32xf32, #tpu.memory_space<hbm>>
      tpu.enqueue_dma source(%arg13 : memref<256x32xf32, #tpu.memory_space<vmem>>) target(%dma_start3A_40 : memref<256x32xf32, #tpu.memory_space<hbm>>) target_semaphore(%run_scoped3A : memref<!tpu.dma_semaphore, #tpu.memory_space<semaphore_mem>>)
      %dma_wait3A = arith.constant 0 : i32
      %dma_wait3A_41 = tpu.memref_slice %arg7[%add3A_33, %dma_wait3A] : memref<16384x32xf32, #tpu.memory_space<hbm>> -> memref<256x32xf32, #tpu.memory_space<hbm>>
      %dma_wait3A_42 = arith.constant 0 : i32
      %dma_wait3A_43 = tpu.memref_slice %arg7[%add3A_33, %dma_wait3A_42] : memref<16384x32xf32, #tpu.memory_space<hbm>> -> memref<256x32xf32, #tpu.memory_space<hbm>>
      tpu.wait_dma2 semaphore(%run_scoped3A : memref<!tpu.dma_semaphore, #tpu.memory_space<semaphore_mem>>) src(%arg13 : memref<256x32xf32, #tpu.memory_space<vmem>>) dst(%dma_wait3A_43 : memref<256x32xf32, #tpu.memory_space<hbm>>)
      tpu.yield
    }) : () -> ()
    %add3A_34 = arith.constant 256 : i32
    %add3A_35 = arith.addi %mul3A_2, %add3A_34 : i32
    "tpu.region"() ({
      %run_scoped3A = tpu.sem_alloc : memref<!tpu.dma_semaphore, #tpu.memory_space<semaphore_mem>>
      %dma_start3A = arith.constant 0 : i32
      %dma_start3A_38 = tpu.memref_slice %arg8[%add3A_35, %dma_start3A] : memref<16384x32xf32, #tpu.memory_space<hbm>> -> memref<256x32xf32, #tpu.memory_space<hbm>>
      %dma_start3A_39 = arith.constant 0 : i32
      %dma_start3A_40 = tpu.memref_slice %arg8[%add3A_35, %dma_start3A_39] : memref<16384x32xf32, #tpu.memory_space<hbm>> -> memref<256x32xf32, #tpu.memory_space<hbm>>
      tpu.enqueue_dma source(%arg14 : memref<256x32xf32, #tpu.memory_space<vmem>>) target(%dma_start3A_40 : memref<256x32xf32, #tpu.memory_space<hbm>>) target_semaphore(%run_scoped3A : memref<!tpu.dma_semaphore, #tpu.memory_space<semaphore_mem>>)
      %dma_wait3A = arith.constant 0 : i32
      %dma_wait3A_41 = tpu.memref_slice %arg8[%add3A_35, %dma_wait3A] : memref<16384x32xf32, #tpu.memory_space<hbm>> -> memref<256x32xf32, #tpu.memory_space<hbm>>
      %dma_wait3A_42 = arith.constant 0 : i32
      %dma_wait3A_43 = tpu.memref_slice %arg8[%add3A_35, %dma_wait3A_42] : memref<16384x32xf32, #tpu.memory_space<hbm>> -> memref<256x32xf32, #tpu.memory_space<hbm>>
      tpu.wait_dma2 semaphore(%run_scoped3A : memref<!tpu.dma_semaphore, #tpu.memory_space<semaphore_mem>>) src(%arg14 : memref<256x32xf32, #tpu.memory_space<vmem>>) dst(%dma_wait3A_43 : memref<256x32xf32, #tpu.memory_space<hbm>>)
      tpu.yield
    }) : () -> ()
    %add3A_36 = arith.constant 256 : i32
    %add3A_37 = arith.addi %mul3A_2, %add3A_36 : i32
    "tpu.region"() ({
      %run_scoped3A = tpu.sem_alloc : memref<!tpu.dma_semaphore, #tpu.memory_space<semaphore_mem>>
      %dma_start3A = arith.constant 0 : i32
      %dma_start3A_38 = tpu.memref_slice %arg9[%add3A_37, %dma_start3A] : memref<16384x32xf32, #tpu.memory_space<hbm>> -> memref<256x32xf32, #tpu.memory_space<hbm>>
      %dma_start3A_39 = arith.constant 0 : i32
      %dma_start3A_40 = tpu.memref_slice %arg9[%add3A_37, %dma_start3A_39] : memref<16384x32xf32, #tpu.memory_space<hbm>> -> memref<256x32xf32, #tpu.memory_space<hbm>>
      tpu.enqueue_dma source(%arg15 : memref<256x32xf32, #tpu.memory_space<vmem>>) target(%dma_start3A_40 : memref<256x32xf32, #tpu.memory_space<hbm>>) target_semaphore(%run_scoped3A : memref<!tpu.dma_semaphore, #tpu.memory_space<semaphore_mem>>)
      %dma_wait3A = arith.constant 0 : i32
      %dma_wait3A_41 = tpu.memref_slice %arg9[%add3A_37, %dma_wait3A] : memref<16384x32xf32, #tpu.memory_space<hbm>> -> memref<256x32xf32, #tpu.memory_space<hbm>>
      %dma_wait3A_42 = arith.constant 0 : i32
      %dma_wait3A_43 = tpu.memref_slice %arg9[%add3A_37, %dma_wait3A_42] : memref<16384x32xf32, #tpu.memory_space<hbm>> -> memref<256x32xf32, #tpu.memory_space<hbm>>
      tpu.wait_dma2 semaphore(%run_scoped3A : memref<!tpu.dma_semaphore, #tpu.memory_space<semaphore_mem>>) src(%arg15 : memref<256x32xf32, #tpu.memory_space<vmem>>) dst(%dma_wait3A_43 : memref<256x32xf32, #tpu.memory_space<hbm>>)
      tpu.yield
    }) : () -> ()
    return
  }
}

module attributes {stable_mosaic.version = 14 : i64} {
  func.func @_mlp_body(%arg0: i32, %arg1: memref<2048x32xf32, #tpu.memory_space<vmem>>, %arg2: memref<2048x32xf32, #tpu.memory_space<vmem>>, %arg3: memref<2048x32xf32, #tpu.memory_space<vmem>>, %arg4: memref<32x32xf32, #tpu.memory_space<vmem>>, %arg5: memref<32x32xf32, #tpu.memory_space<vmem>>, %arg6: memref<1x32xf32, #tpu.memory_space<vmem>>, %arg7: memref<32x16xf32, #tpu.memory_space<vmem>>, %arg8: memref<1x16xf32, #tpu.memory_space<vmem>>, %arg9: memref<16x8xf32, #tpu.memory_space<vmem>>, %arg10: memref<1x8xf32, #tpu.memory_space<vmem>>, %arg11: memref<1x8xf32, #tpu.memory_space<vmem>>, %arg12: memref<1x1xf32, #tpu.memory_space<vmem>>, %arg13: memref<2048xf32, #tpu.memory_space<vmem>>, %arg14: memref<2048xf32, #tpu.memory_space<vmem>>) attributes {dimension_semantics = [#tpu.dimension_semantics<arbitrary>], iteration_bounds = array<i64: 8>, scalar_prefetch = 0 : i64, scratch_operands = 0 : i64, tpu.core_type = #tpu.core_type<tc>, window_params = [{transform_indices = @transform_0, window_bounds = array<i64: 2048, 32>}, {transform_indices = @transform_1, window_bounds = array<i64: 2048, 32>}, {transform_indices = @transform_2, window_bounds = array<i64: 2048, 32>}, {pipeline_mode = #tpu.pipeline_mode<synchronous>, transform_indices = @transform_3, window_bounds = array<i64: 32, 32>}, {pipeline_mode = #tpu.pipeline_mode<synchronous>, transform_indices = @transform_4, window_bounds = array<i64: 32, 32>}, {pipeline_mode = #tpu.pipeline_mode<synchronous>, transform_indices = @transform_5, window_bounds = array<i64: 1, 32>}, {pipeline_mode = #tpu.pipeline_mode<synchronous>, transform_indices = @transform_6, window_bounds = array<i64: 32, 16>}, {pipeline_mode = #tpu.pipeline_mode<synchronous>, transform_indices = @transform_7, window_bounds = array<i64: 1, 16>}, {pipeline_mode = #tpu.pipeline_mode<synchronous>, transform_indices = @transform_8, window_bounds = array<i64: 16, 8>}, {pipeline_mode = #tpu.pipeline_mode<synchronous>, transform_indices = @transform_9, window_bounds = array<i64: 1, 8>}, {pipeline_mode = #tpu.pipeline_mode<synchronous>, transform_indices = @transform_10, window_bounds = array<i64: 1, 8>}, {pipeline_mode = #tpu.pipeline_mode<synchronous>, transform_indices = @transform_11, window_bounds = array<i64: 1, 1>}, {transform_indices = @transform_12, window_bounds = array<i64: 2048>}, {transform_indices = @transform_13, window_bounds = array<i64: 2048>}]} {
    %get3A = arith.constant 0 : index
    %get3A_0 = arith.constant 0 : index
    %get3A_1 = vector.load %arg1[%get3A, %get3A_0] : memref<2048x32xf32, #tpu.memory_space<vmem>>, vector<2048x32xf32>
    %get3A_2 = arith.constant 0 : index
    %get3A_3 = arith.constant 0 : index
    %get3A_4 = vector.load %arg4[%get3A_2, %get3A_3] : memref<32x32xf32, #tpu.memory_space<vmem>>, vector<32x32xf32>
    %dot_general3A = arith.constant dense<0.000000e+00> : vector<2048x32xf32>
    %dot_general3A_5 = tpu.matmul %get3A_1, %get3A_4, %dot_general3A {dimension_numbers = #tpu.dot_dimension_numbers<[1], [0], [0], [1], [0, 0, 1, 1], [], []>, transpose_lhs_hint = false} : vector<2048x32xf32>, vector<32x32xf32>, vector<2048x32xf32> -> vector<2048x32xf32>
    %get3A_6 = arith.constant 0 : index
    %get3A_7 = arith.constant 0 : index
    %get3A_8 = vector.load %arg2[%get3A_6, %get3A_7] : memref<2048x32xf32, #tpu.memory_space<vmem>>, vector<2048x32xf32>
    %get3A_9 = arith.constant 0 : index
    %get3A_10 = arith.constant 0 : index
    %get3A_11 = vector.load %arg5[%get3A_9, %get3A_10] : memref<32x32xf32, #tpu.memory_space<vmem>>, vector<32x32xf32>
    %dot_general3A_12 = arith.constant dense<0.000000e+00> : vector<2048x32xf32>
    %dot_general3A_13 = tpu.matmul %get3A_8, %get3A_11, %dot_general3A_12 {dimension_numbers = #tpu.dot_dimension_numbers<[1], [0], [0], [1], [0, 0, 1, 1], [], []>, transpose_lhs_hint = false} : vector<2048x32xf32>, vector<32x32xf32>, vector<2048x32xf32> -> vector<2048x32xf32>
    %add3A = arith.addf %dot_general3A_5, %dot_general3A_13 : vector<2048x32xf32>
    %get3A_14 = arith.constant 0 : index
    %get3A_15 = arith.constant 0 : index
    %get3A_16 = vector.load %arg6[%get3A_14, %get3A_15] : memref<1x32xf32, #tpu.memory_space<vmem>>, vector<1x32xf32>
    %add3A_17 = vector.broadcast %get3A_16 : vector<1x32xf32> to vector<2048x32xf32>
    %add3A_18 = arith.addf %add3A, %add3A_17 : vector<2048x32xf32>
    %max3A = arith.constant 0.000000e+00 : f32
    %max3A_19 = vector.broadcast %max3A : f32 to vector<2048x32xf32>
    %max3A_20 = arith.maximumf %add3A_18, %max3A_19 : vector<2048x32xf32>
    %get3A_21 = arith.constant 0 : index
    %get3A_22 = arith.constant 0 : index
    %get3A_23 = vector.load %arg7[%get3A_21, %get3A_22] : memref<32x16xf32, #tpu.memory_space<vmem>>, vector<32x16xf32>
    %dot_general3A_24 = arith.constant dense<0.000000e+00> : vector<2048x16xf32>
    %dot_general3A_25 = tpu.matmul %max3A_20, %get3A_23, %dot_general3A_24 {dimension_numbers = #tpu.dot_dimension_numbers<[1], [0], [0], [1], [0, 0, 1, 1], [], []>, transpose_lhs_hint = false} : vector<2048x32xf32>, vector<32x16xf32>, vector<2048x16xf32> -> vector<2048x16xf32>
    %get3A_26 = arith.constant 0 : index
    %get3A_27 = arith.constant 0 : index
    %get3A_28 = vector.load %arg8[%get3A_26, %get3A_27] : memref<1x16xf32, #tpu.memory_space<vmem>>, vector<1x16xf32>
    %add3A_29 = vector.broadcast %get3A_28 : vector<1x16xf32> to vector<2048x16xf32>
    %add3A_30 = arith.addf %dot_general3A_25, %add3A_29 : vector<2048x16xf32>
    %max3A_31 = arith.constant 0.000000e+00 : f32
    %max3A_32 = vector.broadcast %max3A_31 : f32 to vector<2048x16xf32>
    %max3A_33 = arith.maximumf %add3A_30, %max3A_32 : vector<2048x16xf32>
    %get3A_34 = arith.constant 0 : index
    %get3A_35 = arith.constant 0 : index
    %get3A_36 = vector.load %arg9[%get3A_34, %get3A_35] : memref<16x8xf32, #tpu.memory_space<vmem>>, vector<16x8xf32>
    %dot_general3A_37 = arith.constant dense<0.000000e+00> : vector<2048x8xf32>
    %dot_general3A_38 = tpu.matmul %max3A_33, %get3A_36, %dot_general3A_37 {dimension_numbers = #tpu.dot_dimension_numbers<[1], [0], [0], [1], [0, 0, 1, 1], [], []>, transpose_lhs_hint = false} : vector<2048x16xf32>, vector<16x8xf32>, vector<2048x8xf32> -> vector<2048x8xf32>
    %get3A_39 = arith.constant 0 : index
    %get3A_40 = arith.constant 0 : index
    %get3A_41 = vector.load %arg10[%get3A_39, %get3A_40] : memref<1x8xf32, #tpu.memory_space<vmem>>, vector<1x8xf32>
    %add3A_42 = vector.broadcast %get3A_41 : vector<1x8xf32> to vector<2048x8xf32>
    %add3A_43 = arith.addf %dot_general3A_38, %add3A_42 : vector<2048x8xf32>
    %max3A_44 = arith.constant 0.000000e+00 : f32
    %max3A_45 = vector.broadcast %max3A_44 : f32 to vector<2048x8xf32>
    %max3A_46 = arith.maximumf %add3A_43, %max3A_45 : vector<2048x8xf32>
    %get3A_47 = arith.constant 0 : index
    %get3A_48 = arith.constant 0 : index
    %get3A_49 = vector.load %arg11[%get3A_47, %get3A_48] : memref<1x8xf32, #tpu.memory_space<vmem>>, vector<1x8xf32>
    %mul3A = vector.broadcast %get3A_49 : vector<1x8xf32> to vector<2048x8xf32>
    %mul3A_50 = arith.mulf %max3A_46, %mul3A : vector<2048x8xf32>
    %reduce_sum3A = arith.constant dense<0.000000e+00> : vector<2048xf32>
    %reduce_sum3A_51 = vector.multi_reduction <add>, %mul3A_50, %reduce_sum3A [1] : vector<2048x8xf32> to vector<2048xf32>
    %get3A_52 = arith.constant 0 : index
    %get3A_53 = arith.constant 0 : index
    %get3A_54 = vector.load %arg12[%get3A_52, %get3A_53] : memref<1x1xf32, #tpu.memory_space<vmem>>, vector<1x1xf32>
    %get3A_55 = vector.extract %get3A_54[0, 0] : f32 from vector<1x1xf32>
    %add3A_56 = vector.broadcast %get3A_55 : f32 to vector<2048xf32>
    %add3A_57 = arith.addf %reduce_sum3A_51, %add3A_56 : vector<2048xf32>
    %swap3A = arith.constant 0 : index
    %swap3A_58 = vector.load %arg13[%swap3A] : memref<2048xf32, #tpu.memory_space<vmem>>, vector<2048xf32>
    tpu.vector_store %arg13[%swap3A], %add3A_57 {strides = array<i32>} : memref<2048xf32, #tpu.memory_space<vmem>>, vector<2048xf32>,
    %get3A_59 = arith.constant 0 : index
    %get3A_60 = arith.constant 0 : index
    %get3A_61 = vector.load %arg3[%get3A_59, %get3A_60] : memref<2048x32xf32, #tpu.memory_space<vmem>>, vector<2048x32xf32>
    %get3A_62 = arith.constant 0 : index
    %get3A_63 = arith.constant 0 : index
    %get3A_64 = vector.load %arg5[%get3A_62, %get3A_63] : memref<32x32xf32, #tpu.memory_space<vmem>>, vector<32x32xf32>
    %dot_general3A_65 = arith.constant dense<0.000000e+00> : vector<2048x32xf32>
    %dot_general3A_66 = tpu.matmul %get3A_61, %get3A_64, %dot_general3A_65 {dimension_numbers = #tpu.dot_dimension_numbers<[1], [0], [0], [1], [0, 0, 1, 1], [], []>, transpose_lhs_hint = false} : vector<2048x32xf32>, vector<32x32xf32>, vector<2048x32xf32> -> vector<2048x32xf32>
    %add3A_67 = arith.addf %dot_general3A_5, %dot_general3A_66 : vector<2048x32xf32>
    %get3A_68 = arith.constant 0 : index
    %get3A_69 = arith.constant 0 : index
    %get3A_70 = vector.load %arg6[%get3A_68, %get3A_69] : memref<1x32xf32, #tpu.memory_space<vmem>>, vector<1x32xf32>
    %add3A_71 = vector.broadcast %get3A_70 : vector<1x32xf32> to vector<2048x32xf32>
    %add3A_72 = arith.addf %add3A_67, %add3A_71 : vector<2048x32xf32>
    %max3A_73 = arith.constant 0.000000e+00 : f32
    %max3A_74 = vector.broadcast %max3A_73 : f32 to vector<2048x32xf32>
    %max3A_75 = arith.maximumf %add3A_72, %max3A_74 : vector<2048x32xf32>
    %get3A_76 = arith.constant 0 : index
    %get3A_77 = arith.constant 0 : index
    %get3A_78 = vector.load %arg7[%get3A_76, %get3A_77] : memref<32x16xf32, #tpu.memory_space<vmem>>, vector<32x16xf32>
    %dot_general3A_79 = arith.constant dense<0.000000e+00> : vector<2048x16xf32>
    %dot_general3A_80 = tpu.matmul %max3A_75, %get3A_78, %dot_general3A_79 {dimension_numbers = #tpu.dot_dimension_numbers<[1], [0], [0], [1], [0, 0, 1, 1], [], []>, transpose_lhs_hint = false} : vector<2048x32xf32>, vector<32x16xf32>, vector<2048x16xf32> -> vector<2048x16xf32>
    %get3A_81 = arith.constant 0 : index
    %get3A_82 = arith.constant 0 : index
    %get3A_83 = vector.load %arg8[%get3A_81, %get3A_82] : memref<1x16xf32, #tpu.memory_space<vmem>>, vector<1x16xf32>
    %add3A_84 = vector.broadcast %get3A_83 : vector<1x16xf32> to vector<2048x16xf32>
    %add3A_85 = arith.addf %dot_general3A_80, %add3A_84 : vector<2048x16xf32>
    %max3A_86 = arith.constant 0.000000e+00 : f32
    %max3A_87 = vector.broadcast %max3A_86 : f32 to vector<2048x16xf32>
    %max3A_88 = arith.maximumf %add3A_85, %max3A_87 : vector<2048x16xf32>
    %get3A_89 = arith.constant 0 : index
    %get3A_90 = arith.constant 0 : index
    %get3A_91 = vector.load %arg9[%get3A_89, %get3A_90] : memref<16x8xf32, #tpu.memory_space<vmem>>, vector<16x8xf32>
    %dot_general3A_92 = arith.constant dense<0.000000e+00> : vector<2048x8xf32>
    %dot_general3A_93 = tpu.matmul %max3A_88, %get3A_91, %dot_general3A_92 {dimension_numbers = #tpu.dot_dimension_numbers<[1], [0], [0], [1], [0, 0, 1, 1], [], []>, transpose_lhs_hint = false} : vector<2048x16xf32>, vector<16x8xf32>, vector<2048x8xf32> -> vector<2048x8xf32>
    %get3A_94 = arith.constant 0 : index
    %get3A_95 = arith.constant 0 : index
    %get3A_96 = vector.load %arg10[%get3A_94, %get3A_95] : memref<1x8xf32, #tpu.memory_space<vmem>>, vector<1x8xf32>
    %add3A_97 = vector.broadcast %get3A_96 : vector<1x8xf32> to vector<2048x8xf32>
    %add3A_98 = arith.addf %dot_general3A_93, %add3A_97 : vector<2048x8xf32>
    %max3A_99 = arith.constant 0.000000e+00 : f32
    %max3A_100 = vector.broadcast %max3A_99 : f32 to vector<2048x8xf32>
    %max3A_101 = arith.maximumf %add3A_98, %max3A_100 : vector<2048x8xf32>
    %get3A_102 = arith.constant 0 : index
    %get3A_103 = arith.constant 0 : index
    %get3A_104 = vector.load %arg11[%get3A_102, %get3A_103] : memref<1x8xf32, #tpu.memory_space<vmem>>, vector<1x8xf32>
    %mul3A_105 = vector.broadcast %get3A_104 : vector<1x8xf32> to vector<2048x8xf32>
    %mul3A_106 = arith.mulf %max3A_101, %mul3A_105 : vector<2048x8xf32>
    %reduce_sum3A_107 = arith.constant dense<0.000000e+00> : vector<2048xf32>
    %reduce_sum3A_108 = vector.multi_reduction <add>, %mul3A_106, %reduce_sum3A_107 [1] : vector<2048x8xf32> to vector<2048xf32>
    %get3A_109 = arith.constant 0 : index
    %get3A_110 = arith.constant 0 : index
    %get3A_111 = vector.load %arg12[%get3A_109, %get3A_110] : memref<1x1xf32, #tpu.memory_space<vmem>>, vector<1x1xf32>
    %get3A_112 = vector.extract %get3A_111[0, 0] : f32 from vector<1x1xf32>
    %add3A_113 = vector.broadcast %get3A_112 : f32 to vector<2048xf32>
    %add3A_114 = arith.addf %reduce_sum3A_108, %add3A_113 : vector<2048xf32>
    %swap3A_115 = arith.constant 0 : index
    %swap3A_116 = vector.load %arg14[%swap3A_115] : memref<2048xf32, #tpu.memory_space<vmem>>, vector<2048xf32>
    tpu.vector_store %arg14[%swap3A_115], %add3A_114 {strides = array<i32>} : memref<2048xf32, #tpu.memory_space<vmem>>, vector<2048xf32>,
    return
  }
  func.func @transform_0(%arg0: i32) -> (i32, i32) {
    %c0_i32 = arith.constant 0 : i32
    %c0_i32_0 = arith.constant 0 : i32
    return %arg0, %c0_i32 : i32, i32
  }
  func.func @transform_1(%arg0: i32) -> (i32, i32) {
    %c0_i32 = arith.constant 0 : i32
    %c0_i32_0 = arith.constant 0 : i32
    return %arg0, %c0_i32 : i32, i32
  }
  func.func @transform_2(%arg0: i32) -> (i32, i32) {
    %c0_i32 = arith.constant 0 : i32
    %c0_i32_0 = arith.constant 0 : i32
    return %arg0, %c0_i32 : i32, i32
  }
  func.func @transform_3(%arg0: i32) -> (i32, i32) {
    %c0_i32 = arith.constant 0 : i32
    %c0_i32_0 = arith.constant 0 : i32
    %c0_i32_1 = arith.constant 0 : i32
    return %c0_i32, %c0_i32_0 : i32, i32
  }
  func.func @transform_4(%arg0: i32) -> (i32, i32) {
    %c0_i32 = arith.constant 0 : i32
    %c0_i32_0 = arith.constant 0 : i32
    %c0_i32_1 = arith.constant 0 : i32
    return %c0_i32, %c0_i32_0 : i32, i32
  }
  func.func @transform_5(%arg0: i32) -> (i32, i32) {
    %c0_i32 = arith.constant 0 : i32
    %c0_i32_0 = arith.constant 0 : i32
    %c0_i32_1 = arith.constant 0 : i32
    return %c0_i32, %c0_i32_0 : i32, i32
  }
  func.func @transform_6(%arg0: i32) -> (i32, i32) {
    %c0_i32 = arith.constant 0 : i32
    %c0_i32_0 = arith.constant 0 : i32
    %c0_i32_1 = arith.constant 0 : i32
    return %c0_i32, %c0_i32_0 : i32, i32
  }
  func.func @transform_7(%arg0: i32) -> (i32, i32) {
    %c0_i32 = arith.constant 0 : i32
    %c0_i32_0 = arith.constant 0 : i32
    %c0_i32_1 = arith.constant 0 : i32
    return %c0_i32, %c0_i32_0 : i32, i32
  }
  func.func @transform_8(%arg0: i32) -> (i32, i32) {
    %c0_i32 = arith.constant 0 : i32
    %c0_i32_0 = arith.constant 0 : i32
    %c0_i32_1 = arith.constant 0 : i32
    return %c0_i32, %c0_i32_0 : i32, i32
  }
  func.func @transform_9(%arg0: i32) -> (i32, i32) {
    %c0_i32 = arith.constant 0 : i32
    %c0_i32_0 = arith.constant 0 : i32
    %c0_i32_1 = arith.constant 0 : i32
    return %c0_i32, %c0_i32_0 : i32, i32
  }
  func.func @transform_10(%arg0: i32) -> (i32, i32) {
    %c0_i32 = arith.constant 0 : i32
    %c0_i32_0 = arith.constant 0 : i32
    %c0_i32_1 = arith.constant 0 : i32
    return %c0_i32, %c0_i32_0 : i32, i32
  }
  func.func @transform_11(%arg0: i32) -> (i32, i32) {
    %c0_i32 = arith.constant 0 : i32
    %c0_i32_0 = arith.constant 0 : i32
    %c0_i32_1 = arith.constant 0 : i32
    return %c0_i32, %c0_i32_0 : i32, i32
  }
  func.func @transform_12(%arg0: i32) -> i32 {
    %c0_i32 = arith.constant 0 : i32
    return %arg0 : i32
  }
  func.func @transform_13(%arg0: i32) -> i32 {
    %c0_i32 = arith.constant 0 : i32
    return %arg0 : i32
  }
}

</mosaic_0001>

<sc_bundles>
// kernel: kernel.4.cloned.1.call-start
scs
__scs_entry_jumppad:
0x0: {  	(pc) =	sbr.rel $0x88, $3  }
0x1: {  	(tag) =	ssettag $0x0;
	lr =	simm.s32 $0x1  }
0x2: {  	[smem:$0x3F94] =	sst lr;
	_ =	strace $0xD0000000  }
0x3: {  	_ = 	snop  }
0x4: {  	_ = 	snop  }
0x5: {  	_ = 	snop  }
0x6: {  	_ = 	snop  }
0x7: {  	_ = 	snop  }
__scs_overlays_trampoline_lowered:
0x8: {  	[smem:$0x3FA3] =	sst s0  }
0x9: {  	[smem:$0x3FA4] =	sst s1  }
0xa: {  	[smem:$0x3FA5] =	sst s2  }
0xb: {  	[smem:$0x3FA6] =	sst s3  }
0xc: {  	[smem:$0x3FA7] =	sst s4  }
0xd: {  	[smem:$0x3FA8] =	sst s5  }
0xe: {  	[smem:$0x3FA9] =	sst s6  }
0xf: {  	[smem:$0x3FAA] =	sst s7  }
0x10: {  	[smem:$0x3FAB] =	sst s8  }
0x11: {  	[smem:$0x3FAC] =	sst s9;
	s0 =	simm.s32 @!p0 $0x0  }
0x12: {  	s1 =	sld [smem:$0x3F92];
	s0 =	simm.s32 @p0 $0x1  }
0x13: {  	[smem:$0x3FAD] =	sst s0;
	s0 =	simm.s32 @!p1 $0x0  }
0x14: {  	s2 =	sld [smem:$0x3F91];
	s0 =	simm.s32 @p1 $0x1  }
0x15: {  	[smem:$0x3FAE] =	sst s0;
	s0 =	simm.s32 @!p2 $0x0  }
0x16: {  	s3 =	sld [smem:$0x3FDB];
	s0 =	simm.s32 @p2 $0x1  }
0x17: {  	s4 =	simm.s32 $0x1BF5;
	[smem:$0x3FB0] =	sst s0  }
0x18: {  	s0 =	sld [smem:$0x3F93];
	_ =	swait.ge [sflag:s4], $0x0  }
0x19: {  	s7 =	sld [smem:$0x3F94]  }
0x1a: {  	s8 =	sadd.s32 $0xFFFFE003, lr  }
0x1b: {  	s9 =	sadd.s32 $0xFFFFFEF7, lr;
	s5 =	simm.s32 $0xFFFFFFFF;
	p2 =	slt.u32 s8, $0xFFFFF086  }
0x1c: {  	p1 =	slt.u32 s9, $0xF7A;
	s5 =	simm.s32 @!p2 $0x0  }
0x1d: {  	s5 =	simm.s32 @p1 $0x1;
	p0 =	seq.s32 s7, s2  }
0x1e: {  	s7 =	smul.u32 @!p0 $0xF7A, s2;
	p2 =	seq.s32 @!p0 s5, $0x0  }
0x1f: {  	s9 =	smul.u32 $0xF7A, s1;
	s8 =	simm.s32 @!p0 $0x1BF5;
	p2 =	por !p2, p0  }
0x20: {  	[sflag:s8] =	ssyncset.s32 @!p0 $0xFFFFF086;
	s6 =	sadd.s32 @!p0 s3, s7;
	s7 =	simm.s32 @!p0 $0x108  }
0x21: {  	s3 =	sadd.s32 s3, s9;
	s6 =	sadd.s32 @!p0 $0x88, s6;
	s7 =	simm.s32 @p2 $0x1082  }
0x22: {  	[simem:s7], [sflag:s8] =	dma.local @!p0 [hbm:s6], $0xF7A  }
0x23: {  	s9 =	sor.u32 $0xD0000000, s2;
	s6 =	simm.s32 $0x108;
	_ =	swait.ge @!p0 [sflag:s8], $0x0  }
0x24: {  	s3 =	sadd.s32 $0x88, s3;
	s6 =	simm.s32 @!p1 $0x1082;
	[sflag:s4] =	ssyncset.s32 $0xFFFFF086  }
0x25: {  	[simem:s6], [sflag:s4] =	dma.local [hbm:s3], $0xF7A  }
0x26: {  	[smem:$0x3F94] =	sst s1;
	(tag) =	ssettag s2;
	_ =	strace s9  }
0x27: {  	s1 =	sld [smem:$0x3FA4]  }
0x28: {  	s2 =	sld [smem:$0x3FA5]  }
0x29: {  	s4 =	sld [smem:$0x3FA7]  }
0x2a: {  	p0 =	seq.s32 s5, $0x0;
	s5 =	sld [smem:$0x3FA8]  }
0x2b: {  	s6 =	sld [smem:$0x3FA9]  }
0x2c: {  	s7 =	sld [smem:$0x3FAA]  }
0x2d: {  	s3 =	simm.s32 $0x108;
	s8 =	sld [smem:$0x3FAB]  }
0x2e: {  	s3 =	simm.s32 @!p0 $0x1082;
	s9 =	sld [smem:$0x3FAC]  }
0x2f: {  	lr =	sadd.s32 s0, s3;
	s0 =	sld [smem:$0x3FA3]  }
0x30: {  	s3 =	sld [smem:$0x3FA6]  }
0x31: {  	[smem:$0x3FAF] =	sst s10  }
0x32: {  	s10 =	sld [smem:$0x3FAD];
	_ =	sdelay $0x3  }
0x33: {  	p0 =	seq.s32 s10, $0x1;
	s10 =	sld [smem:$0x3FAF];
	_ =	sdelay $0x3  }
0x34: {  	[smem:$0x3FAF] =	sst s10  }
0x35: {  	s10 =	sld [smem:$0x3FAE];
	_ =	sdelay $0x3  }
0x36: {  	p1 =	seq.s32 s10, $0x1;
	s10 =	sld [smem:$0x3FAF];
	_ =	sdelay $0x3  }
0x37: {  	[smem:$0x3FAF] =	sst s10  }
0x38: {  	s10 =	sld [smem:$0x3FB0]  }
0x39: {  	_ = 	snop;
	(pc) =	sbr.ind lr, $3  }
0x3a: {  	_ = 	snop  }
0x3b: {  	_ = 	snop  }
0x3c: {  	p2 =	seq.s32 s10, $0x1;
	s10 =	sld [smem:$0x3FAF]  }
0x3d: {  	_ =	shalt  }
0x3e: {  	_ =	shalt  }
0x3f: {  	_ =	shalt  }
0x40: {  	_ =	shalt  }
0x41: {  	_ =	shalt  }
0x42: {  	_ =	shalt  }
0x43: {  	_ =	shalt  }
0x44: {  	_ =	shalt  }
0x45: {  	_ =	shalt  }
0x46: {  	_ =	shalt  }
0x47: {  	_ =	shalt  }
0x48: {  	_ =	shalt  }
0x49: {  	_ =	shalt  }
0x4a: {  	_ =	shalt  }
0x4b: {  	_ =	shalt  }
0x4c: {  	_ =	shalt  }
0x4d: {  	_ =	shalt  }
0x4e: {  	_ =	shalt  }
0x4f: {  	_ =	shalt  }
0x50: {  	_ =	shalt  }
0x51: {  	_ =	shalt  }
0x52: {  	_ =	shalt  }
0x53: {  	_ =	shalt  }
0x54: {  	_ =	shalt  }
0x55: {  	_ =	shalt  }
0x56: {  	_ =	shalt  }
0x57: {  	_ =	shalt  }
0x58: {  	_ =	shalt  }
0x59: {  	_ =	shalt  }
0x5a: {  	_ =	shalt  }
0x5b: {  	_ =	shalt  }
0x5c: {  	_ =	shalt  }
0x5d: {  	_ =	shalt  }
0x5e: {  	_ =	shalt  }
0x5f: {  	_ =	shalt  }
0x60: {  	_ =	shalt  }
0x61: {  	_ =	shalt  }
0x62: {  	_ =	shalt  }
0x63: {  	_ =	shalt  }
0x64: {  	_ =	shalt  }
0x65: {  	_ =	shalt  }
0x66: {  	_ =	shalt  }
0x67: {  	_ =	shalt  }
0x68: {  	_ =	shalt  }
0x69: {  	_ =	shalt  }
0x6a: {  	_ =	shalt  }
0x6b: {  	_ =	shalt  }
0x6c: {  	_ =	shalt  }
0x6d: {  	_ =	shalt  }
0x6e: {  	_ =	shalt  }
0x6f: {  	_ =	shalt  }
0x70: {  	_ =	shalt  }
0x71: {  	_ =	shalt  }
0x72: {  	_ =	shalt  }
0x73: {  	_ =	shalt  }
0x74: {  	_ =	shalt  }
0x75: {  	_ =	shalt  }
0x76: {  	_ =	shalt  }
0x77: {  	_ =	shalt  }
0x78: {  	_ =	shalt  }
0x79: {  	_ =	shalt  }
0x7a: {  	_ =	shalt  }
0x7b: {  	_ =	shalt  }
0x7c: {  	_ =	shalt  }
0x7d: {  	_ =	shalt  }
0x7e: {  	_ =	shalt  }
0x7f: {  	_ =	shalt  }
0x80: {  	_ =	shalt  }
0x81: {  	_ =	shalt  }
0x82: {  	_ =	shalt  }
0x83: {  	_ =	shalt  }
0x84: {  	_ =	shalt  }
0x85: {  	_ =	shalt  }
0x86: {  	_ =	shalt  }
0x87: {  	_ =	shalt  }
.Lfunc_end0:
.L_simem_size_0:
called_computation_lowered:
.L_overlay_start_0:
0x88: {  	s2 =	sld [smem:$0x3FD9]  }
0x89: {  	s3 =	sld [smem:$0x3FFE];
	_ =	sdelay $0x1  }
0x8a: {  	s1 =	srdreg.scid  }
0x8b: {  	s0 =	sand.u32 $0x1, s1  }
0x8c: {  	s17 =	sshll.u32 s0, $0xA;
	s2 =	sadd.s32 s3, s2  }
0x8d: {  	s2 =	sadd.s32 s2, s17  }
0x8e: {  	[smem:$0x3FBB] =	sst s2  }
0x8f: {  	_ = 	snop  }
0x90: {  	s2 =	sld [smem:$0x3FC9]  }
0x91: {  	s18 =	sld [smem:$0x3FC8]  }
0x92: {  	s4 =	sld [smem:$0x3FC7];
	(tm) =	ssettm $0x1  }
0x93: {  	s5 =	sld [smem:$0x3FFB];
	_ =	sdelay $0x3  }
0x94: {  	_ =	strace s5  }
0x95: {  	s5 =	sld [smem:$0x3FFC];
	_ =	sdelay $0x3  }
0x96: {  	_ =	strace s5  }
0x97: {  	s5 =	sld [smem:$0x3FFD];
	_ =	sdelay $0x3  }
0x98: {  	_ =	strace s5  }
0x99: {  	_ =	strace $0x8FFFFFFF  }
0x9a: {  	s19 =	sld [smem:$0x3FDB];
	_ =	sdelay $0x1  }
0x9b: {  	s6 =	simm.s32 $_scs_section_size  }
0x9c: {  	s7 =	simm.s32 $_size__tile_overlayer_lowered;
	s8 =	simm.s32 $_tile_overlayer_lowered  }
0x9d: {  	s22 =	simm.s32 $0x1BFF;
	s21 =	sshll.u32 s8, $0x1;
	s5 =	sadd.s32 s6, s19  }
0x9e: {  	s9 =	simm.s32 $0x0;
	s20 =	sshll.u32 s7, $0x1;
	s7 =	sadd.s32 s21, s5  }
0x9f: {  	[timem:s9], [sflag:s22] =	dma.local [hbm:s7], s20  }
0xa0: {  	_ =	swait.ge [sflag:s22], s20  }
0xa1: {  	s6 =	ssub.s32 $0x0, s20;
	[sflag:s22] =	ssyncset.done $0x0  }
0xa2: {  	[sflag:s22] =	ssyncadd.s32 s6;
	_ =	sdelay $0x1  }
0xa3: {  	s23 =	simm.s32 $0x1B8B  }
0xa4: {  	_ =	swait.ge [sflag:s23], $0x1  }
0xa5: {  	[sflag:s23] =	ssyncset.done $0x0  }
0xa6: {  	s25 =	simm.s32 $0x1B8E;
	s24 =	sld [smem:$0x3FFE];
	[sflag:s23] =	ssyncadd.s32 $0xFFFFFFFF  }
0xa7: {  	s26 =	simm.s32 $execute0_lowered;
	[smem:$0x3FD2] =	sst s25  }
0xa8: {  	s7 =	sshll.u32 s26, $0x1;
	_ =	strace $0x80000046;
	[dreg:$0x1] =	wrdreg $0xFFFFFFFF  }
0xa9: {  	s28 =	simm.s32 $_size_execute0_lowered;
	s5 =	sadd.s32 s5, s7;
	[dreg:$0x0] =	wrdreg $0x0  }
0xaa: {  	s7 =	sshll.u32 s28, $0x1;
	[dreg:$0x2] =	wrdreg s5  }
0xab: {  	[dreg:$0x3] =	wrdreg s7  }
0xac: {  	[dreg:$0x4] =	wrdreg $0xC0  }
0xad: {  	_ =	task [dreg:s9], $0x5FFFF  }
0xae: {  	[dreg:$0x1] =	wrdreg $0xFFFFFFFF  }
0xaf: {  	[dreg:$0x0] =	wrdreg $0x60  }
0xb0: {  	[dreg:$0x2] =	wrdreg s24  }
0xb1: {  	[dreg:$0x3] =	wrdreg s2  }
0xb2: {  	[dreg:$0x4] =	wrdreg s18  }
0xb3: {  	[dreg:$0x5] =	wrdreg s4  }
0xb4: {  	[dreg:$0x6] =	wrdreg $0x9  }
0xb5: {  	_ =	task.clear_ibuf [dreg:s9], $0x7FFFF;
	_ =	strace $0x90000046  }
0xb6: {  	s29 =	simm.s32 $0x9;
	_ =	strace $0x80000048  }
0xb7: {  	_ =	swait.ge [sflag:s29], $0x1  }
0xb8: {  	[sflag:s29] =	ssyncadd.s32 $0xFFFFFFFF  }
0xb9: {  	_ =	strace $0x90000048  }
0xba: {  	_ =	sfence  }
0xbb: {  	s30 =	sld [smem:$0x0];
	_ =	sdelay $0x2  }
0xbc: {  	s31 =	sshll.u32 s1, $0xD;
	s1 =	sshrl.u32 s1, $0x2  }
0xbd: {  	s3 =	sand.u32 $0x4000, s31;
	s1 =	sadd.s32 s1, s30  }
0xbe: {  	s0 =	sor.u32 s3, s0;
	s1 =	sshll.u32 s1, $0x11  }
0xbf: {  	s0 =	sor.u32 s1, s0  }
0xc0: {  	s0 =	sadd.s32 $0x8F2B, s0  }
0xc1: {  	[sflag:s0] =	ssyncadd.remote.s32 $0x1  }
0xc2: {  	_ =	sfence.sel $0xFFFF  }
0xc3: {  	[dreg:$0x0] =	wrdreg $0xFFFFFFFF;
	(pc) =	sbr.abs _section_cstart, $3  }
0xc4: {  	[dreg:$0x1] =	wrdreg $0xFFFFFFFF  }
0xc5: {  	_ =	task.clear_ibuf [dreg:s9], $0x2FFFF;
	_ =	strace $0x9FFFFFFF  }
0xc6: {  	(tm) =	ssettm $0x7FFFFFFF  }
0xc7: {  	_ =	shalt  }
tec
execute0_lowered:
.L_overlay_start_1:
0x0: {  	(tag) =	ssettag $0x1  }
0x1: {  	s0 =	rddreg [dreg:$0x0]  }
0x2: {  	s2 =	rddreg [dreg:$0x1]  }
0x3: {  	s5 =	rddreg [dreg:$0x2]  }
0x4: {  	s6 =	rddreg [dreg:$0x3];
	s7 =	srdreg.scid  }
0x5: {  	s1 =	simm.s32 $0x0;
	s10 =	stileid.u32;
	s7 =	sand.u32 $0x1, s7  }
0x6: {  	s10 =	sshll.u32 s10, $0xA;
	s9 =	ssub.s32 $0x2, s7;
	s7 =	sshll.u32 s7, $0x9  }
0x7: {  	[smem:$0x7FF] =	sst s1;
	s7 =	sor.u32 s7, s10  }
0x8: {  	s3 =	sadd.s32 $0x1C00, s0;
	s4 =	sadd.s32 $0xF44000, s0;
	s10 =	sshrl.u32 s7, $0x3  }
0x9: {  	s8 =	sadd.s32 $0x1E86400, s0;
	s11 =	sadd.s32 $0x1EC6400, s0;
	s2 =	sadd.s32 s2, s10  }
0xa: {  	_ =	strace $0x80000047;
	s22 =	sadd.s32 s5, s10;
	[smem:$0x7F4] =	sst s2  }
0xb: {  	s23 =	sshll.u32 s7, $0x4;
	s24 =	sadd.s32 s6, s10;
	[smem:$0x7F5] =	sst s22  }
0xc: {  	s12 =	sshrl.u32 s9, $0x1;
	s25 =	sadd.s32 s8, s23;
	[smem:$0x7F6] =	sst s24  }
0xd: {  	s9 =	ssub.s32 s9, s12;
	s28 =	sadd.s32 s11, s23;
	[smem:$0x7F7] =	sst s25  }
0xe: {  	s0 =	sadd.s32 $0x1F06400, s0;
	s31 =	smax.u32 s9, $0x1;
	[smem:$0x7F8] =	sst s28  }
0xf: {  	s26 =	sor.u32 $0x1000, s23;
	s2 =	sadd.s32 s0, s23;
	[smem:$0x7FD] =	sst s31  }
0x10: {  	s29 =	sadd.s32 s8, s26;
	[smem:$0x7F9] =	sst s2  }
0x11: {  	s30 =	sadd.s32 s11, s26;
	[smem:$0x7FA] =	sst s29  }
0x12: {  	s0 =	sadd.s32 s0, s26;
	[smem:$0x7FB] =	sst s30  }
0x13: {  	s6 =	simm.s32 $0x2;
	[smem:$0x7FC] =	sst s0;
	s2 =	simm.s32 $0x0  }
.LBB2_1:
0x14: {  	s0 =	sld [smem:$0x7F4];
	_ =	sdelay $0x1  }
0x15: {  	[smem:$0x7F3] =	sst s2  }
0x16: {  	[tilespmem:s1], [sflag:$0x2] =	stream.linear.gather [hbm4b:s0+s1], $0x200, $0x38;
	[tilespmem:$0x18600] =	vst v63  }
0x17: {  	_ =	swait.ge [sflag:s6], $0x200  }
0x18: {  	s21 =	sld [smem:$0x7F5]  }
0x19: {  	[sflag:s6] =	ssyncset.done $0x0  }
0x1a: {  	s20 =	simm.s32 $0x200;
	[sflag:s6] =	ssyncadd.s32 $0xFFFFFE00  }
0x1b: {  	[tilespmem:s20], [sflag:$0x2] =	stream.linear.gather [hbm4b:s21+s1], $0x200, $0x38;
	[tilespmem:$0x18600] =	vst v63  }
0x1c: {  	_ =	swait.ge [sflag:s6], $0x200  }
0x1d: {  	s5 =	sld [smem:$0x7F6]  }
0x1e: {  	[sflag:s6] =	ssyncset.done $0x0  }
0x1f: {  	s22 =	simm.s32 $0x400;
	[sflag:s6] =	ssyncadd.s32 $0xFFFFFE00  }
0x20: {  	[tilespmem:s22], [sflag:$0x2] =	stream.linear.gather [hbm4b:s5+s1], $0x200, $0x38;
	[tilespmem:$0x18600] =	vst v63  }
0x21: {  	_ =	swait.ge [sflag:s6], $0x200  }
0x22: {  	[sflag:s6] =	ssyncset.done $0x0  }
0x23: {  	[sflag:s6] =	ssyncadd.s32 $0xFFFFFE00  }
0x24: {  	v0 =	vld [tilespmem:s1+$0x0]  }
0x25: {  	v1 =	vld [tilespmem:s20+$0x0]  }
0x26: {  	v3 =	vld [tilespmem:s22+$0x0];
	_ =	sdelay $0x2  }
0x27: {  	v2 =	vshll.u32 v0, $0x4  }
0x28: {  	v1 =	vshll.u32 v1, $0x4;
	(v2sf) =	vpush v2, $0x0  }
0x29: {  	v63 =	vshll.u32 v3, $0x4;
	(v2sf) =	vpush v1, $0x0  }
0x2a: {  	(v2sf) =	vpush v63, $0x0;
	_ =	sdelay $0x1  }
0x2b: {  	(v2sf) =	vpush v2, $0x1;
	_ =	sdelay $0x2  }
0x2c: {  	(v2sf) =	vpush v1, $0x1;
	_ =	sdelay $0x1  }
0x2d: {  	(v2sf) =	vpush v63, $0x1  }
0x2e: {  	s16 =	simm.s32 $0x2000  }
0x2f: {  	s14 =	simm.s32 $0x210;
	s15 =	simm.s32 $0x410;
	s23 =	simm.s32 $0x10600;
	(v2sf) =	vpush v2, $0x2  }
0x30: {  	s7 =	simm.s32 $0x8780;
	s24 =	simm.s32 $0x600;
	s8 =	simm.s32 $0x8600  }
0x31: {  	s2 =	simm.s32 $0xA00;
	s10 =	simm.s32 $0x10680;
	s11 =	simm.s32 $0x780  }
0x32: {  	s29 =	simm.s32 $0x680;
	s31 =	simm.s32 $0x8680;
	s0 =	simm.s32 $0xA80  }
0x33: {  	s21 =	simm.s32 $0x0;
	s5 =	simm.s32 $0x980;
	s9 =	spop (v2sf);
	(v2sf) =	vpush v1, $0x2  }
0x34: {  	s6 =	simm.s32 $0x10A80;
	s9 =	sand.u32 $0x1FFFFFF0, s9;
	s12 =	spop (v2sf)  }
0x35: {  	s20 =	simm.s32 $0x700;
	(v2sf) =	vpush v63, $0x2;
	s9 =	sadd.s32 s3, s9;
	s26 =	spop (v2sf)  }
0x36: {  	(v2sf) =	vpush v2, $0x3;
	[tilespmem:s24], [sflag:$0x1] =	stream.linear.gather [hbm4b:s9+s1], $0x80, $0x38;
	[tilespmem:$0x18600] =	vst v63  }
0x37: {  	s25 =	sand.u32 $0x1FFFFFF0, s12;
	s12 =	sand.u32 $0x1FFFFFF0, s26;
	s13 =	spop (v2sf)  }
0x38: {  	s9 =	sadd.s32 s4, s25;
	s26 =	simm.s32 $0x10700;
	s28 =	sand.u32 $0x1FFFFFF0, s13  }
0x39: {  	(v2sf) =	vpush v1, $0x3;
	[tilespmem:s8], [sflag:$0x1] =	stream.linear.gather [hbm4b:s9+s1], $0x80, $0x38;
	[tilespmem:$0x18600] =	vst v63  }
0x3a: {  	s12 =	sadd.s32 s4, s12;
	s30 =	spop (v2sf);
	s8 =	simm.s32 $0x10780  }
0x3b: {  	(v2sf) =	vpush v63, $0x3;
	[tilespmem:s23], [sflag:$0x1] =	stream.linear.gather [hbm4b:s12+s1], $0x80, $0x38;
	[tilespmem:$0x18600] =	vst v63  }
0x3c: {  	s9 =	sadd.s32 s3, s28;
	s13 =	spop (v2sf);
	s12 =	sand.u32 $0x1FFFFFF0, s30  }
0x3d: {  	(v2sf) =	vpush v2, $0x4;
	[tilespmem:s29], [sflag:$0x1] =	stream.linear.gather [hbm4b:s9+s1], $0x80, $0x38;
	[tilespmem:$0x18600] =	vst v63  }
0x3e: {  	s17 =	spop (v2sf);
	s9 =	sadd.s32 s4, s12;
	s12 =	sand.u32 $0x1FFFFFF0, s13  }
0x3f: {  	(v2sf) =	vpush v1, $0x4;
	[tilespmem:s31], [sflag:$0x1] =	stream.linear.gather [hbm4b:s9+s1], $0x80, $0x38;
	[tilespmem:$0x18600] =	vst v63  }
0x40: {  	s19 =	sand.u32 $0x1FFFFFF0, s17;
	s23 =	simm.s32 $0x8700;
	s18 =	sadd.s32 s4, s12  }
0x41: {  	[tilespmem:s10], [sflag:$0x1] =	stream.linear.gather [hbm4b:s18+s1], $0x80, $0x38;
	[tilespmem:$0x18600] =	vst v63  }
0x42: {  	s12 =	sadd.s32 s3, s19;
	s9 =	simm.s32 $0x8880;
	s22 =	spop (v2sf)  }
0x43: {  	(v2sf) =	vpush v63, $0x4;
	[tilespmem:s20], [sflag:$0x1] =	stream.linear.gather [hbm4b:s12+s1], $0x80, $0x38;
	[tilespmem:$0x18600] =	vst v63  }
0x44: {  	s31 =	simm.s32 $0x8800;
	s10 =	sand.u32 $0x1FFFFFF0, s22;
	s24 =	spop (v2sf)  }
0x45: {  	s18 =	simm.s32 $0x10800;
	(v2sf) =	vpush v2, $0x5;
	s10 =	sadd.s32 s4, s10;
	s25 =	spop (v2sf)  }
0x46: {  	(v2sf) =	vpush v1, $0x5;
	[tilespmem:s23], [sflag:$0x1] =	stream.linear.gather [hbm4b:s10+s1], $0x80, $0x38;
	[tilespmem:$0x18600] =	vst v63  }
0x47: {  	s22 =	simm.s32 $0x800;
	s12 =	sand.u32 $0x1FFFFFF0, s24;
	s29 =	sand.u32 $0x1FFFFFF0, s25  }
0x48: {  	s28 =	sadd.s32 s4, s12;
	s30 =	spop (v2sf);
	(v2sf) =	vpush v63, $0x5;
	s12 =	sadd.s32 s3, s29  }
0x49: {  	(v2sf) =	vpush v2, $0x6;
	[tilespmem:s26], [sflag:$0x1] =	stream.linear.gather [hbm4b:s28+s1], $0x80, $0x38;
	[tilespmem:$0x18600] =	vst v63  }
0x4a: {  	s10 =	sand.u32 $0x1FFFFFF0, s30;
	s13 =	spop (v2sf);
	s30 =	simm.s32 $0x880  }
0x4b: {  	[tilespmem:s11], [sflag:$0x1] =	stream.linear.gather [hbm4b:s12+s1], $0x80, $0x38;
	[tilespmem:$0x18600] =	vst v63  }
0x4c: {  	s10 =	sadd.s32 s4, s10;
	s17 =	spop (v2sf);
	s12 =	sand.u32 $0x1FFFFFF0, s13  }
0x4d: {  	(v2sf) =	vpush v1, $0x6;
	[tilespmem:s7], [sflag:$0x1] =	stream.linear.gather [hbm4b:s10+s1], $0x80, $0x38;
	[tilespmem:$0x18600] =	vst v63  }
0x4e: {  	s20 =	sand.u32 $0x1FFFFFF0, s17;
	s23 =	spop (v2sf);
	s19 =	sadd.s32 s4, s12  }
0x4f: {  	(v2sf) =	vpush v63, $0x6;
	[tilespmem:s8], [sflag:$0x1] =	stream.linear.gather [hbm4b:s19+s1], $0x80, $0x38;
	[tilespmem:$0x18600] =	vst v63  }
0x50: {  	s26 =	simm.s32 $0x8900;
	s12 =	sadd.s32 s3, s20;
	s8 =	sand.u32 $0x1FFFFFF0, s23  }
0x51: {  	[tilespmem:s22], [sflag:$0x1] =	stream.linear.gather [hbm4b:s12+s1], $0x80, $0x38;
	[tilespmem:$0x18600] =	vst v63  }
0x52: {  	s7 =	simm.s32 $0xB00;
	s8 =	sadd.s32 s4, s8;
	s24 =	spop (v2sf)  }
0x53: {  	(v2sf) =	vpush v2, $0x7;
	[tilespmem:s31], [sflag:$0x1] =	stream.linear.gather [hbm4b:s8+s1], $0x80, $0x38;
	[tilespmem:$0x18600] =	vst v63  }
0x54: {  	s22 =	simm.s32 $0x900;
	s12 =	sand.u32 $0x1FFFFFF0, s24;
	s25 =	spop (v2sf)  }
0x55: {  	(v2sf) =	vpush v1, $0x7;
	s28 =	sadd.s32 s4, s12;
	s29 =	sand.u32 $0x1FFFFFF0, s25;
	s31 =	spop (v2sf)  }
0x56: {  	(v2sf) =	vpush v63, $0x7;
	[tilespmem:s18], [sflag:$0x1] =	stream.linear.gather [hbm4b:s28+s1], $0x80, $0x38;
	[tilespmem:$0x18600] =	vst v63  }
0x57: {  	s8 =	simm.s32 $0x8B00;
	s12 =	sadd.s32 s3, s29;
	s13 =	spop (v2sf)  }
0x58: {  	s10 =	sand.u32 $0x1FFFFFF0, s31;
	s18 =	simm.s32 $0x10880;
	s17 =	spop (v2sf)  }
0x59: {  	(v2sf) =	vpush v2, $0x8;
	[tilespmem:s30], [sflag:$0x1] =	stream.linear.gather [hbm4b:s12+s1], $0x80, $0x38;
	[tilespmem:$0x18600] =	vst v63  }
0x5a: {  	s10 =	sadd.s32 s4, s10;
	s12 =	sand.u32 $0x1FFFFFF0, s13;
	s20 =	sand.u32 $0x1FFFFFF0, s17  }
0x5b: {  	(v2sf) =	vpush v1, $0x8;
	[tilespmem:s9], [sflag:$0x1] =	stream.linear.gather [hbm4b:s10+s1], $0x80, $0x38;
	[tilespmem:$0x18600] =	vst v63  }
0x5c: {  	s23 =	spop (v2sf);
	(v2sf) =	vpush v63, $0x8;
	s30 =	simm.s32 $0x8A00;
	s19 =	sadd.s32 s4, s12  }
0x5d: {  	[tilespmem:s18], [sflag:$0x1] =	stream.linear.gather [hbm4b:s19+s1], $0x80, $0x38;
	[tilespmem:$0x18600] =	vst v63  }
0x5e: {  	s12 =	sadd.s32 s3, s20;
	s24 =	spop (v2sf);
	s10 =	sand.u32 $0x1FFFFFF0, s23  }
0x5f: {  	[tilespmem:s22], [sflag:$0x1] =	stream.linear.gather [hbm4b:s12+s1], $0x80, $0x38;
	[tilespmem:$0x18600] =	vst v63  }
0x60: {  	s13 =	simm.s32 $0x8980;
	(v2sf) =	vpush v2, $0x9;
	s10 =	sadd.s32 s4, s10;
	s12 =	sand.u32 $0x1FFFFFF0, s24  }
0x61: {  	[tilespmem:s26], [sflag:$0x1] =	stream.linear.gather [hbm4b:s10+s1], $0x80, $0x38;
	[tilespmem:$0x18600] =	vst v63  }
0x62: {  	s25 =	spop (v2sf);
	(v2sf) =	vpush v1, $0x9;
	s28 =	sadd.s32 s4, s12;
	s26 =	simm.s32 $0x10900  }
0x63: {  	[tilespmem:s26], [sflag:$0x1] =	stream.linear.gather [hbm4b:s28+s1], $0x80, $0x38;
	[tilespmem:$0x18600] =	vst v63  }
0x64: {  	s9 =	simm.s32 $0x8A80;
	s29 =	sand.u32 $0x1FFFFFF0, s25;
	s31 =	spop (v2sf)  }
0x65: {  	s23 =	simm.s32 $0x10A00;
	s12 =	sadd.s32 s3, s29;
	s17 =	spop (v2sf)  }
0x66: {  	(v2sf) =	vpush v63, $0x9;
	[tilespmem:s5], [sflag:$0x1] =	stream.linear.gather [hbm4b:s12+s1], $0x80, $0x38;
	[tilespmem:$0x18600] =	vst v63  }
0x67: {  	s19 =	simm.s32 $0x10980;
	s11 =	sand.u32 $0x1FFFFFF0, s31;
	s12 =	sand.u32 $0x1FFFFFF0, s17  }
0x68: {  	s11 =	sadd.s32 s4, s11;
	s18 =	spop (v2sf);
	s20 =	sadd.s32 s4, s12  }
0x69: {  	(v2sf) =	vpush v2, $0xA;
	[tilespmem:s13], [sflag:$0x1] =	stream.linear.gather [hbm4b:s11+s1], $0x80, $0x38;
	[tilespmem:$0x18600] =	vst v63  }
0x6a: {  	(v2sf) =	vpush v1, $0xA;
	s22 =	sand.u32 $0x1FFFFFF0, s18;
	s18 =	simm.s32 $0xC80;
	s24 =	spop (v2sf)  }
0x6b: {  	s12 =	sadd.s32 s3, s22;
	s13 =	simm.s32 $0x8D80;
	s26 =	spop (v2sf)  }
0x6c: {  	(v2sf) =	vpush v63, $0xA;
	[tilespmem:s19], [sflag:$0x1] =	stream.linear.gather [hbm4b:s20+s1], $0x80, $0x38;
	[tilespmem:$0x18600] =	vst v63  }
0x6d: {  	s22 =	simm.s32 $0x10D00;
	s25 =	sand.u32 $0x1FFFFFF0, s24;
	s11 =	sand.u32 $0x1FFFFFF0, s26  }
0x6e: {  	(v2sf) =	vpush v2, $0xB;
	[tilespmem:s2], [sflag:$0x1] =	stream.linear.gather [hbm4b:s12+s1], $0x80, $0x38;
	[tilespmem:$0x18600] =	vst v63  }
0x6f: {  	(v2sf) =	vpush v1, $0xB;
	s28 =	spop (v2sf);
	s20 =	simm.s32 $0x10B80;
	s2 =	sadd.s32 s4, s25  }
0x70: {  	[tilespmem:s30], [sflag:$0x1] =	stream.linear.gather [hbm4b:s2+s1], $0x80, $0x38;
	[tilespmem:$0x18600] =	vst v63  }
0x71: {  	(v2sf) =	vpush v63, $0xB;
	s29 =	sadd.s32 s4, s11;
	s31 =	spop (v2sf);
	s30 =	sand.u32 $0x1FFFFFF0, s28  }
0x72: {  	[tilespmem:s23], [sflag:$0x1] =	stream.linear.gather [hbm4b:s29+s1], $0x80, $0x38;
	[tilespmem:$0x18600] =	vst v63  }
0x73: {  	(v2sf) =	vpush v2, $0xC;
	s25 =	simm.s32 $0x10;
	s2 =	sand.u32 $0x1FFFFFF0, s31;
	s10 =	sadd.s32 s3, s30  }
0x74: {  	[tilespmem:s0], [sflag:$0x1] =	stream.linear.gather [hbm4b:s10+s1], $0x80, $0x38;
	[tilespmem:$0x18600] =	vst v63  }
0x75: {  	s28 =	simm.s32 $0x10B00;
	s2 =	sadd.s32 s4, s2;
	s11 =	spop (v2sf)  }
0x76: {  	s30 =	simm.s32 $0xB80;
	s0 =	simm.s32 $0x8C00;
	s5 =	sand.u32 $0x1FFFFFF0, s11  }
0x77: {  	(v2sf) =	vpush v1, $0xC;
	[tilespmem:s9], [sflag:$0x1] =	stream.linear.gather [hbm4b:s2+s1], $0x80, $0x38;
	[tilespmem:$0x18600] =	vst v63  }
0x78: {  	s12 =	spop (v2sf);
	s9 =	simm.s32 $0x8B80;
	s2 =	simm.s32 $0x10C80  }
0x79: {  	(v2sf) =	vpush v63, $0xC;
	s17 =	sadd.s32 s4, s5;
	s19 =	sand.u32 $0x1FFFFFF0, s12;
	s23 =	spop (v2sf)  }
0x7a: {  	[tilespmem:s6], [sflag:$0x1] =	stream.linear.gather [hbm4b:s17+s1], $0x80, $0x38;
	[tilespmem:$0x18600] =	vst v63  }
0x7b: {  	s5 =	sadd.s32 s3, s19;
	s6 =	sand.u32 $0x1FFFFFF0, s23;
	s24 =	spop (v2sf)  }
0x7c: {  	(v2sf) =	vpush v2, $0xD;
	[tilespmem:s7], [sflag:$0x1] =	stream.linear.gather [hbm4b:s5+s1], $0x80, $0x38;
	[tilespmem:$0x18600] =	vst v63  }
0x7d: {  	s6 =	sadd.s32 s4, s6;
	s26 =	spop (v2sf);
	s5 =	simm.s32 $0xC00  }
0x7e: {  	(v2sf) =	vpush v1, $0xD;
	s7 =	sand.u32 $0x1FFFFFF0, s24;
	s29 =	sand.u32 $0x1FFFFFF0, s26;
	s31 =	spop (v2sf)  }
0x7f: {  	[tilespmem:s8], [sflag:$0x1] =	stream.linear.gather [hbm4b:s6+s1], $0x80, $0x38;
	[tilespmem:$0x18600] =	vst v63  }
0x80: {  	s7 =	sadd.s32 s4, s7;
	s10 =	spop (v2sf);
	s8 =	sadd.s32 s3, s29  }
0x81: {  	[tilespmem:s28], [sflag:$0x1] =	stream.linear.gather [hbm4b:s7+s1], $0x80, $0x38;
	[tilespmem:$0x18600] =	vst v63  }
0x82: {  	s11 =	spop (v2sf);
	s29 =	simm.s32 $0x10C00;
	s7 =	sand.u32 $0x1FFFFFF0, s31  }
0x83: {  	[tilespmem:s30], [sflag:$0x1] =	stream.linear.gather [hbm4b:s8+s1], $0x80, $0x38;
	[tilespmem:$0x18600] =	vst v63  }
0x84: {  	s17 =	sand.u32 $0x1FFFFFF0, s11;
	s7 =	sadd.s32 s4, s7;
	s8 =	sand.u32 $0x1FFFFFF0, s10  }
0x85: {  	[tilespmem:s9], [sflag:$0x1] =	stream.linear.gather [hbm4b:s7+s1], $0x80, $0x38;
	[tilespmem:$0x18600] =	vst v63  }
0x86: {  	s12 =	sadd.s32 s4, s8;
	s9 =	simm.s32 $0xD80;
	s19 =	spop (v2sf)  }
0x87: {  	[tilespmem:s20], [sflag:$0x1] =	stream.linear.gather [hbm4b:s12+s1], $0x80, $0x38;
	[tilespmem:$0x18600] =	vst v63  }
0x88: {  	(v2sf) =	vpush v63, $0xD;
	s20 =	sadd.s32 s3, s17;
	s12 =	simm.s32 $0x8D00;
	s24 =	spop (v2sf)  }
0x89: {  	(v2sf) =	vpush v2, $0xE;
	[tilespmem:s5], [sflag:$0x1] =	stream.linear.gather [hbm4b:s20+s1], $0x80, $0x38;
	[tilespmem:$0x18600] =	vst v63  }
0x8a: {  	s17 =	simm.s32 $0x8C80;
	s23 =	sand.u32 $0x1FFFFFF0, s19;
	(v2sf) =	vpush v1, $0xE;
	s28 =	sand.u32 $0x1FFFFFF0, s24  }
0x8b: {  	s26 =	sadd.s32 s4, s23;
	(v2sf) =	vpush v63, $0xE;
	s30 =	sadd.s32 s4, s28;
	s31 =	spop (v2sf)  }
0x8c: {  	(v2sf) =	vpush v2, $0xF;
	[tilespmem:s0], [sflag:$0x1] =	stream.linear.gather [hbm4b:s26+s1], $0x80, $0x38;
	[tilespmem:$0x18600] =	vst v63  }
0x8d: {  	s0 =	simm.s32 $0xD00;
	(v2sf) =	vpush v1, $0xF;
	s5 =	sand.u32 $0x1FFFFFF0, s31;
	s6 =	spop (v2sf)  }
0x8e: {  	(v2sf) =	vpush v63, $0xF;
	[tilespmem:s29], [sflag:$0x1] =	stream.linear.gather [hbm4b:s30+s1], $0x80, $0x38;
	[tilespmem:$0x18600] =	vst v63  }
.LBB2_2:
0x8f: {  	_ =	sdelay $0x3  }
0x90: {  	s5 =	sadd.s32 s3, s5;
	s6 =	sand.u32 $0x1FFFFFF0, s6  }
0x91: {  	[tilespmem:s18], [sflag:$0x1] =	stream.linear.gather [hbm4b:s5+s1], $0x80, $0x38;
	[tilespmem:$0x18600] =	vst v63  }
0x92: {  	s10 =	sadd.s32 s4, s6  }
0x93: {  	[tilespmem:s17], [sflag:$0x1] =	stream.linear.gather [hbm4b:s10+s1], $0x80, $0x38;
	[tilespmem:$0x18600] =	vst v63  }
0x94: {  	s8 =	smov.u32 s16;
	s7 =	spop (v2sf)  }
0x95: {  	s17 =	sadd.s32 $0x10D80, s21;
	s11 =	sand.u32 $0x1FFFFFF0, s7;
	s18 =	spop (v2sf)  }
0x96: {  	s21 =	sshra.s32 s8, $0x2;
	s19 =	sadd.s32 s4, s11;
	s20 =	sand.u32 $0x1FFFFFF0, s18  }
0x97: {  	[tilespmem:s2], [sflag:$0x1] =	stream.linear.gather [hbm4b:s19+s1], $0x80, $0x38;
	[tilespmem:$0x18600] =	vst v63  }
0x98: {  	s23 =	spop (v2sf);
	s18 =	sadd.s32 $0x2000, s16;
	s24 =	sadd.s32 s3, s20  }
0x99: {  	s26 =	sand.u32 $0x1FFFFFF0, s23;
	s28 =	spop (v2sf);
	s20 =	sadd.s32 $0x10, s15  }
0x9a: {  	s23 =	sadd.s32 $0xA00, s21;
	s8 =	smov.u32 s18;
	s18 =	sadd.s32 $0x880, s21  }
0x9b: {  	s29 =	sadd.s32 s4, s26;
	s30 =	sand.u32 $0x1FFFFFF0, s28;
	[smem:$0x7E7] =	sst s20  }
0x9c: {  	[tilespmem:s0], [sflag:$0x1] =	stream.linear.gather [hbm4b:s24+s1], $0x80, $0x38;
	[tilespmem:$0x18600] =	vst v63  }
0x9d: {  	s31 =	spop (v2sf);
	[dreg:$0x19] =	wrdreg s23;
	s26 =	sadd.s32 $0x8880, s21  }
0x9e: {  	[tilespmem:s12], [sflag:$0x1] =	stream.linear.gather [hbm4b:s29+s1], $0x80, $0x38;
	[tilespmem:$0x18600] =	vst v63  }
0x9f: {  	s2 =	sadd.s32 s4, s30;
	s5 =	sand.u32 $0x1FFFFFF0, s31;
	s6 =	spop (v2sf)  }
0xa0: {  	[tilespmem:s22], [sflag:$0x1] =	stream.linear.gather [hbm4b:s2+s1], $0x80, $0x38;
	[tilespmem:$0x18600] =	vst v63  }
0xa1: {  	s7 =	sadd.s32 s3, s5;
	s10 =	sand.u32 $0x1FFFFFF0, s6;
	s11 =	spop (v2sf)  }
0xa2: {  	[tilespmem:s9], [sflag:$0x1] =	stream.linear.gather [hbm4b:s7+s1], $0x80, $0x38;
	[tilespmem:$0x18600] =	vst v63  }
0xa3: {  	[smem:$0x7EA] =	sst s18;
	s12 =	sadd.s32 s4, s10;
	s5 =	sand.u32 $0x1FFFFFF0, s11  }
0xa4: {  	[tilespmem:s13], [sflag:$0x1] =	stream.linear.gather [hbm4b:s12+s1], $0x80, $0x38;
	[tilespmem:$0x18600] =	vst v63  }
0xa5: {  	s28 =	sadd.s32 $0x10A80, s21;
	[smem:$0x7EB] =	sst s26;
	s19 =	sadd.s32 s4, s5  }
0xa6: {  	[tilespmem:s17], [sflag:$0x1] =	stream.linear.gather [hbm4b:s19+s1], $0x80, $0x38;
	[tilespmem:$0x18600] =	vst v63  }
0xa7: {  	s23 =	sadd.s32 $0x10880, s21;
	[dreg:$0xf] =	wrdreg s28;
	v0 =	vld [tilespmem:s25+$0x0]  }
0xa8: {  	s24 =	sadd.s32 $0xA80, s21;
	[smem:$0x7EC] =	sst s23;
	v1 =	vld [tilespmem:s14+$0x0]  }
0xa9: {  	s30 =	sadd.s32 $0x8800, s21;
	[dreg:$0x13] =	wrdreg s24;
	v3 =	vld [tilespmem:s15+$0x0]  }
0xaa: {  	s31 =	sadd.s32 $0x10800, s21;
	[smem:$0x7E8] =	sst s30  }
0xab: {  	p0 =	sne.s32 s16, $0x1E000;
	s23 =	sadd.s32 $0x8B80, s21;
	[smem:$0x7E9] =	sst s31  }
0xac: {  	s16 =	sadd.s32 $0x10680, s21;
	s6 =	sadd.s32 $0x8900, s21;
	[dreg:$0x11] =	wrdreg s23;
	v2 =	vshll.u32 v0, $0x4  }
0xad: {  	s20 =	sadd.s32 $0x800, s21;
	s24 =	sadd.s32 $0x10900, s21;
	[smem:$0x7EE] =	sst s6;
	v1 =	vshll.u32 v1, $0x4;
	(v2sf) =	vpush v2, $0x0  }
0xae: {  	s18 =	sadd.s32 $0x8680, s21;
	s31 =	sadd.s32 $0x8C00, s21;
	[smem:$0x7EF] =	sst s24;
	v63 =	vshll.u32 v3, $0x4;
	(v2sf) =	vpush v1, $0x0  }
0xaf: {  	s26 =	sadd.s32 $0x700, s21;
	s10 =	sadd.s32 $0x8A00, s21;
	[dreg:$0x5] =	wrdreg s31;
	(v2sf) =	vpush v63, $0x0  }
0xb0: {  	s28 =	sadd.s32 $0x8700, s21;
	s24 =	sadd.s32 $0x900, s21;
	[dreg:$0x1f] =	wrdreg s10  }
0xb1: {  	s0 =	sadd.s32 $0xD00, s21;
	s10 =	sadd.s32 $0xC00, s21;
	[smem:$0x7ED] =	sst s24  }
0xb2: {  	s30 =	sadd.s32 $0x680, s21;
	s22 =	sadd.s32 $0x980, s21;
	[dreg:$0x7] =	wrdreg s10;
	(v2sf) =	vpush v2, $0x1  }
0xb3: {  	s11 =	sadd.s32 $0x8780, s21;
	s2 =	sadd.s32 $0xB00, s21;
	[dreg:$0x1d] =	wrdreg s22  }
0xb4: {  	s29 =	sadd.s32 $0x8600, s21;
	[dreg:$0xd] =	wrdreg s2;
	s22 =	sadd.s32 $0x10980, s21  }
0xb5: {  	s6 =	sadd.s32 $0xC80, s21;
	s2 =	sadd.s32 $0x10B80, s21;
	[smem:$0x7F1] =	sst s22;
	(v2sf) =	vpush v1, $0x1  }
0xb6: {  	s5 =	sadd.s32 $0x10600, s21;
	s7 =	sadd.s32 $0x8B00, s21;
	[dreg:$0xb] =	wrdreg s2  }
0xb7: {  	s9 =	sadd.s32 $0x8A80, s21;
	s22 =	sadd.s32 $0x10D00, s21;
	[dreg:$0x9] =	wrdreg s7;
	(v2sf) =	vpush v63, $0x1  }
0xb8: {  	s2 =	sadd.s32 $0x10C80, s21;
	[dreg:$0x17] =	wrdreg s9;
	s7 =	sadd.s32 $0x8D80, s21  }
0xb9: {  	s9 =	sadd.s32 $0xD80, s21;
	s13 =	sadd.s32 $0x10780, s21;
	s12 =	sadd.s32 $0x10A00, s21;
	(v2sf) =	vpush v2, $0x2  }
0xba: {  	[dreg:$0x1b] =	wrdreg s12;
	s12 =	sadd.s32 $0xB80, s21;
	s17 =	sadd.s32 $0x600, s21  }
0xbb: {  	s19 =	sadd.s32 $0x8980, s21;
	[dreg:$0x15] =	wrdreg s12;
	s12 =	sadd.s32 $0x8D00, s21;
	(v2sf) =	vpush v1, $0x2  }
0xbc: {  	s14 =	sadd.s32 $0x10, s14;
	s15 =	sadd.s32 $0x780, s21;
	s31 =	spop (v2sf)  }
0xbd: {  	[smem:$0x7F0] =	sst s19;
	(v2sf) =	vpush v63, $0x2;
	s23 =	sand.u32 $0x1FFFFFF0, s31;
	s24 =	spop (v2sf)  }
0xbe: {  	s19 =	sadd.s32 $0x10700, s21;
	s23 =	sadd.s32 s3, s23;
	s31 =	spop (v2sf)  }
0xbf: {  	(v2sf) =	vpush v2, $0x3;
	[tilespmem:s17], [sflag:$0x1] =	stream.linear.gather [hbm4b:s23+s1], $0x80, $0x38;
	[tilespmem:$0x18600] =	vst v63  }
0xc0: {  	s25 =	sadd.s32 $0x10, s25;
	s24 =	sand.u32 $0x1FFFFFF0, s24;
	s23 =	sand.u32 $0x1FFFFFF0, s31  }
0xc1: {  	s17 =	sadd.s32 $0x8C80, s21;
	s10 =	spop (v2sf);
	(v2sf) =	vpush v1, $0x3;
	s24 =	sadd.s32 s4, s24  }
0xc2: {  	s31 =	sand.u32 $0x1FFFFFF0, s10;
	s10 =	sadd.s32 $0x10B00, s21;
	s23 =	sadd.s32 s4, s23  }
0xc3: {  	(v2sf) =	vpush v63, $0x3;
	[tilespmem:s29], [sflag:$0x1] =	stream.linear.gather [hbm4b:s24+s1], $0x80, $0x38;
	[tilespmem:$0x18600] =	vst v63  }
0xc4: {  	[smem:$0x7F2] =	sst s10;
	s29 =	sadd.s32 $0x10C00, s21;
	s10 =	spop (v2sf)  }
0xc5: {  	(v2sf) =	vpush v2, $0x4;
	[tilespmem:s5], [sflag:$0x1] =	stream.linear.gather [hbm4b:s23+s1], $0x80, $0x38;
	[tilespmem:$0x18600] =	vst v63  }
0xc6: {  	s23 =	sadd.s32 s3, s31;
	s31 =	sand.u32 $0x1FFFFFF0, s10;
	s10 =	spop (v2sf)  }
0xc7: {  	[tilespmem:s30], [sflag:$0x1] =	stream.linear.gather [hbm4b:s23+s1], $0x80, $0x38;
	[tilespmem:$0x18600] =	vst v63  }
0xc8: {  	s30 =	sadd.s32 s4, s31;
	s31 =	sand.u32 $0x1FFFFFF0, s10;
	s10 =	spop (v2sf)  }
0xc9: {  	(v2sf) =	vpush v1, $0x4;
	[tilespmem:s18], [sflag:$0x1] =	stream.linear.gather [hbm4b:s30+s1], $0x80, $0x38;
	[tilespmem:$0x18600] =	vst v63  }
0xca: {  	s23 =	sand.u32 $0x1FFFFFF0, s10;
	s24 =	spop (v2sf);
	s18 =	sadd.s32 s4, s31  }
0xcb: {  	(v2sf) =	vpush v63, $0x4;
	[tilespmem:s16], [sflag:$0x1] =	stream.linear.gather [hbm4b:s18+s1], $0x80, $0x38;
	[tilespmem:$0x18600] =	vst v63  }
0xcc: {  	s30 =	sadd.s32 s3, s23;
	s31 =	sand.u32 $0x1FFFFFF0, s24;
	s10 =	spop (v2sf)  }
0xcd: {  	(v2sf) =	vpush v2, $0x5;
	[tilespmem:s26], [sflag:$0x1] =	stream.linear.gather [hbm4b:s30+s1], $0x80, $0x38;
	[tilespmem:$0x18600] =	vst v63  }
0xce: {  	s23 =	sadd.s32 s4, s31;
	s24 =	sand.u32 $0x1FFFFFF0, s10;
	s26 =	spop (v2sf)  }
0xcf: {  	(v2sf) =	vpush v1, $0x5;
	[tilespmem:s28], [sflag:$0x1] =	stream.linear.gather [hbm4b:s23+s1], $0x80, $0x38;
	[tilespmem:$0x18600] =	vst v63  }
0xd0: {  	s30 =	sadd.s32 s4, s24;
	s31 =	sand.u32 $0x1FFFFFF0, s26;
	s10 =	spop (v2sf)  }
0xd1: {  	[tilespmem:s19], [sflag:$0x1] =	stream.linear.gather [hbm4b:s30+s1], $0x80, $0x38;
	[tilespmem:$0x18600] =	vst v63  }
0xd2: {  	(v2sf) =	vpush v63, $0x5;
	s16 =	sadd.s32 s3, s31;
	s18 =	sand.u32 $0x1FFFFFF0, s10;
	s19 =	spop (v2sf)  }
0xd3: {  	(v2sf) =	vpush v2, $0x6;
	[tilespmem:s15], [sflag:$0x1] =	stream.linear.gather [hbm4b:s16+s1], $0x80, $0x38;
	[tilespmem:$0x18600] =	vst v63  }
0xd4: {  	s23 =	sadd.s32 s4, s18;
	s24 =	sand.u32 $0x1FFFFFF0, s19;
	s26 =	spop (v2sf)  }
0xd5: {  	(v2sf) =	vpush v1, $0x6;
	[tilespmem:s11], [sflag:$0x1] =	stream.linear.gather [hbm4b:s23+s1], $0x80, $0x38;
	[tilespmem:$0x18600] =	vst v63  }
0xd6: {  	s18 =	smov.u32 s6;
	(v2sf) =	vpush v63, $0x6;
	s28 =	sadd.s32 s4, s24;
	s30 =	sand.u32 $0x1FFFFFF0, s26  }
0xd7: {  	[tilespmem:s13], [sflag:$0x1] =	stream.linear.gather [hbm4b:s28+s1], $0x80, $0x38;
	[tilespmem:$0x18600] =	vst v63  }
0xd8: {  	s16 =	smov.u32 s8;
	s31 =	spop (v2sf);
	s6 =	sadd.s32 s3, s30  }
0xd9: {  	[tilespmem:s20], [sflag:$0x1] =	stream.linear.gather [hbm4b:s6+s1], $0x80, $0x38;
	[tilespmem:$0x18600] =	vst v63  }
0xda: {  	(v2sf) =	vpush v2, $0x7;
	s8 =	sand.u32 $0x1FFFFFF0, s31;
	s10 =	spop (v2sf);
	s20 =	sld [smem:$0x7E8]  }
0xdb: {  	s15 =	sld [smem:$0x7E7];
	(v2sf) =	vpush v1, $0x7;
	s11 =	sadd.s32 s4, s8;
	s13 =	sand.u32 $0x1FFFFFF0, s10  }
0xdc: {  	s19 =	spop (v2sf);
	s28 =	sld [smem:$0x7E9];
	s23 =	sadd.s32 s4, s13  }
0xdd: {  	(v2sf) =	vpush v63, $0x7;
	[tilespmem:s20], [sflag:$0x1] =	stream.linear.gather [hbm4b:s11+s1], $0x80, $0x38;
	[tilespmem:$0x18600] =	vst v63  }
0xde: {  	s24 =	sand.u32 $0x1FFFFFF0, s19;
	s13 =	smov.u32 s7;
	s26 =	spop (v2sf)  }
0xdf: {  	s30 =	sadd.s32 s3, s24;
	s11 =	sld [smem:$0x7EA];
	s31 =	sand.u32 $0x1FFFFFF0, s26  }
0xe0: {  	[tilespmem:s28], [sflag:$0x1] =	stream.linear.gather [hbm4b:s23+s1], $0x80, $0x38;
	[tilespmem:$0x18600] =	vst v63  }
0xe1: {  	s24 =	sld [smem:$0x7EB];
	(v2sf) =	vpush v2, $0x8;
	s7 =	spop (v2sf);
	s19 =	sadd.s32 s4, s31  }
0xe2: {  	s31 =	sld [smem:$0x7EC];
	s20 =	sand.u32 $0x1FFFFFF0, s7;
	s23 =	spop (v2sf)  }
0xe3: {  	(v2sf) =	vpush v1, $0x8;
	[tilespmem:s11], [sflag:$0x1] =	stream.linear.gather [hbm4b:s30+s1], $0x80, $0x38;
	[tilespmem:$0x18600] =	vst v63  }
0xe4: {  	s26 =	sadd.s32 s4, s20;
	s28 =	sand.u32 $0x1FFFFFF0, s23;
	s30 =	spop (v2sf)  }
0xe5: {  	(v2sf) =	vpush v63, $0x8;
	s11 =	sld [smem:$0x7ED];
	s8 =	sand.u32 $0x1FFFFFF0, s30;
	s10 =	spop (v2sf)  }
0xe6: {  	[tilespmem:s24], [sflag:$0x1] =	stream.linear.gather [hbm4b:s19+s1], $0x80, $0x38;
	[tilespmem:$0x18600] =	vst v63  }
0xe7: {  	s7 =	sadd.s32 s3, s28;
	s19 =	sadd.s32 s4, s8;
	s20 =	sand.u32 $0x1FFFFFF0, s10  }
0xe8: {  	(v2sf) =	vpush v2, $0x9;
	[tilespmem:s31], [sflag:$0x1] =	stream.linear.gather [hbm4b:s26+s1], $0x80, $0x38;
	[tilespmem:$0x18600] =	vst v63  }
0xe9: {  	(v2sf) =	vpush v1, $0x9;
	s24 =	sld [smem:$0x7EE];
	s23 =	spop (v2sf);
	s26 =	sadd.s32 s4, s20  }
0xea: {  	s28 =	sand.u32 $0x1FFFFFF0, s23;
	s31 =	sld [smem:$0x7EF];
	s30 =	spop (v2sf)  }
0xeb: {  	(v2sf) =	vpush v63, $0x9;
	[tilespmem:s11], [sflag:$0x1] =	stream.linear.gather [hbm4b:s7+s1], $0x80, $0x38;
	[tilespmem:$0x18600] =	vst v63  }
0xec: {  	s6 =	sadd.s32 s3, s28;
	s7 =	sand.u32 $0x1FFFFFF0, s30;
	s10 =	spop (v2sf)  }
0xed: {  	(v2sf) =	vpush v2, $0xA;
	[tilespmem:s24], [sflag:$0x1] =	stream.linear.gather [hbm4b:s19+s1], $0x80, $0x38;
	[tilespmem:$0x18600] =	vst v63  }
0xee: {  	s11 =	rddreg [dreg:$0x1d];
	s20 =	sand.u32 $0x1FFFFFF0, s10;
	s19 =	sadd.s32 s4, s7  }
0xef: {  	[tilespmem:s31], [sflag:$0x1] =	stream.linear.gather [hbm4b:s26+s1], $0x80, $0x38;
	[tilespmem:$0x18600] =	vst v63  }
0xf0: {  	s24 =	sld [smem:$0x7F0];
	s26 =	sadd.s32 s4, s20;
	s23 =	spop (v2sf)  }
0xf1: {  	(v2sf) =	vpush v1, $0xA;
	[tilespmem:s11], [sflag:$0x1] =	stream.linear.gather [hbm4b:s6+s1], $0x80, $0x38;
	[tilespmem:$0x18600] =	vst v63  }
0xf2: {  	s31 =	sld [smem:$0x7F1];
	s28 =	sand.u32 $0x1FFFFFF0, s23;
	s30 =	spop (v2sf)  }
0xf3: {  	(v2sf) =	vpush v63, $0xA;
	[tilespmem:s24], [sflag:$0x1] =	stream.linear.gather [hbm4b:s19+s1], $0x80, $0x38;
	[tilespmem:$0x18600] =	vst v63  }
0xf4: {  	s11 =	rddreg [dreg:$0x19];
	s6 =	sadd.s32 s3, s28;
	s10 =	spop (v2sf)  }
0xf5: {  	(v2sf) =	vpush v2, $0xB;
	s7 =	sand.u32 $0x1FFFFFF0, s30;
	s24 =	rddreg [dreg:$0x1f];
	s20 =	sand.u32 $0x1FFFFFF0, s10  }
0xf6: {  	(v2sf) =	vpush v1, $0xB;
	[tilespmem:s31], [sflag:$0x1] =	stream.linear.gather [hbm4b:s26+s1], $0x80, $0x38;
	[tilespmem:$0x18600] =	vst v63  }
0xf7: {  	s19 =	sadd.s32 s4, s7;
	s23 =	spop (v2sf);
	s26 =	sadd.s32 s4, s20  }
0xf8: {  	s28 =	sand.u32 $0x1FFFFFF0, s23;
	s30 =	spop (v2sf);
	s31 =	rddreg [dreg:$0x1b]  }
0xf9: {  	[tilespmem:s11], [sflag:$0x1] =	stream.linear.gather [hbm4b:s6+s1], $0x80, $0x38;
	[tilespmem:$0x18600] =	vst v63  }
0xfa: {  	s7 =	sand.u32 $0x1FFFFFF0, s30;
	s6 =	sadd.s32 s3, s28;
	s10 =	spop (v2sf)  }
0xfb: {  	[tilespmem:s24], [sflag:$0x1] =	stream.linear.gather [hbm4b:s19+s1], $0x80, $0x38;
	[tilespmem:$0x18600] =	vst v63  }
0xfc: {  	(v2sf) =	vpush v63, $0xB;
	s11 =	rddreg [dreg:$0x13];
	s20 =	sand.u32 $0x1FFFFFF0, s10;
	s23 =	spop (v2sf)  }
0xfd: {  	[tilespmem:s31], [sflag:$0x1] =	stream.linear.gather [hbm4b:s26+s1], $0x80, $0x38;
	[tilespmem:$0x18600] =	vst v63  }
0xfe: {  	(v2sf) =	vpush v2, $0xC;
	s19 =	sadd.s32 s4, s7;
	s24 =	rddreg [dreg:$0x17];
	s28 =	sand.u32 $0x1FFFFFF0, s23  }
0xff: {  	[tilespmem:s11], [sflag:$0x1] =	stream.linear.gather [hbm4b:s6+s1], $0x80, $0x38;
	[tilespmem:$0x18600] =	vst v63  }
0x100: {  	s30 =	spop (v2sf);
	s26 =	sadd.s32 s4, s20;
	s31 =	rddreg [dreg:$0xf]  }
0x101: {  	[tilespmem:s24], [sflag:$0x1] =	stream.linear.gather [hbm4b:s19+s1], $0x80, $0x38;
	[tilespmem:$0x18600] =	vst v63  }
0x102: {  	(v2sf) =	vpush v1, $0xC;
	s7 =	sand.u32 $0x1FFFFFF0, s30;
	s6 =	sadd.s32 s3, s28;
	s10 =	spop (v2sf)  }
0x103: {  	[tilespmem:s31], [sflag:$0x1] =	stream.linear.gather [hbm4b:s26+s1], $0x80, $0x38;
	[tilespmem:$0x18600] =	vst v63  }
0x104: {  	(v2sf) =	vpush v63, $0xC;
	s11 =	rddreg [dreg:$0xd];
	s19 =	sadd.s32 s4, s7;
	s23 =	spop (v2sf)  }
0x105: {  	(v2sf) =	vpush v2, $0xD;
	s24 =	rddreg [dreg:$0x9];
	s20 =	sand.u32 $0x1FFFFFF0, s10;
	s30 =	spop (v2sf)  }
0x106: {  	[tilespmem:s11], [sflag:$0x1] =	stream.linear.gather [hbm4b:s6+s1], $0x80, $0x38;
	[tilespmem:$0x18600] =	vst v63  }
0x107: {  	(v2sf) =	vpush v1, $0xD;
	s26 =	sadd.s32 s4, s20;
	s31 =	sld [smem:$0x7F2];
	s10 =	sand.u32 $0x1FFFFFF0, s30  }
0x108: {  	[tilespmem:s24], [sflag:$0x1] =	stream.linear.gather [hbm4b:s19+s1], $0x80, $0x38;
	[tilespmem:$0x18600] =	vst v63  }
0x109: {  	s28 =	sand.u32 $0x1FFFFFF0, s23;
	s20 =	sadd.s32 s4, s10;
	s10 =	rddreg [dreg:$0xb]  }
0x10a: {  	[tilespmem:s31], [sflag:$0x1] =	stream.linear.gather [hbm4b:s26+s1], $0x80, $0x38;
	[tilespmem:$0x18600] =	vst v63  }
0x10b: {  	s8 =	sadd.s32 s3, s28;
	s11 =	spop (v2sf);
	s19 =	rddreg [dreg:$0x15]  }
0x10c: {  	[tilespmem:s19], [sflag:$0x1] =	stream.linear.gather [hbm4b:s8+s1], $0x80, $0x38;
	[tilespmem:$0x18600] =	vst v63  }
0x10d: {  	s23 =	sand.u32 $0x1FFFFFF0, s11;
	s24 =	spop (v2sf);
	s26 =	rddreg [dreg:$0x11]  }
0x10e: {  	[tilespmem:s26], [sflag:$0x1] =	stream.linear.gather [hbm4b:s20+s1], $0x80, $0x38;
	[tilespmem:$0x18600] =	vst v63  }
0x10f: {  	s28 =	sadd.s32 s4, s23;
	s23 =	rddreg [dreg:$0x7];
	s30 =	sand.u32 $0x1FFFFFF0, s24  }
0x110: {  	[tilespmem:s10], [sflag:$0x1] =	stream.linear.gather [hbm4b:s28+s1], $0x80, $0x38;
	[tilespmem:$0x18600] =	vst v63  }
0x111: {  	(v2sf) =	vpush v63, $0xD;
	s31 =	spop (v2sf);
	s11 =	sadd.s32 s3, s30;
	s30 =	rddreg [dreg:$0x5]  }
0x112: {  	(v2sf) =	vpush v2, $0xE;
	[tilespmem:s23], [sflag:$0x1] =	stream.linear.gather [hbm4b:s11+s1], $0x80, $0x38;
	[tilespmem:$0x18600] =	vst v63  }
.Ltmp0:
0x113: {  	(v2sf) =	vpush v1, $0xE;
	s19 =	sand.u32 $0x1FFFFFF0, s31;
	s20 =	spop (v2sf);
	(pc) =	sbr.rel @p0 .LBB2_2-.Ltmp0, $4  }
0x114: {  	(v2sf) =	vpush v63, $0xE;
	s24 =	sadd.s32 s4, s19;
	s26 =	sand.u32 $0x1FFFFFF0, s20;
	s28 =	spop (v2sf)  }
0x115: {  	(v2sf) =	vpush v2, $0xF;
	[tilespmem:s30], [sflag:$0x1] =	stream.linear.gather [hbm4b:s24+s1], $0x80, $0x38;
	[tilespmem:$0x18600] =	vst v63  }
0x116: {  	(v2sf) =	vpush v1, $0xF;
	s31 =	sadd.s32 s4, s26;
	s5 =	sand.u32 $0x1FFFFFF0, s28;
	s6 =	spop (v2sf)  }
0x117: {  	(v2sf) =	vpush v63, $0xF;
	[tilespmem:s29], [sflag:$0x1] =	stream.linear.gather [hbm4b:s31+s1], $0x80, $0x38;
	[tilespmem:$0x18600] =	vst v63  }
0x118: {  	_ =	sdelay $0x3  }
0x119: {  	s5 =	sadd.s32 s3, s5;
	s6 =	sand.u32 $0x1FFFFFF0, s6  }
0x11a: {  	[tilespmem:s18], [sflag:$0x1] =	stream.linear.gather [hbm4b:s5+s1], $0x80, $0x38;
	[tilespmem:$0x18600] =	vst v63  }
0x11b: {  	s29 =	sadd.s32 s4, s6  }
0x11c: {  	[tilespmem:s17], [sflag:$0x1] =	stream.linear.gather [hbm4b:s29+s1], $0x80, $0x38;
	[tilespmem:$0x18600] =	vst v63  }
0x11d: {  	s7 =	spop (v2sf)  }
0x11e: {  	s30 =	sand.u32 $0x1FFFFFF0, s7;
	s31 =	spop (v2sf)  }
0x11f: {  	s8 =	sadd.s32 s4, s30;
	s10 =	sand.u32 $0x1FFFFFF0, s31;
	s11 =	spop (v2sf)  }
0x120: {  	[tilespmem:s2], [sflag:$0x1] =	stream.linear.gather [hbm4b:s8+s1], $0x80, $0x38;
	[tilespmem:$0x18600] =	vst v63  }
0x121: {  	s14 =	sadd.s32 s3, s10;
	s15 =	sand.u32 $0x1FFFFFF0, s11;
	s16 =	spop (v2sf)  }
0x122: {  	[tilespmem:s0], [sflag:$0x1] =	stream.linear.gather [hbm4b:s14+s1], $0x80, $0x38;
	[tilespmem:$0x18600] =	vst v63  }
0x123: {  	s17 =	sadd.s32 s4, s15;
	s18 =	sand.u32 $0x1FFFFFF0, s16;
	s19 =	spop (v2sf)  }
0x124: {  	[tilespmem:s12], [sflag:$0x1] =	stream.linear.gather [hbm4b:s17+s1], $0x80, $0x38;
	[tilespmem:$0x18600] =	vst v63  }
0x125: {  	s20 =	sadd.s32 s4, s18;
	s23 =	sand.u32 $0x1FFFFFF0, s19;
	s24 =	spop (v2sf)  }
0x126: {  	[tilespmem:s22], [sflag:$0x1] =	stream.linear.gather [hbm4b:s20+s1], $0x80, $0x38;
	[tilespmem:$0x18600] =	vst v63  }
0x127: {  	s25 =	sadd.s32 s3, s23;
	s26 =	sand.u32 $0x1FFFFFF0, s24;
	s28 =	spop (v2sf)  }
0x128: {  	[tilespmem:s9], [sflag:$0x1] =	stream.linear.gather [hbm4b:s25+s1], $0x80, $0x38;
	[tilespmem:$0x18600] =	vst v63  }
0x129: {  	s29 =	sadd.s32 s4, s26;
	s30 =	sand.u32 $0x1FFFFFF0, s28  }
0x12a: {  	[tilespmem:s13], [sflag:$0x1] =	stream.linear.gather [hbm4b:s29+s1], $0x80, $0x38;
	[tilespmem:$0x18600] =	vst v63  }
0x12b: {  	s31 =	sadd.s32 $0x10D80, s21;
	s2 =	sadd.s32 s4, s30  }
0x12c: {  	[tilespmem:s31], [sflag:$0x1] =	stream.linear.gather [hbm4b:s2+s1], $0x80, $0x38;
	[tilespmem:$0x18600] =	vst v63  }
0x12d: {  	s2 =	simm.s32 $0x1  }
0x12e: {  	_ =	swait.ge [sflag:s2], $0x80  }
0x12f: {  	[sflag:s2] =	ssyncset.done $0x0  }
0x130: {  	[sflag:s2] =	ssyncadd.s32 $0xFFFFFF80  }
0x131: {  	_ =	swait.ge [sflag:s2], $0x80  }
0x132: {  	[sflag:s2] =	ssyncset.done $0x0  }
0x133: {  	[sflag:s2] =	ssyncadd.s32 $0xFFFFFF80  }
0x134: {  	_ =	swait.ge [sflag:s2], $0x80  }
0x135: {  	s0 =	simm.s32 $0xFF;
	[sflag:s2] =	ssyncset.done $0x0  }
.LBB2_4:
0x136: {  	p0 =	sne.s32 s0, $0x1;
	s0 =	sadd.s32 $0xFFFFFFFF, s0;
	[sflag:s2] =	ssyncadd.s32 $0xFFFFFF80  }
0x137: {  	_ =	swait.ge [sflag:s2], $0x80  }
0x138: {  	[sflag:s2] =	ssyncset.done $0x0  }
0x139: {  	[sflag:s2] =	ssyncadd.s32 $0xFFFFFF80  }
.Ltmp1:
0x13a: {  	_ =	swait.ge [sflag:s2], $0x80;
	(pc) =	sbr.rel @p0 .LBB2_4-.Ltmp1, $4  }
0x13b: {  	[sflag:s2] =	ssyncset.done $0x0  }
0x13c: {  	[sflag:s2] =	ssyncadd.s32 $0xFFFFFF80  }
0x13d: {  	_ =	swait.ge [sflag:s2], $0x80  }
0x13e: {  	[sflag:s2] =	ssyncset.done $0x0  }
0x13f: {  	s15 =	sld [smem:$0x7F7]  }
0x140: {  	[sflag:s2] =	ssyncadd.s32 $0xFFFFFF80  }
0x141: {  	s0 =	simm.s32 $0x0;
	s5 =	simm.s32 $0x600;
	s16 =	simm.s32 $0x2  }
0x142: {  	[hbm4b:s15+s0] =	stream.linear.scatter [tilespmem:s5], [sflag:$0x2], $0x8000, $0x38;
	[tilespmem:$0x18600] =	vst v63  }
0x143: {  	_ =	swait.ge [sflag:s16], $0x8000  }
0x144: {  	s17 =	sld [smem:$0x7F8]  }
0x145: {  	[sflag:s16] =	ssyncset.done $0x0  }
0x146: {  	s6 =	simm.s32 $0x8600;
	[sflag:s16] =	ssyncadd.s32 $0xFFFF8000  }
0x147: {  	[hbm4b:s17+s0] =	stream.linear.scatter [tilespmem:s6], [sflag:$0x2], $0x8000, $0x38;
	[tilespmem:$0x18600] =	vst v63  }
0x148: {  	_ =	swait.ge [sflag:s16], $0x8000  }
0x149: {  	s18 =	sld [smem:$0x7F9]  }
0x14a: {  	[sflag:s16] =	ssyncset.done $0x0  }
0x14b: {  	s19 =	simm.s32 $0x10600;
	[sflag:s16] =	ssyncadd.s32 $0xFFFF8000  }
0x14c: {  	[hbm4b:s18+s0] =	stream.linear.scatter [tilespmem:s19], [sflag:$0x2], $0x8000, $0x38;
	[tilespmem:$0x18600] =	vst v63  }
0x14d: {  	_ =	swait.ge [sflag:s16], $0x8000  }
0x14e: {  	[sflag:s16] =	ssyncset.done $0x0  }
0x14f: {  	s20 =	simm.s32 $0x100;
	[sflag:s16] =	ssyncadd.s32 $0xFFFF8000  }
0x150: {  	s21 =	simm.s32 $0x300;
	v0 =	vld [tilespmem:s20+$0x0]  }
0x151: {  	s22 =	simm.s32 $0x500;
	v1 =	vld [tilespmem:s21+$0x0]  }
0x152: {  	v3 =	vld [tilespmem:s22+$0x0];
	_ =	sdelay $0x2  }
0x153: {  	v2 =	vshll.u32 v0, $0x4  }
0x154: {  	v1 =	vshll.u32 v1, $0x4;
	(v2sf) =	vpush v2, $0x0  }
0x155: {  	v63 =	vshll.u32 v3, $0x4;
	(v2sf) =	vpush v1, $0x0  }
0x156: {  	(v2sf) =	vpush v63, $0x0;
	_ =	sdelay $0x1  }
0x157: {  	(v2sf) =	vpush v2, $0x1;
	_ =	sdelay $0x2  }
0x158: {  	(v2sf) =	vpush v1, $0x1;
	_ =	sdelay $0x1  }
0x159: {  	(v2sf) =	vpush v63, $0x1  }
0x15a: {  	s14 =	simm.s32 $0x310  }
0x15b: {  	s23 =	simm.s32 $0x10600;
	s7 =	simm.s32 $0x8780;
	s24 =	simm.s32 $0x600;
	(v2sf) =	vpush v2, $0x2  }
0x15c: {  	s8 =	simm.s32 $0x8600;
	s2 =	simm.s32 $0xA00;
	s10 =	simm.s32 $0x10680  }
0x15d: {  	s11 =	simm.s32 $0x780;
	s29 =	simm.s32 $0x680;
	s31 =	simm.s32 $0x8680  }
0x15e: {  	s15 =	simm.s32 $0x510;
	s5 =	simm.s32 $0x980;
	s6 =	simm.s32 $0x10A80  }
0x15f: {  	s0 =	simm.s32 $0xA80;
	s16 =	simm.s32 $0x2000;
	s9 =	spop (v2sf);
	(v2sf) =	vpush v1, $0x2  }
0x160: {  	s21 =	simm.s32 $0x0;
	s9 =	sand.u32 $0x1FFFFFF0, s9;
	s12 =	spop (v2sf)  }
0x161: {  	s20 =	simm.s32 $0x700;
	(v2sf) =	vpush v63, $0x2;
	s9 =	sadd.s32 s3, s9;
	s26 =	spop (v2sf)  }
0x162: {  	(v2sf) =	vpush v2, $0x3;
	[tilespmem:s24], [sflag:$0x1] =	stream.linear.gather [hbm4b:s9+s1], $0x80, $0x38;
	[tilespmem:$0x18600] =	vst v63  }
0x163: {  	s25 =	sand.u32 $0x1FFFFFF0, s12;
	s12 =	sand.u32 $0x1FFFFFF0, s26;
	s13 =	spop (v2sf)  }
0x164: {  	s9 =	sadd.s32 s4, s25;
	s26 =	simm.s32 $0x10700;
	s28 =	sand.u32 $0x1FFFFFF0, s13  }
0x165: {  	(v2sf) =	vpush v1, $0x3;
	[tilespmem:s8], [sflag:$0x1] =	stream.linear.gather [hbm4b:s9+s1], $0x80, $0x38;
	[tilespmem:$0x18600] =	vst v63  }
0x166: {  	s12 =	sadd.s32 s4, s12;
	s30 =	spop (v2sf);
	s8 =	simm.s32 $0x10780  }
0x167: {  	(v2sf) =	vpush v63, $0x3;
	[tilespmem:s23], [sflag:$0x1] =	stream.linear.gather [hbm4b:s12+s1], $0x80, $0x38;
	[tilespmem:$0x18600] =	vst v63  }
0x168: {  	s9 =	sadd.s32 s3, s28;
	s13 =	spop (v2sf);
	s12 =	sand.u32 $0x1FFFFFF0, s30  }
0x169: {  	(v2sf) =	vpush v2, $0x4;
	[tilespmem:s29], [sflag:$0x1] =	stream.linear.gather [hbm4b:s9+s1], $0x80, $0x38;
	[tilespmem:$0x18600] =	vst v63  }
0x16a: {  	s17 =	spop (v2sf);
	s9 =	sadd.s32 s4, s12;
	s12 =	sand.u32 $0x1FFFFFF0, s13  }
0x16b: {  	(v2sf) =	vpush v1, $0x4;
	[tilespmem:s31], [sflag:$0x1] =	stream.linear.gather [hbm4b:s9+s1], $0x80, $0x38;
	[tilespmem:$0x18600] =	vst v63  }
0x16c: {  	s19 =	sand.u32 $0x1FFFFFF0, s17;
	s23 =	simm.s32 $0x8700;
	s18 =	sadd.s32 s4, s12  }
0x16d: {  	[tilespmem:s10], [sflag:$0x1] =	stream.linear.gather [hbm4b:s18+s1], $0x80, $0x38;
	[tilespmem:$0x18600] =	vst v63  }
0x16e: {  	s12 =	sadd.s32 s3, s19;
	s9 =	simm.s32 $0x8880;
	s22 =	spop (v2sf)  }
0x16f: {  	(v2sf) =	vpush v63, $0x4;
	[tilespmem:s20], [sflag:$0x1] =	stream.linear.gather [hbm4b:s12+s1], $0x80, $0x38;
	[tilespmem:$0x18600] =	vst v63  }
0x170: {  	s31 =	simm.s32 $0x8800;
	s10 =	sand.u32 $0x1FFFFFF0, s22;
	s24 =	spop (v2sf)  }
0x171: {  	s18 =	simm.s32 $0x10800;
	(v2sf) =	vpush v2, $0x5;
	s10 =	sadd.s32 s4, s10;
	s25 =	spop (v2sf)  }
0x172: {  	(v2sf) =	vpush v1, $0x5;
	[tilespmem:s23], [sflag:$0x1] =	stream.linear.gather [hbm4b:s10+s1], $0x80, $0x38;
	[tilespmem:$0x18600] =	vst v63  }
0x173: {  	s22 =	simm.s32 $0x800;
	s12 =	sand.u32 $0x1FFFFFF0, s24;
	s29 =	sand.u32 $0x1FFFFFF0, s25  }
0x174: {  	s28 =	sadd.s32 s4, s12;
	s30 =	spop (v2sf);
	(v2sf) =	vpush v63, $0x5;
	s12 =	sadd.s32 s3, s29  }
0x175: {  	(v2sf) =	vpush v2, $0x6;
	[tilespmem:s26], [sflag:$0x1] =	stream.linear.gather [hbm4b:s28+s1], $0x80, $0x38;
	[tilespmem:$0x18600] =	vst v63  }
0x176: {  	s10 =	sand.u32 $0x1FFFFFF0, s30;
	s13 =	spop (v2sf);
	s30 =	simm.s32 $0x880  }
0x177: {  	[tilespmem:s11], [sflag:$0x1] =	stream.linear.gather [hbm4b:s12+s1], $0x80, $0x38;
	[tilespmem:$0x18600] =	vst v63  }
0x178: {  	s10 =	sadd.s32 s4, s10;
	s17 =	spop (v2sf);
	s12 =	sand.u32 $0x1FFFFFF0, s13  }
0x179: {  	(v2sf) =	vpush v1, $0x6;
	[tilespmem:s7], [sflag:$0x1] =	stream.linear.gather [hbm4b:s10+s1], $0x80, $0x38;
	[tilespmem:$0x18600] =	vst v63  }
0x17a: {  	s20 =	sand.u32 $0x1FFFFFF0, s17;
	s23 =	spop (v2sf);
	s19 =	sadd.s32 s4, s12  }
0x17b: {  	(v2sf) =	vpush v63, $0x6;
	[tilespmem:s8], [sflag:$0x1] =	stream.linear.gather [hbm4b:s19+s1], $0x80, $0x38;
	[tilespmem:$0x18600] =	vst v63  }
0x17c: {  	s26 =	simm.s32 $0x8900;
	s12 =	sadd.s32 s3, s20;
	s8 =	sand.u32 $0x1FFFFFF0, s23  }
0x17d: {  	[tilespmem:s22], [sflag:$0x1] =	stream.linear.gather [hbm4b:s12+s1], $0x80, $0x38;
	[tilespmem:$0x18600] =	vst v63  }
0x17e: {  	s7 =	simm.s32 $0xB00;
	s8 =	sadd.s32 s4, s8;
	s24 =	spop (v2sf)  }
0x17f: {  	(v2sf) =	vpush v2, $0x7;
	[tilespmem:s31], [sflag:$0x1] =	stream.linear.gather [hbm4b:s8+s1], $0x80, $0x38;
	[tilespmem:$0x18600] =	vst v63  }
0x180: {  	s22 =	simm.s32 $0x900;
	s12 =	sand.u32 $0x1FFFFFF0, s24;
	s25 =	spop (v2sf)  }
0x181: {  	(v2sf) =	vpush v1, $0x7;
	s28 =	sadd.s32 s4, s12;
	s29 =	sand.u32 $0x1FFFFFF0, s25;
	s31 =	spop (v2sf)  }
0x182: {  	(v2sf) =	vpush v63, $0x7;
	[tilespmem:s18], [sflag:$0x1] =	stream.linear.gather [hbm4b:s28+s1], $0x80, $0x38;
	[tilespmem:$0x18600] =	vst v63  }
0x183: {  	s8 =	simm.s32 $0x8B00;
	s12 =	sadd.s32 s3, s29;
	s13 =	spop (v2sf)  }
0x184: {  	s10 =	sand.u32 $0x1FFFFFF0, s31;
	s18 =	simm.s32 $0x10880;
	s17 =	spop (v2sf)  }
0x185: {  	(v2sf) =	vpush v2, $0x8;
	[tilespmem:s30], [sflag:$0x1] =	stream.linear.gather [hbm4b:s12+s1], $0x80, $0x38;
	[tilespmem:$0x18600] =	vst v63  }
0x186: {  	s10 =	sadd.s32 s4, s10;
	s12 =	sand.u32 $0x1FFFFFF0, s13;
	s20 =	sand.u32 $0x1FFFFFF0, s17  }
0x187: {  	(v2sf) =	vpush v1, $0x8;
	[tilespmem:s9], [sflag:$0x1] =	stream.linear.gather [hbm4b:s10+s1], $0x80, $0x38;
	[tilespmem:$0x18600] =	vst v63  }
0x188: {  	s23 =	spop (v2sf);
	(v2sf) =	vpush v63, $0x8;
	s30 =	simm.s32 $0x8A00;
	s19 =	sadd.s32 s4, s12  }
0x189: {  	[tilespmem:s18], [sflag:$0x1] =	stream.linear.gather [hbm4b:s19+s1], $0x80, $0x38;
	[tilespmem:$0x18600] =	vst v63  }
0x18a: {  	s12 =	sadd.s32 s3, s20;
	s24 =	spop (v2sf);
	s10 =	sand.u32 $0x1FFFFFF0, s23  }
0x18b: {  	[tilespmem:s22], [sflag:$0x1] =	stream.linear.gather [hbm4b:s12+s1], $0x80, $0x38;
	[tilespmem:$0x18600] =	vst v63  }
0x18c: {  	s13 =	simm.s32 $0x8980;
	(v2sf) =	vpush v2, $0x9;
	s10 =	sadd.s32 s4, s10;
	s12 =	sand.u32 $0x1FFFFFF0, s24  }
0x18d: {  	[tilespmem:s26], [sflag:$0x1] =	stream.linear.gather [hbm4b:s10+s1], $0x80, $0x38;
	[tilespmem:$0x18600] =	vst v63  }
0x18e: {  	s25 =	spop (v2sf);
	(v2sf) =	vpush v1, $0x9;
	s28 =	sadd.s32 s4, s12;
	s26 =	simm.s32 $0x10900  }
0x18f: {  	[tilespmem:s26], [sflag:$0x1] =	stream.linear.gather [hbm4b:s28+s1], $0x80, $0x38;
	[tilespmem:$0x18600] =	vst v63  }
0x190: {  	s9 =	simm.s32 $0x8A80;
	s29 =	sand.u32 $0x1FFFFFF0, s25;
	s31 =	spop (v2sf)  }
0x191: {  	s23 =	simm.s32 $0x10A00;
	s12 =	sadd.s32 s3, s29;
	s17 =	spop (v2sf)  }
0x192: {  	(v2sf) =	vpush v63, $0x9;
	[tilespmem:s5], [sflag:$0x1] =	stream.linear.gather [hbm4b:s12+s1], $0x80, $0x38;
	[tilespmem:$0x18600] =	vst v63  }
0x193: {  	s19 =	simm.s32 $0x10980;
	s11 =	sand.u32 $0x1FFFFFF0, s31;
	s12 =	sand.u32 $0x1FFFFFF0, s17  }
0x194: {  	s11 =	sadd.s32 s4, s11;
	s18 =	spop (v2sf);
	s20 =	sadd.s32 s4, s12  }
0x195: {  	(v2sf) =	vpush v2, $0xA;
	[tilespmem:s13], [sflag:$0x1] =	stream.linear.gather [hbm4b:s11+s1], $0x80, $0x38;
	[tilespmem:$0x18600] =	vst v63  }
0x196: {  	(v2sf) =	vpush v1, $0xA;
	s22 =	sand.u32 $0x1FFFFFF0, s18;
	s18 =	simm.s32 $0xC80;
	s24 =	spop (v2sf)  }
0x197: {  	s12 =	sadd.s32 s3, s22;
	s13 =	simm.s32 $0x8D80;
	s26 =	spop (v2sf)  }
0x198: {  	(v2sf) =	vpush v63, $0xA;
	[tilespmem:s19], [sflag:$0x1] =	stream.linear.gather [hbm4b:s20+s1], $0x80, $0x38;
	[tilespmem:$0x18600] =	vst v63  }
0x199: {  	s22 =	simm.s32 $0x10D00;
	s25 =	sand.u32 $0x1FFFFFF0, s24;
	s11 =	sand.u32 $0x1FFFFFF0, s26  }
0x19a: {  	(v2sf) =	vpush v2, $0xB;
	[tilespmem:s2], [sflag:$0x1] =	stream.linear.gather [hbm4b:s12+s1], $0x80, $0x38;
	[tilespmem:$0x18600] =	vst v63  }
0x19b: {  	(v2sf) =	vpush v1, $0xB;
	s28 =	spop (v2sf);
	s20 =	simm.s32 $0x10B80;
	s2 =	sadd.s32 s4, s25  }
0x19c: {  	[tilespmem:s30], [sflag:$0x1] =	stream.linear.gather [hbm4b:s2+s1], $0x80, $0x38;
	[tilespmem:$0x18600] =	vst v63  }
0x19d: {  	(v2sf) =	vpush v63, $0xB;
	s29 =	sadd.s32 s4, s11;
	s31 =	spop (v2sf);
	s30 =	sand.u32 $0x1FFFFFF0, s28  }
0x19e: {  	[tilespmem:s23], [sflag:$0x1] =	stream.linear.gather [hbm4b:s29+s1], $0x80, $0x38;
	[tilespmem:$0x18600] =	vst v63  }
0x19f: {  	(v2sf) =	vpush v2, $0xC;
	s25 =	simm.s32 $0x110;
	s2 =	sand.u32 $0x1FFFFFF0, s31;
	s10 =	sadd.s32 s3, s30  }
0x1a0: {  	[tilespmem:s0], [sflag:$0x1] =	stream.linear.gather [hbm4b:s10+s1], $0x80, $0x38;
	[tilespmem:$0x18600] =	vst v63  }
0x1a1: {  	s28 =	simm.s32 $0x10B00;
	s2 =	sadd.s32 s4, s2;
	s11 =	spop (v2sf)  }
0x1a2: {  	s30 =	simm.s32 $0xB80;
	s0 =	simm.s32 $0x8C00;
	s5 =	sand.u32 $0x1FFFFFF0, s11  }
0x1a3: {  	(v2sf) =	vpush v1, $0xC;
	[tilespmem:s9], [sflag:$0x1] =	stream.linear.gather [hbm4b:s2+s1], $0x80, $0x38;
	[tilespmem:$0x18600] =	vst v63  }
0x1a4: {  	s12 =	spop (v2sf);
	s9 =	simm.s32 $0x8B80;
	s2 =	simm.s32 $0x10C80  }
0x1a5: {  	(v2sf) =	vpush v63, $0xC;
	s17 =	sadd.s32 s4, s5;
	s19 =	sand.u32 $0x1FFFFFF0, s12;
	s23 =	spop (v2sf)  }
0x1a6: {  	[tilespmem:s6], [sflag:$0x1] =	stream.linear.gather [hbm4b:s17+s1], $0x80, $0x38;
	[tilespmem:$0x18600] =	vst v63  }
0x1a7: {  	s5 =	sadd.s32 s3, s19;
	s6 =	sand.u32 $0x1FFFFFF0, s23;
	s24 =	spop (v2sf)  }
0x1a8: {  	(v2sf) =	vpush v2, $0xD;
	[tilespmem:s7], [sflag:$0x1] =	stream.linear.gather [hbm4b:s5+s1], $0x80, $0x38;
	[tilespmem:$0x18600] =	vst v63  }
0x1a9: {  	s6 =	sadd.s32 s4, s6;
	s26 =	spop (v2sf);
	s5 =	simm.s32 $0xC00  }
0x1aa: {  	(v2sf) =	vpush v1, $0xD;
	s7 =	sand.u32 $0x1FFFFFF0, s24;
	s29 =	sand.u32 $0x1FFFFFF0, s26;
	s31 =	spop (v2sf)  }
0x1ab: {  	[tilespmem:s8], [sflag:$0x1] =	stream.linear.gather [hbm4b:s6+s1], $0x80, $0x38;
	[tilespmem:$0x18600] =	vst v63  }
0x1ac: {  	s7 =	sadd.s32 s4, s7;
	s10 =	spop (v2sf);
	s8 =	sadd.s32 s3, s29  }
0x1ad: {  	[tilespmem:s28], [sflag:$0x1] =	stream.linear.gather [hbm4b:s7+s1], $0x80, $0x38;
	[tilespmem:$0x18600] =	vst v63  }
0x1ae: {  	s11 =	spop (v2sf);
	s29 =	simm.s32 $0x10C00;
	s7 =	sand.u32 $0x1FFFFFF0, s31  }
0x1af: {  	[tilespmem:s30], [sflag:$0x1] =	stream.linear.gather [hbm4b:s8+s1], $0x80, $0x38;
	[tilespmem:$0x18600] =	vst v63  }
0x1b0: {  	s17 =	sand.u32 $0x1FFFFFF0, s11;
	s7 =	sadd.s32 s4, s7;
	s8 =	sand.u32 $0x1FFFFFF0, s10  }
0x1b1: {  	[tilespmem:s9], [sflag:$0x1] =	stream.linear.gather [hbm4b:s7+s1], $0x80, $0x38;
	[tilespmem:$0x18600] =	vst v63  }
0x1b2: {  	s12 =	sadd.s32 s4, s8;
	s9 =	simm.s32 $0xD80;
	s19 =	spop (v2sf)  }
0x1b3: {  	[tilespmem:s20], [sflag:$0x1] =	stream.linear.gather [hbm4b:s12+s1], $0x80, $0x38;
	[tilespmem:$0x18600] =	vst v63  }
0x1b4: {  	(v2sf) =	vpush v63, $0xD;
	s20 =	sadd.s32 s3, s17;
	s12 =	simm.s32 $0x8D00;
	s24 =	spop (v2sf)  }
0x1b5: {  	(v2sf) =	vpush v2, $0xE;
	[tilespmem:s5], [sflag:$0x1] =	stream.linear.gather [hbm4b:s20+s1], $0x80, $0x38;
	[tilespmem:$0x18600] =	vst v63  }
0x1b6: {  	s17 =	simm.s32 $0x8C80;
	s23 =	sand.u32 $0x1FFFFFF0, s19;
	(v2sf) =	vpush v1, $0xE;
	s28 =	sand.u32 $0x1FFFFFF0, s24  }
0x1b7: {  	s26 =	sadd.s32 s4, s23;
	(v2sf) =	vpush v63, $0xE;
	s30 =	sadd.s32 s4, s28;
	s31 =	spop (v2sf)  }
0x1b8: {  	(v2sf) =	vpush v2, $0xF;
	[tilespmem:s0], [sflag:$0x1] =	stream.linear.gather [hbm4b:s26+s1], $0x80, $0x38;
	[tilespmem:$0x18600] =	vst v63  }
0x1b9: {  	s0 =	simm.s32 $0xD00;
	(v2sf) =	vpush v1, $0xF;
	s5 =	sand.u32 $0x1FFFFFF0, s31;
	s6 =	spop (v2sf)  }
0x1ba: {  	(v2sf) =	vpush v63, $0xF;
	[tilespmem:s29], [sflag:$0x1] =	stream.linear.gather [hbm4b:s30+s1], $0x80, $0x38;
	[tilespmem:$0x18600] =	vst v63  }
.LBB2_6:
0x1bb: {  	_ =	sdelay $0x3  }
0x1bc: {  	s5 =	sadd.s32 s3, s5;
	s6 =	sand.u32 $0x1FFFFFF0, s6  }
0x1bd: {  	[tilespmem:s18], [sflag:$0x1] =	stream.linear.gather [hbm4b:s5+s1], $0x80, $0x38;
	[tilespmem:$0x18600] =	vst v63  }
0x1be: {  	s10 =	sadd.s32 s4, s6  }
0x1bf: {  	[tilespmem:s17], [sflag:$0x1] =	stream.linear.gather [hbm4b:s10+s1], $0x80, $0x38;
	[tilespmem:$0x18600] =	vst v63  }
0x1c0: {  	s7 =	spop (v2sf)  }
0x1c1: {  	s11 =	sand.u32 $0x1FFFFFF0, s7;
	s18 =	spop (v2sf)  }
0x1c2: {  	s19 =	sadd.s32 s4, s11;
	s20 =	sand.u32 $0x1FFFFFF0, s18;
	s23 =	spop (v2sf)  }
0x1c3: {  	[tilespmem:s2], [sflag:$0x1] =	stream.linear.gather [hbm4b:s19+s1], $0x80, $0x38;
	[tilespmem:$0x18600] =	vst v63  }
0x1c4: {  	s24 =	sadd.s32 s3, s20;
	s26 =	sand.u32 $0x1FFFFFF0, s23;
	s28 =	spop (v2sf)  }
0x1c5: {  	[tilespmem:s0], [sflag:$0x1] =	stream.linear.gather [hbm4b:s24+s1], $0x80, $0x38;
	[tilespmem:$0x18600] =	vst v63  }
0x1c6: {  	s29 =	sadd.s32 s4, s26;
	s30 =	sand.u32 $0x1FFFFFF0, s28;
	s31 =	spop (v2sf)  }
0x1c7: {  	[tilespmem:s12], [sflag:$0x1] =	stream.linear.gather [hbm4b:s29+s1], $0x80, $0x38;
	[tilespmem:$0x18600] =	vst v63  }
0x1c8: {  	s6 =	sadd.s32 s4, s30;
	s7 =	sand.u32 $0x1FFFFFF0, s31;
	s10 =	spop (v2sf)  }
0x1c9: {  	[tilespmem:s22], [sflag:$0x1] =	stream.linear.gather [hbm4b:s6+s1], $0x80, $0x38;
	[tilespmem:$0x18600] =	vst v63  }
0x1ca: {  	s11 =	sadd.s32 s3, s7;
	s17 =	spop (v2sf);
	s12 =	sand.u32 $0x1FFFFFF0, s10  }
0x1cb: {  	[tilespmem:s9], [sflag:$0x1] =	stream.linear.gather [hbm4b:s11+s1], $0x80, $0x38;
	[tilespmem:$0x18600] =	vst v63  }
0x1cc: {  	s5 =	sand.u32 $0x1FFFFFF0, s17;
	s18 =	sadd.s32 s4, s12  }
0x1cd: {  	[tilespmem:s13], [sflag:$0x1] =	stream.linear.gather [hbm4b:s18+s1], $0x80, $0x38;
	[tilespmem:$0x18600] =	vst v63  }
0x1ce: {  	s8 =	smov.u32 s16;
	s19 =	sadd.s32 $0x10D80, s21;
	s21 =	sadd.s32 s4, s5  }
0x1cf: {  	[tilespmem:s19], [sflag:$0x1] =	stream.linear.gather [hbm4b:s21+s1], $0x80, $0x38;
	[tilespmem:$0x18600] =	vst v63  }
0x1d0: {  	s22 =	sadd.s32 $0x10, s15;
	s21 =	sshra.s32 s8, $0x2  }
0x1d1: {  	p0 =	sne.s32 s16, $0x1E000;
	[smem:$0x7DA] =	sst s22;
	s23 =	sadd.s32 $0x980, s21  }
0x1d2: {  	s20 =	sadd.s32 $0x2000, s16;
	s24 =	sadd.s32 $0xA00, s21;
	[dreg:$0x1e] =	wrdreg s23  }
0x1d3: {  	s8 =	smov.u32 s20;
	v0 =	vld [tilespmem:s25+$0x0];
	s26 =	sadd.s32 $0xA80, s21;
	[dreg:$0x1a] =	wrdreg s24  }
0x1d4: {  	v1 =	vld [tilespmem:s14+$0x0];
	s14 =	sadd.s32 $0x10, s14;
	s28 =	sadd.s32 $0x8880, s21;
	[dreg:$0x14] =	wrdreg s26  }
0x1d5: {  	v3 =	vld [tilespmem:s15+$0x0];
	s5 =	sadd.s32 $0x10600, s21;
	s29 =	sadd.s32 $0x10A80, s21;
	[smem:$0x7DE] =	sst s28  }
0x1d6: {  	s11 =	sadd.s32 $0x8780, s21;
	s30 =	sadd.s32 $0x8800, s21;
	[dreg:$0x10] =	wrdreg s29  }
0x1d7: {  	s17 =	sadd.s32 $0x600, s21;
	s31 =	sadd.s32 $0x10800, s21;
	[smem:$0x7DB] =	sst s30  }
0x1d8: {  	s19 =	sadd.s32 $0x8600, s21;
	s2 =	sadd.s32 $0xB00, s21;
	[smem:$0x7DC] =	sst s31;
	v2 =	vshll.u32 v0, $0x4  }
0x1d9: {  	s16 =	sadd.s32 $0x10680, s21;
	s6 =	sadd.s32 $0x8900, s21;
	[dreg:$0xe] =	wrdreg s2;
	v1 =	vshll.u32 v1, $0x4;
	(v2sf) =	vpush v2, $0x0  }
0x1da: {  	s15 =	sadd.s32 $0x780, s21;
	s7 =	sadd.s32 $0x8B00, s21;
	[smem:$0x7E1] =	sst s6;
	v63 =	vshll.u32 v3, $0x4;
	(v2sf) =	vpush v1, $0x0  }
0x1db: {  	s13 =	sadd.s32 $0x10780, s21;
	s9 =	sadd.s32 $0x8A80, s21;
	[dreg:$0xa] =	wrdreg s7;
	(v2sf) =	vpush v63, $0x0  }
0x1dc: {  	s20 =	sadd.s32 $0x800, s21;
	s10 =	sadd.s32 $0x8A00, s21;
	[dreg:$0x18] =	wrdreg s9  }
0x1dd: {  	s12 =	sadd.s32 $0x10A00, s21;
	s18 =	sadd.s32 $0x880, s21;
	[smem:$0x7E5] =	sst s10  }
0x1de: {  	s22 =	sadd.s32 $0x8980, s21;
	s25 =	sadd.s32 $0x10, s25;
	[dreg:$0x1c] =	wrdreg s12;
	(v2sf) =	vpush v2, $0x1  }
0x1df: {  	s0 =	sadd.s32 $0xD00, s21;
	s30 =	sadd.s32 $0x680, s21;
	[smem:$0x7DD] =	sst s18  }
0x1e0: {  	s26 =	sadd.s32 $0x700, s21;
	[smem:$0x7E3] =	sst s22;
	s23 =	sadd.s32 $0x10980, s21  }
0x1e1: {  	s28 =	sadd.s32 $0x8700, s21;
	s24 =	sadd.s32 $0x10880, s21;
	[smem:$0x7E4] =	sst s23;
	(v2sf) =	vpush v1, $0x1  }
0x1e2: {  	s29 =	sadd.s32 $0x10900, s21;
	s6 =	sadd.s32 $0xC80, s21;
	[smem:$0x7DF] =	sst s24  }
0x1e3: {  	s7 =	sadd.s32 $0x8D80, s21;
	s31 =	sadd.s32 $0x8C00, s21;
	[smem:$0x7E2] =	sst s29;
	(v2sf) =	vpush v63, $0x1  }
0x1e4: {  	s22 =	sadd.s32 $0x10D00, s21;
	s2 =	sadd.s32 $0x10B80, s21;
	[dreg:$0x6] =	wrdreg s31  }
0x1e5: {  	s9 =	sadd.s32 $0xD80, s21;
	s10 =	sadd.s32 $0xC00, s21;
	[dreg:$0xc] =	wrdreg s2;
	(v2sf) =	vpush v2, $0x2  }
0x1e6: {  	s18 =	sadd.s32 $0x8680, s21;
	s12 =	sadd.s32 $0xB80, s21;
	[dreg:$0x8] =	wrdreg s10  }
0x1e7: {  	s29 =	sadd.s32 $0x10700, s21;
	[dreg:$0x16] =	wrdreg s12;
	s23 =	sadd.s32 $0x8B80, s21;
	(v2sf) =	vpush v1, $0x2  }
0x1e8: {  	s24 =	sadd.s32 $0x900, s21;
	[dreg:$0x12] =	wrdreg s23;
	s31 =	spop (v2sf)  }
0x1e9: {  	[smem:$0x7E0] =	sst s24;
	(v2sf) =	vpush v63, $0x2;
	s23 =	sand.u32 $0x1FFFFFF0, s31;
	s24 =	spop (v2sf)  }
0x1ea: {  	s12 =	sadd.s32 $0x8D00, s21;
	s23 =	sadd.s32 s3, s23;
	s31 =	spop (v2sf)  }
0x1eb: {  	(v2sf) =	vpush v2, $0x3;
	[tilespmem:s17], [sflag:$0x1] =	stream.linear.gather [hbm4b:s23+s1], $0x80, $0x38;
	[tilespmem:$0x18600] =	vst v63  }
0x1ec: {  	s2 =	sadd.s32 $0x10C80, s21;
	s24 =	sand.u32 $0x1FFFFFF0, s24;
	s23 =	sand.u32 $0x1FFFFFF0, s31  }
0x1ed: {  	s17 =	sadd.s32 $0x8C80, s21;
	s10 =	spop (v2sf);
	(v2sf) =	vpush v1, $0x3;
	s24 =	sadd.s32 s4, s24  }
0x1ee: {  	s31 =	sand.u32 $0x1FFFFFF0, s10;
	s10 =	sadd.s32 $0x10B00, s21;
	s23 =	sadd.s32 s4, s23  }
0x1ef: {  	(v2sf) =	vpush v63, $0x3;
	[tilespmem:s19], [sflag:$0x1] =	stream.linear.gather [hbm4b:s24+s1], $0x80, $0x38;
	[tilespmem:$0x18600] =	vst v63  }
0x1f0: {  	[smem:$0x7E6] =	sst s10;
	s24 =	sadd.s32 $0x10C00, s21;
	s10 =	spop (v2sf)  }
0x1f1: {  	(v2sf) =	vpush v2, $0x4;
	[tilespmem:s5], [sflag:$0x1] =	stream.linear.gather [hbm4b:s23+s1], $0x80, $0x38;
	[tilespmem:$0x18600] =	vst v63  }
0x1f2: {  	s19 =	sadd.s32 s3, s31;
	s31 =	sand.u32 $0x1FFFFFF0, s10;
	s10 =	spop (v2sf)  }
0x1f3: {  	[tilespmem:s30], [sflag:$0x1] =	stream.linear.gather [hbm4b:s19+s1], $0x80, $0x38;
	[tilespmem:$0x18600] =	vst v63  }
0x1f4: {  	s30 =	sadd.s32 s4, s31;
	s31 =	sand.u32 $0x1FFFFFF0, s10;
	s10 =	spop (v2sf)  }
0x1f5: {  	(v2sf) =	vpush v1, $0x4;
	[tilespmem:s18], [sflag:$0x1] =	stream.linear.gather [hbm4b:s30+s1], $0x80, $0x38;
	[tilespmem:$0x18600] =	vst v63  }
0x1f6: {  	s19 =	sand.u32 $0x1FFFFFF0, s10;
	s23 =	spop (v2sf);
	s18 =	sadd.s32 s4, s31  }
0x1f7: {  	(v2sf) =	vpush v63, $0x4;
	[tilespmem:s16], [sflag:$0x1] =	stream.linear.gather [hbm4b:s18+s1], $0x80, $0x38;
	[tilespmem:$0x18600] =	vst v63  }
0x1f8: {  	s30 =	sadd.s32 s3, s19;
	s31 =	sand.u32 $0x1FFFFFF0, s23;
	s10 =	spop (v2sf)  }
0x1f9: {  	(v2sf) =	vpush v2, $0x5;
	[tilespmem:s26], [sflag:$0x1] =	stream.linear.gather [hbm4b:s30+s1], $0x80, $0x38;
	[tilespmem:$0x18600] =	vst v63  }
0x1fa: {  	s19 =	sadd.s32 s4, s31;
	s23 =	sand.u32 $0x1FFFFFF0, s10;
	s26 =	spop (v2sf)  }
0x1fb: {  	(v2sf) =	vpush v1, $0x5;
	[tilespmem:s28], [sflag:$0x1] =	stream.linear.gather [hbm4b:s19+s1], $0x80, $0x38;
	[tilespmem:$0x18600] =	vst v63  }
0x1fc: {  	s30 =	sadd.s32 s4, s23;
	s31 =	sand.u32 $0x1FFFFFF0, s26;
	s10 =	spop (v2sf)  }
0x1fd: {  	[tilespmem:s29], [sflag:$0x1] =	stream.linear.gather [hbm4b:s30+s1], $0x80, $0x38;
	[tilespmem:$0x18600] =	vst v63  }
0x1fe: {  	(v2sf) =	vpush v63, $0x5;
	s16 =	sadd.s32 s3, s31;
	s18 =	sand.u32 $0x1FFFFFF0, s10;
	s19 =	spop (v2sf)  }
0x1ff: {  	(v2sf) =	vpush v2, $0x6;
	[tilespmem:s15], [sflag:$0x1] =	stream.linear.gather [hbm4b:s16+s1], $0x80, $0x38;
	[tilespmem:$0x18600] =	vst v63  }
0x200: {  	s23 =	sadd.s32 s4, s18;
	s26 =	sand.u32 $0x1FFFFFF0, s19;
	s28 =	spop (v2sf)  }
0x201: {  	(v2sf) =	vpush v1, $0x6;
	[tilespmem:s11], [sflag:$0x1] =	stream.linear.gather [hbm4b:s23+s1], $0x80, $0x38;
	[tilespmem:$0x18600] =	vst v63  }
0x202: {  	s18 =	smov.u32 s6;
	(v2sf) =	vpush v63, $0x6;
	s29 =	sadd.s32 s4, s26;
	s30 =	sand.u32 $0x1FFFFFF0, s28  }
0x203: {  	[tilespmem:s13], [sflag:$0x1] =	stream.linear.gather [hbm4b:s29+s1], $0x80, $0x38;
	[tilespmem:$0x18600] =	vst v63  }
0x204: {  	s16 =	smov.u32 s8;
	s31 =	spop (v2sf);
	(v2sf) =	vpush v2, $0x7;
	s6 =	sadd.s32 s3, s30  }
0x205: {  	[tilespmem:s20], [sflag:$0x1] =	stream.linear.gather [hbm4b:s6+s1], $0x80, $0x38;
	[tilespmem:$0x18600] =	vst v63  }
0x206: {  	s8 =	sand.u32 $0x1FFFFFF0, s31;
	s10 =	spop (v2sf);
	s20 =	sld [smem:$0x7DB]  }
0x207: {  	s15 =	sld [smem:$0x7DA];
	s11 =	sadd.s32 s4, s8;
	(v2sf) =	vpush v1, $0x7;
	s13 =	sand.u32 $0x1FFFFFF0, s10  }
0x208: {  	s19 =	spop (v2sf);
	s29 =	sld [smem:$0x7DC];
	s23 =	sadd.s32 s4, s13  }
0x209: {  	(v2sf) =	vpush v63, $0x7;
	[tilespmem:s20], [sflag:$0x1] =	stream.linear.gather [hbm4b:s11+s1], $0x80, $0x38;
	[tilespmem:$0x18600] =	vst v63  }
0x20a: {  	s26 =	sand.u32 $0x1FFFFFF0, s19;
	s13 =	smov.u32 s7;
	s28 =	spop (v2sf)  }
0x20b: {  	s30 =	sadd.s32 s3, s26;
	s11 =	sld [smem:$0x7DD];
	s31 =	sand.u32 $0x1FFFFFF0, s28  }
0x20c: {  	[tilespmem:s29], [sflag:$0x1] =	stream.linear.gather [hbm4b:s23+s1], $0x80, $0x38;
	[tilespmem:$0x18600] =	vst v63  }
0x20d: {  	s26 =	sld [smem:$0x7DE];
	(v2sf) =	vpush v2, $0x8;
	s7 =	spop (v2sf);
	s19 =	sadd.s32 s4, s31  }
0x20e: {  	s31 =	sld [smem:$0x7DF];
	s20 =	sand.u32 $0x1FFFFFF0, s7;
	s23 =	spop (v2sf)  }
0x20f: {  	(v2sf) =	vpush v1, $0x8;
	[tilespmem:s11], [sflag:$0x1] =	stream.linear.gather [hbm4b:s30+s1], $0x80, $0x38;
	[tilespmem:$0x18600] =	vst v63  }
0x210: {  	s28 =	sadd.s32 s4, s20;
	s29 =	sand.u32 $0x1FFFFFF0, s23;
	s30 =	spop (v2sf)  }
0x211: {  	(v2sf) =	vpush v63, $0x8;
	s11 =	sld [smem:$0x7E0];
	s8 =	sand.u32 $0x1FFFFFF0, s30;
	s10 =	spop (v2sf)  }
0x212: {  	[tilespmem:s26], [sflag:$0x1] =	stream.linear.gather [hbm4b:s19+s1], $0x80, $0x38;
	[tilespmem:$0x18600] =	vst v63  }
0x213: {  	s7 =	sadd.s32 s3, s29;
	s19 =	sadd.s32 s4, s8;
	s23 =	spop (v2sf)  }
0x214: {  	(v2sf) =	vpush v2, $0x9;
	s20 =	sand.u32 $0x1FFFFFF0, s10;
	s26 =	sld [smem:$0x7E1];
	s29 =	sand.u32 $0x1FFFFFF0, s23  }
0x215: {  	(v2sf) =	vpush v1, $0x9;
	[tilespmem:s31], [sflag:$0x1] =	stream.linear.gather [hbm4b:s28+s1], $0x80, $0x38;
	[tilespmem:$0x18600] =	vst v63  }
0x216: {  	s28 =	sadd.s32 s4, s20;
	s31 =	sld [smem:$0x7E2];
	s30 =	spop (v2sf)  }
0x217: {  	(v2sf) =	vpush v63, $0x9;
	[tilespmem:s11], [sflag:$0x1] =	stream.linear.gather [hbm4b:s7+s1], $0x80, $0x38;
	[tilespmem:$0x18600] =	vst v63  }
0x218: {  	s6 =	sadd.s32 s3, s29;
	s7 =	sand.u32 $0x1FFFFFF0, s30;
	s10 =	spop (v2sf)  }
0x219: {  	(v2sf) =	vpush v2, $0xA;
	[tilespmem:s26], [sflag:$0x1] =	stream.linear.gather [hbm4b:s19+s1], $0x80, $0x38;
	[tilespmem:$0x18600] =	vst v63  }
0x21a: {  	s11 =	rddreg [dreg:$0x1e];
	s20 =	sand.u32 $0x1FFFFFF0, s10;
	s19 =	sadd.s32 s4, s7  }
0x21b: {  	[tilespmem:s31], [sflag:$0x1] =	stream.linear.gather [hbm4b:s28+s1], $0x80, $0x38;
	[tilespmem:$0x18600] =	vst v63  }
0x21c: {  	s26 =	sld [smem:$0x7E3];
	s28 =	sadd.s32 s4, s20;
	s23 =	spop (v2sf)  }
0x21d: {  	(v2sf) =	vpush v1, $0xA;
	[tilespmem:s11], [sflag:$0x1] =	stream.linear.gather [hbm4b:s6+s1], $0x80, $0x38;
	[tilespmem:$0x18600] =	vst v63  }
0x21e: {  	s31 =	sld [smem:$0x7E4];
	s29 =	sand.u32 $0x1FFFFFF0, s23;
	s30 =	spop (v2sf)  }
0x21f: {  	(v2sf) =	vpush v63, $0xA;
	[tilespmem:s26], [sflag:$0x1] =	stream.linear.gather [hbm4b:s19+s1], $0x80, $0x38;
	[tilespmem:$0x18600] =	vst v63  }
0x220: {  	s11 =	rddreg [dreg:$0x1a];
	s6 =	sadd.s32 s3, s29;
	s10 =	spop (v2sf)  }
0x221: {  	(v2sf) =	vpush v2, $0xB;
	s7 =	sand.u32 $0x1FFFFFF0, s30;
	s26 =	sld [smem:$0x7E5];
	s20 =	sand.u32 $0x1FFFFFF0, s10  }
0x222: {  	(v2sf) =	vpush v1, $0xB;
	[tilespmem:s31], [sflag:$0x1] =	stream.linear.gather [hbm4b:s28+s1], $0x80, $0x38;
	[tilespmem:$0x18600] =	vst v63  }
0x223: {  	s19 =	sadd.s32 s4, s7;
	s23 =	spop (v2sf);
	s28 =	sadd.s32 s4, s20  }
0x224: {  	s29 =	sand.u32 $0x1FFFFFF0, s23;
	s30 =	spop (v2sf);
	s31 =	rddreg [dreg:$0x1c]  }
0x225: {  	[tilespmem:s11], [sflag:$0x1] =	stream.linear.gather [hbm4b:s6+s1], $0x80, $0x38;
	[tilespmem:$0x18600] =	vst v63  }
0x226: {  	s7 =	sand.u32 $0x1FFFFFF0, s30;
	s10 =	spop (v2sf);
	s6 =	sadd.s32 s3, s29  }
0x227: {  	[tilespmem:s26], [sflag:$0x1] =	stream.linear.gather [hbm4b:s19+s1], $0x80, $0x38;
	[tilespmem:$0x18600] =	vst v63  }
0x228: {  	(v2sf) =	vpush v63, $0xB;
	s11 =	rddreg [dreg:$0x14];
	s20 =	sand.u32 $0x1FFFFFF0, s10;
	s23 =	spop (v2sf)  }
0x229: {  	[tilespmem:s31], [sflag:$0x1] =	stream.linear.gather [hbm4b:s28+s1], $0x80, $0x38;
	[tilespmem:$0x18600] =	vst v63  }
0x22a: {  	(v2sf) =	vpush v2, $0xC;
	s19 =	sadd.s32 s4, s7;
	s26 =	rddreg [dreg:$0x18];
	s29 =	sand.u32 $0x1FFFFFF0, s23  }
0x22b: {  	[tilespmem:s11], [sflag:$0x1] =	stream.linear.gather [hbm4b:s6+s1], $0x80, $0x38;
	[tilespmem:$0x18600] =	vst v63  }
0x22c: {  	s30 =	spop (v2sf);
	s28 =	sadd.s32 s4, s20;
	s31 =	rddreg [dreg:$0x10]  }
0x22d: {  	[tilespmem:s26], [sflag:$0x1] =	stream.linear.gather [hbm4b:s19+s1], $0x80, $0x38;
	[tilespmem:$0x18600] =	vst v63  }
0x22e: {  	(v2sf) =	vpush v1, $0xC;
	s7 =	sand.u32 $0x1FFFFFF0, s30;
	s6 =	sadd.s32 s3, s29;
	s10 =	spop (v2sf)  }
0x22f: {  	[tilespmem:s31], [sflag:$0x1] =	stream.linear.gather [hbm4b:s28+s1], $0x80, $0x38;
	[tilespmem:$0x18600] =	vst v63  }
0x230: {  	(v2sf) =	vpush v63, $0xC;
	s11 =	rddreg [dreg:$0xe];
	s19 =	sadd.s32 s4, s7;
	s23 =	spop (v2sf)  }
0x231: {  	(v2sf) =	vpush v2, $0xD;
	s26 =	rddreg [dreg:$0xa];
	s20 =	sand.u32 $0x1FFFFFF0, s10;
	s30 =	spop (v2sf)  }
0x232: {  	[tilespmem:s11], [sflag:$0x1] =	stream.linear.gather [hbm4b:s6+s1], $0x80, $0x38;
	[tilespmem:$0x18600] =	vst v63  }
0x233: {  	(v2sf) =	vpush v1, $0xD;
	s28 =	sadd.s32 s4, s20;
	s31 =	sld [smem:$0x7E6];
	s10 =	sand.u32 $0x1FFFFFF0, s30  }
0x234: {  	[tilespmem:s26], [sflag:$0x1] =	stream.linear.gather [hbm4b:s19+s1], $0x80, $0x38;
	[tilespmem:$0x18600] =	vst v63  }
0x235: {  	s29 =	sand.u32 $0x1FFFFFF0, s23;
	s20 =	sadd.s32 s4, s10;
	s10 =	rddreg [dreg:$0xc]  }
0x236: {  	[tilespmem:s31], [sflag:$0x1] =	stream.linear.gather [hbm4b:s28+s1], $0x80, $0x38;
	[tilespmem:$0x18600] =	vst v63  }
0x237: {  	s8 =	sadd.s32 s3, s29;
	s11 =	spop (v2sf);
	s19 =	rddreg [dreg:$0x16]  }
0x238: {  	[tilespmem:s19], [sflag:$0x1] =	stream.linear.gather [hbm4b:s8+s1], $0x80, $0x38;
	[tilespmem:$0x18600] =	vst v63  }
0x239: {  	s23 =	sand.u32 $0x1FFFFFF0, s11;
	s26 =	spop (v2sf);
	s28 =	rddreg [dreg:$0x12]  }
0x23a: {  	[tilespmem:s28], [sflag:$0x1] =	stream.linear.gather [hbm4b:s20+s1], $0x80, $0x38;
	[tilespmem:$0x18600] =	vst v63  }
0x23b: {  	s29 =	sadd.s32 s4, s23;
	s23 =	rddreg [dreg:$0x8];
	s30 =	sand.u32 $0x1FFFFFF0, s26  }
0x23c: {  	[tilespmem:s10], [sflag:$0x1] =	stream.linear.gather [hbm4b:s29+s1], $0x80, $0x38;
	[tilespmem:$0x18600] =	vst v63  }
0x23d: {  	(v2sf) =	vpush v63, $0xD;
	s31 =	spop (v2sf);
	s11 =	sadd.s32 s3, s30;
	s30 =	rddreg [dreg:$0x6]  }
0x23e: {  	(v2sf) =	vpush v2, $0xE;
	[tilespmem:s23], [sflag:$0x1] =	stream.linear.gather [hbm4b:s11+s1], $0x80, $0x38;
	[tilespmem:$0x18600] =	vst v63  }
.Ltmp2:
0x23f: {  	(v2sf) =	vpush v1, $0xE;
	s19 =	sand.u32 $0x1FFFFFF0, s31;
	s20 =	spop (v2sf);
	(pc) =	sbr.rel @p0 .LBB2_6-.Ltmp2, $4  }
0x240: {  	(v2sf) =	vpush v63, $0xE;
	s26 =	sadd.s32 s4, s19;
	s28 =	sand.u32 $0x1FFFFFF0, s20;
	s29 =	spop (v2sf)  }
0x241: {  	(v2sf) =	vpush v2, $0xF;
	[tilespmem:s30], [sflag:$0x1] =	stream.linear.gather [hbm4b:s26+s1], $0x80, $0x38;
	[tilespmem:$0x18600] =	vst v63  }
0x242: {  	(v2sf) =	vpush v1, $0xF;
	s31 =	sadd.s32 s4, s28;
	s5 =	sand.u32 $0x1FFFFFF0, s29;
	s6 =	spop (v2sf)  }
0x243: {  	(v2sf) =	vpush v63, $0xF;
	[tilespmem:s24], [sflag:$0x1] =	stream.linear.gather [hbm4b:s31+s1], $0x80, $0x38;
	[tilespmem:$0x18600] =	vst v63  }
0x244: {  	_ =	sdelay $0x3  }
0x245: {  	s5 =	sadd.s32 s3, s5;
	s6 =	sand.u32 $0x1FFFFFF0, s6  }
0x246: {  	[tilespmem:s18], [sflag:$0x1] =	stream.linear.gather [hbm4b:s5+s1], $0x80, $0x38;
	[tilespmem:$0x18600] =	vst v63  }
0x247: {  	s29 =	sadd.s32 s4, s6  }
0x248: {  	[tilespmem:s17], [sflag:$0x1] =	stream.linear.gather [hbm4b:s29+s1], $0x80, $0x38;
	[tilespmem:$0x18600] =	vst v63  }
0x249: {  	s7 =	spop (v2sf)  }
0x24a: {  	s30 =	sand.u32 $0x1FFFFFF0, s7;
	s31 =	spop (v2sf)  }
0x24b: {  	s8 =	sadd.s32 s4, s30;
	s10 =	sand.u32 $0x1FFFFFF0, s31;
	s11 =	spop (v2sf)  }
0x24c: {  	[tilespmem:s2], [sflag:$0x1] =	stream.linear.gather [hbm4b:s8+s1], $0x80, $0x38;
	[tilespmem:$0x18600] =	vst v63  }
0x24d: {  	s14 =	sadd.s32 s3, s10;
	s15 =	sand.u32 $0x1FFFFFF0, s11;
	s16 =	spop (v2sf)  }
0x24e: {  	[tilespmem:s0], [sflag:$0x1] =	stream.linear.gather [hbm4b:s14+s1], $0x80, $0x38;
	[tilespmem:$0x18600] =	vst v63  }
0x24f: {  	s17 =	sadd.s32 s4, s15;
	s18 =	sand.u32 $0x1FFFFFF0, s16;
	s19 =	spop (v2sf)  }
0x250: {  	[tilespmem:s12], [sflag:$0x1] =	stream.linear.gather [hbm4b:s17+s1], $0x80, $0x38;
	[tilespmem:$0x18600] =	vst v63  }
0x251: {  	s20 =	sadd.s32 s4, s18;
	s23 =	sand.u32 $0x1FFFFFF0, s19;
	s24 =	spop (v2sf)  }
0x252: {  	[tilespmem:s22], [sflag:$0x1] =	stream.linear.gather [hbm4b:s20+s1], $0x80, $0x38;
	[tilespmem:$0x18600] =	vst v63  }
0x253: {  	s25 =	sadd.s32 s3, s23;
	s26 =	sand.u32 $0x1FFFFFF0, s24;
	s28 =	spop (v2sf)  }
0x254: {  	[tilespmem:s9], [sflag:$0x1] =	stream.linear.gather [hbm4b:s25+s1], $0x80, $0x38;
	[tilespmem:$0x18600] =	vst v63  }
0x255: {  	s29 =	sadd.s32 s4, s26;
	s30 =	sand.u32 $0x1FFFFFF0, s28  }
0x256: {  	[tilespmem:s13], [sflag:$0x1] =	stream.linear.gather [hbm4b:s29+s1], $0x80, $0x38;
	[tilespmem:$0x18600] =	vst v63  }
0x257: {  	s31 =	sadd.s32 $0x10D80, s21;
	s2 =	sadd.s32 s4, s30  }
0x258: {  	[tilespmem:s31], [sflag:$0x1] =	stream.linear.gather [hbm4b:s2+s1], $0x80, $0x38;
	[tilespmem:$0x18600] =	vst v63  }
0x259: {  	s2 =	simm.s32 $0x1  }
0x25a: {  	_ =	swait.ge [sflag:s2], $0x80  }
0x25b: {  	[sflag:s2] =	ssyncset.done $0x0  }
0x25c: {  	[sflag:s2] =	ssyncadd.s32 $0xFFFFFF80  }
0x25d: {  	_ =	swait.ge [sflag:s2], $0x80  }
0x25e: {  	[sflag:s2] =	ssyncset.done $0x0  }
0x25f: {  	[sflag:s2] =	ssyncadd.s32 $0xFFFFFF80  }
0x260: {  	_ =	swait.ge [sflag:s2], $0x80  }
0x261: {  	s0 =	simm.s32 $0xFF;
	[sflag:s2] =	ssyncset.done $0x0  }
.LBB2_8:
0x262: {  	p0 =	sne.s32 s0, $0x1;
	s0 =	sadd.s32 $0xFFFFFFFF, s0;
	[sflag:s2] =	ssyncadd.s32 $0xFFFFFF80  }
0x263: {  	_ =	swait.ge [sflag:s2], $0x80  }
0x264: {  	[sflag:s2] =	ssyncset.done $0x0  }
0x265: {  	[sflag:s2] =	ssyncadd.s32 $0xFFFFFF80  }
.Ltmp3:
0x266: {  	_ =	swait.ge [sflag:s2], $0x80;
	(pc) =	sbr.rel @p0 .LBB2_8-.Ltmp3, $4  }
0x267: {  	[sflag:s2] =	ssyncset.done $0x0  }
0x268: {  	[sflag:s2] =	ssyncadd.s32 $0xFFFFFF80  }
0x269: {  	_ =	swait.ge [sflag:s2], $0x80  }
0x26a: {  	[sflag:s2] =	ssyncset.done $0x0  }
0x26b: {  	s0 =	sld [smem:$0x7FA];
	_ =	sdelay $0x1  }
0x26c: {  	[sflag:s2] =	ssyncadd.s32 $0xFFFFFF80;
	s24 =	simm.s32 $0x600;
	s6 =	simm.s32 $0x2  }
0x26d: {  	[hbm4b:s0+s1] =	stream.linear.scatter [tilespmem:s24], [sflag:$0x2], $0x8000, $0x38;
	[tilespmem:$0x18600] =	vst v63  }
0x26e: {  	_ =	swait.ge [sflag:s6], $0x8000  }
0x26f: {  	s25 =	sld [smem:$0x7FB]  }
0x270: {  	[sflag:s6] =	ssyncset.done $0x0  }
0x271: {  	s26 =	simm.s32 $0x8600;
	[sflag:s6] =	ssyncadd.s32 $0xFFFF8000  }
0x272: {  	[hbm4b:s25+s1] =	stream.linear.scatter [tilespmem:s26], [sflag:$0x2], $0x8000, $0x38;
	[tilespmem:$0x18600] =	vst v63  }
0x273: {  	_ =	swait.ge [sflag:s6], $0x8000  }
0x274: {  	s28 =	sld [smem:$0x7FC]  }
0x275: {  	[sflag:s6] =	ssyncset.done $0x0  }
0x276: {  	s29 =	simm.s32 $0x10600;
	[sflag:s6] =	ssyncadd.s32 $0xFFFF8000  }
0x277: {  	[hbm4b:s28+s1] =	stream.linear.scatter [tilespmem:s29], [sflag:$0x2], $0x8000, $0x38;
	[tilespmem:$0x18600] =	vst v63  }
0x278: {  	_ =	swait.ge [sflag:s6], $0x8000  }
0x279: {  	s30 =	sld [smem:$0x7F3]  }
0x27a: {  	s31 =	sld [smem:$0x7FD];
	_ =	sdelay $0x1  }
0x27b: {  	s2 =	sadd.s32 $0x1, s30  }
0x27c: {  	p0 =	sne.s32 s2, s31  }
.Ltmp4:
0x27d: {  	_ = 	snop;
	(pc) =	sbr.rel @p0 .LBB2_1-.Ltmp4, $3  }
0x27e: {  	_ =	sdelay $0x1  }
0x27f: {  	[sflag:s6] =	ssyncset.done $0x0  }
0x280: {  	[sflag:s6] =	ssyncadd.s32 $0xFFFF8000  }
0x281: {  	_ =	sfence.sel $0x180000  }
0x282: {  	[bflag:$0x0] =	sbarrier.arrive $0xFFFF  }
0x283: {  	_ =	strace $0x90000047  }
0x284: {  	s0 =	stileid.u32;
	[bflag:$0x2] =	sbarrier.arrive $0xFFFF  }
0x285: {  	p0 =	sne.s32 s0, $0x0;
	s0 =	rddreg [dreg:$0x4]  }
0x286: {  	s0 =	sadd.s32 @!p0 $0x100000, s0  }
0x287: {  	[sflag:s0] =	ssyncadd.tile.s32 @!p0 $0x1;
	_ =	shalt  }
.Lfunc_end2:
_tile_overlayer_lowered:
.L_overlay_start_2:
0x288: {  	(tag) =	ssettag $0x2  }
0x289: {  	s0 =	rddreg [dreg:$0x0];
	s2 =	stileid.u32  }
0x28a: {  	s1 =	rddreg [dreg:$0x1];
	p0 =	sne.s32 s2, $0x0  }
0x28b: {  	s3 =	rddreg [dreg:$0x2];
	[bflag:$0x3] =	sbarrier.arrive $0xFFFF;
	s2 =	simm.s32 @!p0 $0x1C02  }
0x28c: {  	[timem:s3], [sflag:s2] =	dma.local @!p0 [hbm:s0], s1  }
0x28d: {  	s0 =	simm.s32 @!p0 $0x2  }
0x28e: {  	_ =	swait.ge @!p0 [sflag:s0], s1  }
0x28f: {  	s1 =	ssub.s32 @!p0 $0x0, s1;
	[sflag:s0] =	ssyncset.done @!p0 $0x0  }
0x290: {  	[sflag:s0] =	ssyncadd.s32 @!p0 s1  }
0x291: {  	[bflag:$0x3] =	sbarrier.arrive $0xFFFF  }
0x292: {  	_ =	shalt  }

</sc_bundles>
